<compile_context>
chip_gen: v7x
topology: tpu7x:2x2x1
jax: 0.10.2.dev20260603
libtpu: 0.0.44.dev20260713+nightly
codegen_flags: <defaults>
</compile_context>

<pallas_src>
import functools

import jax
import jax.numpy as jnp
from jax import lax
from jax.experimental import pallas as pl
from jax.experimental.pallas import tpu as pltpu
from jax.experimental.pallas import tpu_sc as plsc

NSPLITS = 8
ALIGN = 128
LANES = 16
CB = 16
NBUF = 3
NW = 32


@functools.cache
def _make_dispatch(in_len, out_len, d):
    rows_per_w = in_len // NW
    nchunks = rows_per_w // CB
    assert rows_per_w % CB == 0 and nchunks >= NBUF
    mesh = plsc.VectorSubcoreMesh(core_axis_name="c", subcore_axis_name="s")

    @functools.partial(
        pl.kernel,
        out_type=jax.ShapeDtypeStruct((out_len, d), jnp.float32),
        mesh=mesh,
        scratch_types=[
            pltpu.VMEM((LANES,), jnp.int32),
            pltpu.VMEM((CB, d), jnp.float32),
            pltpu.VMEM((CB, d), jnp.float32),
            pltpu.VMEM((CB, d), jnp.float32),
            pltpu.SemaphoreType.DMA,
            pltpu.SemaphoreType.DMA,
            pltpu.SemaphoreType.DMA,
            pltpu.SemaphoreType.DMA,
            pltpu.SemaphoreType.DMA,
            pltpu.SemaphoreType.DMA,
        ],
    )
    def dispatch(inp_h, out_h, splits_h, res_h, splits_v, b0, b1, b2,
                 g0, g1, g2, s0, s1, s2):
        wid = lax.axis_index("s") * 2 + lax.axis_index("c")
        pltpu.sync_copy(splits_h, splits_v)
        sv = splits_v[...]

        ends, dends, onexts, shifts = [], [], [], []
        end_acc = jnp.int32(0)
        off_acc = jnp.int32(0)
        for e in range(NSPLITS):
            s = sv[e]
            shifts.append(off_acc - end_acc)
            end_acc = end_acc + s
            ends.append(end_acc)
            dends.append(off_acc + s)
            off_acc = off_acc + ((s + (ALIGN - 1)) & jnp.int32(-ALIGN))
            onexts.append(off_acc)
        onexts[NSPLITS - 1] = jnp.int32(out_len)

        lane = lax.broadcasted_iota(jnp.int32, (LANES,), 0)
        bufs = (b0, b1, b2)
        gsems = (g0, g1, g2)
        ssems = (s0, s1, s2)
        wlo = wid * rows_per_w

        def gwait(p):
            pltpu.make_async_copy(
                inp_h.at[pl.ds(0, CB)], bufs[p], gsems[p]).wait()

        def swait(p):
            pltpu.make_async_copy(
                bufs[p], res_h.at[pl.ds(0, CB)], ssems[p]).wait()

        def gissue(k, p):
            base = pl.multiple_of(wlo + k * CB, CB)
            pltpu.async_copy(inp_h.at[pl.ds(base, CB)], bufs[p], gsems[p])

        gissue(0, 0)

        def chunk(k, carry):
            r = wlo + k * CB + lane
            sh = jnp.full((LANES,), shifts[0], jnp.int32)
            for e in range(1, NSPLITS):
                sh = jnp.where(r >= ends[e - 1], shifts[e], sh)
            idx = r + sh
            for p in range(NBUF):
                @pl.when(k % NBUF == p)
                def _go(p=p):
                    gwait(p)
                    pltpu.async_copy(bufs[p], res_h.at[idx], ssems[p])

            @pl.when(k + 1 < nchunks)
            def _prefetch():
                for p in range(NBUF):
                    @pl.when((k + 1) % NBUF == p)
                    def _gi(p=p):
                        @pl.when(k >= 2)
                        def _sw():
                            swait(p)
                        base2 = pl.multiple_of(wlo + (k + 1) * CB, CB)
                        pltpu.async_copy(
                            inp_h.at[pl.ds(base2, CB)], bufs[p], gsems[p])
            return carry

        lax.fori_loop(0, nchunks, chunk, 0)
        swait((nchunks - 3) % NBUF)
        swait((nchunks - 2) % NBUF)
        swait((nchunks - 1) % NBUF)

        gpre = [jnp.int32(0)]
        for e in range(NSPLITS):
            gpre.append(gpre[-1] + jnp.maximum(onexts[e] - dends[e], 0))
        gtot = gpre[-1]
        share = (gtot + NW - 1) // NW
        zl = wid * share
        zh = jnp.minimum(zl + share, gtot)

        @pl.when(zh > zl)
        def _zload():
            pltpu.sync_copy(out_h.at[pl.ds(0, CB)], b0)

        zc = jnp.int32(0)
        for e in range(NSPLITS):
            lo = jnp.maximum(zl, gpre[e])
            hi = jnp.minimum(zh, gpre[e + 1])
            cnt = jnp.maximum(hi - lo, 0)
            dstbase = dends[e] + (lo - gpre[e])
            nzc = (cnt + CB - 1) // CB

            def zissue(i, c, dstbase=dstbase, cnt=cnt):
                idxz = jnp.minimum(dstbase + i * CB + lane,
                                   dstbase + cnt - 1)
                pltpu.async_copy(b0, res_h.at[idxz], s2)
                return c

            lax.fori_loop(0, nzc, zissue, 0)
            zc = zc + nzc

        def zdrain(i, c):
            pltpu.make_async_copy(b0, res_h.at[pl.ds(0, CB)], s2).wait()
            return c

        lax.fori_loop(0, zc, zdrain, 0)

    return dispatch


def kernel(inp, out, in_splits, out_splits_offsets):
    splits16 = jnp.zeros((LANES,), jnp.int32).at[:NSPLITS].set(
        in_splits.astype(jnp.int32))
    f = _make_dispatch(inp.shape[0], out.shape[0], inp.shape[1])
    return f(inp, out, splits16)

# --- scband reference (transcript-rebuilt; emitter-appended) ---
"""Pipeline reference for scband-token-dispatcher-41893111005469 (READ-ONLY COPY).

The authoritative reference and input builder live on the scoring server;
editing this copy changes nothing except your own understanding.
"""

import jax, jax.numpy as jnp
import numpy as np

NSPLITS = 8       # num_ranks(1) * num_local_experts(8)
ALIGN = 128       # major_align for grouped-GEMM friendly offsets
IN_LEN = 8192
OUT_LEN = 9216
D = 2048
# Concrete per-expert token counts (sum == IN_LEN). These play the role of the
# router-produced in_splits for the single-rank simulation of all_to_all_vdev_2d.
SPLITS = np.array([900, 1100, 1024, 1024, 700, 1348, 1200, 896], dtype=np.int64)


def _plan_out_offsets(splits, align):
    """Compute aligned output offsets exactly like all_to_all_vdev_2d: each
    expert chunk starts at the previous end rounded up to `align`."""
    out_offsets = np.zeros(len(splits), dtype=np.int64)
    cur = 0
    for e in range(len(splits)):
        out_offsets[e] = cur
        cur = ((cur + int(splits[e]) + align - 1) // align) * align
    return out_offsets


def setup_inputs(seed: int = 0) -> dict:
    key = jax.random.key(seed)
    k1, k2 = jax.random.split(key)
    inp = jax.random.normal(k1, (IN_LEN, D), dtype=jnp.float32)
    out = jnp.zeros((OUT_LEN, D), dtype=jnp.float32)  # symmetric output buffer
    in_splits = jnp.asarray(SPLITS)
    out_splits_offsets = jnp.zeros((2, NSPLITS), dtype=jnp.int64)  # written by op
    return {"inp": inp, "out": out, "in_splits": in_splits,
            "out_splits_offsets": out_splits_offsets}


def reference(inp, out, in_splits, out_splits_offsets):
    # Single-rank semantics of all_to_all_vdev_2d: with num_ranks == 1 the
    # [rank][expert] -> [expert][rank] shuffle is an identity grouping, so the
    # op reduces to copying each expert's contiguous token chunk into the
    # output buffer at a major_align-aligned offset (padding left as zeros).
    splits = in_splits
    ends = jnp.cumsum(splits)
    starts = ends - splits

    def step(cur, s):
        nxt = ((cur + s + ALIGN - 1) // ALIGN) * ALIGN
        return nxt, cur

    _, out_offsets = jax.lax.scan(
        step, jnp.zeros((), dtype=splits.dtype), splits)
    pos = jnp.arange(inp.shape[0], dtype=splits.dtype)
    expert = jnp.searchsorted(ends, pos, side='right')
    dst_idx = out_offsets[expert] + (pos - starts[expert])
    # scatter-overwrite: dispatch tokens into aligned per-expert regions
    result = out.at[dst_idx].set(inp)
    return result

if __name__ == "__main__":
    import jax
    _d = setup_inputs()
    print(jax.jit(kernel)(*tuple(_d.values())))

</pallas_src>

<mosaic_0001>
#map = affine_map<(d0, d1) -> (0, 0)>
#map1 = affine_map<(d0, d1) -> (0)>
module attributes {stable_mosaic.version = 14 : i64} {
  func.func @dispatch(%arg0: i32, %arg1: i32, %arg2: memref<8192x2048xf32, #tpu.memory_space<hbm>>, %arg3: memref<9216x2048xf32, #tpu.memory_space<hbm>>, %arg4: memref<16xi32, #tpu.memory_space<hbm>>, %arg5: memref<9216x2048xf32, #tpu.memory_space<hbm>>, %arg6: memref<16xi32, #tpu.memory_space<vmem>>, %arg7: memref<16x2048xf32, #tpu.memory_space<vmem>>, %arg8: memref<16x2048xf32, #tpu.memory_space<vmem>>, %arg9: memref<16x2048xf32, #tpu.memory_space<vmem>>, %arg10: memref<!tpu.dma_semaphore, #tpu.memory_space<semaphore_mem>>, %arg11: memref<!tpu.dma_semaphore, #tpu.memory_space<semaphore_mem>>, %arg12: memref<!tpu.dma_semaphore, #tpu.memory_space<semaphore_mem>>, %arg13: memref<!tpu.dma_semaphore, #tpu.memory_space<semaphore_mem>>, %arg14: memref<!tpu.dma_semaphore, #tpu.memory_space<semaphore_mem>>, %arg15: memref<!tpu.dma_semaphore, #tpu.memory_space<semaphore_mem>>) attributes {dimension_semantics = [#tpu.dimension_semantics<core_parallel>, #tpu.dimension_semantics<subcore_parallel>], iteration_bounds = array<i64: 2, 16>, scalar_prefetch = 0 : i64, scratch_operands = 10 : i64, tpu.core_type = #tpu.core_type<sc_vector_subcore>, window_params = [{transform_indices = #map}, {transform_indices = #map}, {transform_indices = #map1}, {transform_indices = #map}]} {
    %mul3A = arith.constant 2 : i32
    %mul3A_0 = arith.muli %arg1, %mul3A : i32
    %add3A = arith.addi %mul3A_0, %arg0 : i32
    "tpu.region"() ({
      %run_scoped3A = tpu.sem_alloc : memref<!tpu.dma_semaphore, #tpu.memory_space<semaphore_mem>>
      tpu.enqueue_dma source(%arg4 : memref<16xi32, #tpu.memory_space<hbm>>) target(%arg6 : memref<16xi32, #tpu.memory_space<vmem>>) target_semaphore(%run_scoped3A : memref<!tpu.dma_semaphore, #tpu.memory_space<semaphore_mem>>)
      tpu.wait_dma2 semaphore(%run_scoped3A : memref<!tpu.dma_semaphore, #tpu.memory_space<semaphore_mem>>) src(%arg4 : memref<16xi32, #tpu.memory_space<hbm>>) dst(%arg6 : memref<16xi32, #tpu.memory_space<vmem>>)
      tpu.yield
    }) : () -> ()
    %get3A = arith.constant 0 : index
    %get3A_1 = tpu.vector_load %arg6[%get3A] {strides = array<i32>} : memref<16xi32, #tpu.memory_space<vmem>>, vector<16xi32>,
    %get3A_2 = vector.shape_cast %get3A_1 : vector<16xi32> to vector<16xi32>
    %slice3A = vector.extract_strided_slice %get3A_2 {offsets = [0], sizes = [1], strides = [1]} : vector<16xi32> to vector<1xi32>
    %squeeze3A = vector.extract %slice3A[0] : i32 from vector<1xi32>
    %sub3A = arith.constant 0 : i32
    %sub3A_3 = arith.constant 0 : i32
    %sub3A_4 = arith.subi %sub3A, %sub3A_3 : i32
    %add3A_5 = arith.constant 0 : i32
    %add3A_6 = arith.addi %add3A_5, %squeeze3A : i32
    %add3A_7 = arith.constant 0 : i32
    %add3A_8 = arith.addi %add3A_7, %squeeze3A : i32
    %add3A_9 = arith.constant 127 : i32
    %add3A_10 = arith.addi %squeeze3A, %add3A_9 : i32
    %and3A = arith.constant -128 : i32
    %and3A_11 = arith.andi %add3A_10, %and3A : i32
    %add3A_12 = arith.constant 0 : i32
    %add3A_13 = arith.addi %add3A_12, %and3A_11 : i32
    %slice3A_14 = vector.extract_strided_slice %get3A_2 {offsets = [1], sizes = [1], strides = [1]} : vector<16xi32> to vector<1xi32>
    %squeeze3A_15 = vector.extract %slice3A_14[0] : i32 from vector<1xi32>
    %sub3A_16 = arith.subi %add3A_13, %add3A_6 : i32
    %add3A_17 = arith.addi %add3A_6, %squeeze3A_15 : i32
    %add3A_18 = arith.addi %add3A_13, %squeeze3A_15 : i32
    %add3A_19 = arith.constant 127 : i32
    %add3A_20 = arith.addi %squeeze3A_15, %add3A_19 : i32
    %and3A_21 = arith.constant -128 : i32
    %and3A_22 = arith.andi %add3A_20, %and3A_21 : i32
    %add3A_23 = arith.addi %add3A_13, %and3A_22 : i32
    %slice3A_24 = vector.extract_strided_slice %get3A_2 {offsets = [2], sizes = [1], strides = [1]} : vector<16xi32> to vector<1xi32>
    %squeeze3A_25 = vector.extract %slice3A_24[0] : i32 from vector<1xi32>
    %sub3A_26 = arith.subi %add3A_23, %add3A_17 : i32
    %add3A_27 = arith.addi %add3A_17, %squeeze3A_25 : i32
    %add3A_28 = arith.addi %add3A_23, %squeeze3A_25 : i32
    %add3A_29 = arith.constant 127 : i32
    %add3A_30 = arith.addi %squeeze3A_25, %add3A_29 : i32
    %and3A_31 = arith.constant -128 : i32
    %and3A_32 = arith.andi %add3A_30, %and3A_31 : i32
    %add3A_33 = arith.addi %add3A_23, %and3A_32 : i32
    %slice3A_34 = vector.extract_strided_slice %get3A_2 {offsets = [3], sizes = [1], strides = [1]} : vector<16xi32> to vector<1xi32>
    %squeeze3A_35 = vector.extract %slice3A_34[0] : i32 from vector<1xi32>
    %sub3A_36 = arith.subi %add3A_33, %add3A_27 : i32
    %add3A_37 = arith.addi %add3A_27, %squeeze3A_35 : i32
    %add3A_38 = arith.addi %add3A_33, %squeeze3A_35 : i32
    %add3A_39 = arith.constant 127 : i32
    %add3A_40 = arith.addi %squeeze3A_35, %add3A_39 : i32
    %and3A_41 = arith.constant -128 : i32
    %and3A_42 = arith.andi %add3A_40, %and3A_41 : i32
    %add3A_43 = arith.addi %add3A_33, %and3A_42 : i32
    %slice3A_44 = vector.extract_strided_slice %get3A_2 {offsets = [4], sizes = [1], strides = [1]} : vector<16xi32> to vector<1xi32>
    %squeeze3A_45 = vector.extract %slice3A_44[0] : i32 from vector<1xi32>
    %sub3A_46 = arith.subi %add3A_43, %add3A_37 : i32
    %add3A_47 = arith.addi %add3A_37, %squeeze3A_45 : i32
    %add3A_48 = arith.addi %add3A_43, %squeeze3A_45 : i32
    %add3A_49 = arith.constant 127 : i32
    %add3A_50 = arith.addi %squeeze3A_45, %add3A_49 : i32
    %and3A_51 = arith.constant -128 : i32
    %and3A_52 = arith.andi %add3A_50, %and3A_51 : i32
    %add3A_53 = arith.addi %add3A_43, %and3A_52 : i32
    %slice3A_54 = vector.extract_strided_slice %get3A_2 {offsets = [5], sizes = [1], strides = [1]} : vector<16xi32> to vector<1xi32>
    %squeeze3A_55 = vector.extract %slice3A_54[0] : i32 from vector<1xi32>
    %sub3A_56 = arith.subi %add3A_53, %add3A_47 : i32
    %add3A_57 = arith.addi %add3A_47, %squeeze3A_55 : i32
    %add3A_58 = arith.addi %add3A_53, %squeeze3A_55 : i32
    %add3A_59 = arith.constant 127 : i32
    %add3A_60 = arith.addi %squeeze3A_55, %add3A_59 : i32
    %and3A_61 = arith.constant -128 : i32
    %and3A_62 = arith.andi %add3A_60, %and3A_61 : i32
    %add3A_63 = arith.addi %add3A_53, %and3A_62 : i32
    %slice3A_64 = vector.extract_strided_slice %get3A_2 {offsets = [6], sizes = [1], strides = [1]} : vector<16xi32> to vector<1xi32>
    %squeeze3A_65 = vector.extract %slice3A_64[0] : i32 from vector<1xi32>
    %sub3A_66 = arith.subi %add3A_63, %add3A_57 : i32
    %add3A_67 = arith.addi %add3A_57, %squeeze3A_65 : i32
    %add3A_68 = arith.addi %add3A_63, %squeeze3A_65 : i32
    %add3A_69 = arith.constant 127 : i32
    %add3A_70 = arith.addi %squeeze3A_65, %add3A_69 : i32
    %and3A_71 = arith.constant -128 : i32
    %and3A_72 = arith.andi %add3A_70, %and3A_71 : i32
    %add3A_73 = arith.addi %add3A_63, %and3A_72 : i32
    %slice3A_74 = vector.extract_strided_slice %get3A_2 {offsets = [7], sizes = [1], strides = [1]} : vector<16xi32> to vector<1xi32>
    %squeeze3A_75 = vector.extract %slice3A_74[0] : i32 from vector<1xi32>
    %sub3A_76 = arith.subi %add3A_73, %add3A_67 : i32
    %add3A_77 = arith.addi %add3A_67, %squeeze3A_75 : i32
    %add3A_78 = arith.addi %add3A_73, %squeeze3A_75 : i32
    %add3A_79 = arith.constant 127 : i32
    %add3A_80 = arith.addi %squeeze3A_75, %add3A_79 : i32
    %and3A_81 = arith.constant -128 : i32
    %and3A_82 = arith.andi %add3A_80, %and3A_81 : i32
    %add3A_83 = arith.addi %add3A_73, %and3A_82 : i32
    %iota3A = tpu.iota {dimensions = array<i32: 0>} : vector<16xi32>
    %mul3A_84 = arith.constant 256 : i32
    %mul3A_85 = arith.muli %add3A, %mul3A_84 : i32
    %add3A_86 = arith.constant 0 : i32
    %add3A_87 = arith.addi %mul3A_85, %add3A_86 : i32
    %multiple_of3A = tpu.assume_multiple %add3A_87, 16 : i32
    %dma_start3A = arith.constant 0 : i32
    %dma_start3A_88 = tpu.memref_slice %arg2[%multiple_of3A, %dma_start3A] : memref<8192x2048xf32, #tpu.memory_space<hbm>> -> memref<16x2048xf32, #tpu.memory_space<hbm>>
    %dma_start3A_89 = arith.constant 0 : i32
    %dma_start3A_90 = tpu.memref_slice %arg2[%multiple_of3A, %dma_start3A_89] : memref<8192x2048xf32, #tpu.memory_space<hbm>> -> memref<16x2048xf32, #tpu.memory_space<hbm>>
    tpu.enqueue_dma source(%dma_start3A_90 : memref<16x2048xf32, #tpu.memory_space<hbm>>) target(%arg7 : memref<16x2048xf32, #tpu.memory_space<vmem>>) target_semaphore(%arg10 : memref<!tpu.dma_semaphore, #tpu.memory_space<semaphore_mem>>)
    %scan3A = arith.constant 0 : i32
    %scan3A_91 = arith.constant 0 : i32
    %scan3A_92 = arith.constant 16 : i32
    %scan3A_93 = arith.addi %scan3A_91, %scan3A_92 : i32
    %scan3A_94 = arith.constant 1 : i32
    scf.for %scan3A_551 = %scan3A_91 to %scan3A_93 step %scan3A_94  : i32 {
      %mul3A_552 = arith.constant 16 : i32
      %mul3A_553 = arith.muli %scan3A_551, %mul3A_552 : i32
      %add3A_554 = arith.addi %mul3A_85, %mul3A_553 : i32
      %add3A_555 = vector.broadcast %add3A_554 : i32 to vector<16xi32>
      %add3A_556 = arith.addi %add3A_555, %iota3A : vector<16xi32>
      %broadcast_in_dim3A = vector.broadcast %sub3A_4 : i32 to vector<16xi32>
      %ge3A = vector.broadcast %add3A_6 : i32 to vector<16xi32>
      %ge3A_557 = arith.cmpi sge, %add3A_556, %ge3A : vector<16xi32>
      %broadcast_in_dim3A_558 = vector.broadcast %sub3A_16 : i32 to vector<16xi32>
      %select_n3A_559 = arith.select %ge3A_557, %broadcast_in_dim3A_558, %broadcast_in_dim3A : vector<16xi1>, vector<16xi32>
      %ge3A_560 = vector.broadcast %add3A_17 : i32 to vector<16xi32>
      %ge3A_561 = arith.cmpi sge, %add3A_556, %ge3A_560 : vector<16xi32>
      %broadcast_in_dim3A_562 = vector.broadcast %sub3A_26 : i32 to vector<16xi32>
      %select_n3A_563 = arith.select %ge3A_561, %broadcast_in_dim3A_562, %select_n3A_559 : vector<16xi1>, vector<16xi32>
      %ge3A_564 = vector.broadcast %add3A_27 : i32 to vector<16xi32>
      %ge3A_565 = arith.cmpi sge, %add3A_556, %ge3A_564 : vector<16xi32>
      %broadcast_in_dim3A_566 = vector.broadcast %sub3A_36 : i32 to vector<16xi32>
      %select_n3A_567 = arith.select %ge3A_565, %broadcast_in_dim3A_566, %select_n3A_563 : vector<16xi1>, vector<16xi32>
      %ge3A_568 = vector.broadcast %add3A_37 : i32 to vector<16xi32>
      %ge3A_569 = arith.cmpi sge, %add3A_556, %ge3A_568 : vector<16xi32>
      %broadcast_in_dim3A_570 = vector.broadcast %sub3A_46 : i32 to vector<16xi32>
      %select_n3A_571 = arith.select %ge3A_569, %broadcast_in_dim3A_570, %select_n3A_567 : vector<16xi1>, vector<16xi32>
      %ge3A_572 = vector.broadcast %add3A_47 : i32 to vector<16xi32>
      %ge3A_573 = arith.cmpi sge, %add3A_556, %ge3A_572 : vector<16xi32>
      %broadcast_in_dim3A_574 = vector.broadcast %sub3A_56 : i32 to vector<16xi32>
      %select_n3A_575 = arith.select %ge3A_573, %broadcast_in_dim3A_574, %select_n3A_571 : vector<16xi1>, vector<16xi32>
      %ge3A_576 = vector.broadcast %add3A_57 : i32 to vector<16xi32>
      %ge3A_577 = arith.cmpi sge, %add3A_556, %ge3A_576 : vector<16xi32>
      %broadcast_in_dim3A_578 = vector.broadcast %sub3A_66 : i32 to vector<16xi32>
      %select_n3A_579 = arith.select %ge3A_577, %broadcast_in_dim3A_578, %select_n3A_575 : vector<16xi1>, vector<16xi32>
      %ge3A_580 = vector.broadcast %add3A_67 : i32 to vector<16xi32>
      %ge3A_581 = arith.cmpi sge, %add3A_556, %ge3A_580 : vector<16xi32>
      %broadcast_in_dim3A_582 = vector.broadcast %sub3A_76 : i32 to vector<16xi32>
      %select_n3A_583 = arith.select %ge3A_581, %broadcast_in_dim3A_582, %select_n3A_579 : vector<16xi1>, vector<16xi32>
      %add3A_584 = arith.addi %add3A_556, %select_n3A_583 : vector<16xi32>
      %jit3A_585 = arith.constant 3 : i32
      %eq3A = arith.constant 0 : i32
      %eq3A_586 = arith.cmpi eq, %jit3A_585, %eq3A : i32
      %jit3A_587 = arith.constant 1 : i32
      %select_n3A_588 = arith.select %eq3A_586, %jit3A_587, %jit3A_585 : i32
      %rem3A_589 = arith.remsi %scan3A_551, %select_n3A_588 : i32
      %ne3A_590 = arith.constant 0 : i32
      %ne3A_591 = arith.cmpi ne, %rem3A_589, %ne3A_590 : i32
      %lt3A = arith.constant 0 : i32
      %lt3A_592 = arith.cmpi slt, %rem3A_589, %lt3A : i32
      %lt3A_593 = arith.constant 0 : i32
      %lt3A_594 = arith.cmpi slt, %select_n3A_588, %lt3A_593 : i32
      %ne3A_595 = arith.xori %lt3A_592, %lt3A_594 : i1
      %and3A_596 = arith.andi %ne3A_595, %ne3A_591 : i1
      %add3A_597 = arith.addi %rem3A_589, %select_n3A_588 : i32
      %select_n3A_598 = arith.select %and3A_596, %add3A_597, %rem3A_589 : i32
      %eq3A_599 = arith.constant 0 : i32
      %eq3A_600 = arith.cmpi eq, %select_n3A_598, %eq3A_599 : i32
      %convert_element_type3A_601 = arith.extui %eq3A_600 : i1 to i32
      %cond3A_602 = arith.constant 0 : i32
      %cond3A_603 = arith.cmpi ne, %convert_element_type3A_601, %cond3A_602 : i32
      scf.if %cond3A_603 {
        %dma_wait3A_653 = arith.constant 0 : i32
        %dma_wait3A_654 = arith.constant 0 : i32
        %dma_wait3A_655 = tpu.memref_slice %arg2[%dma_wait3A_653, %dma_wait3A_654] : memref<8192x2048xf32, #tpu.memory_space<hbm>> -> memref<16x2048xf32, #tpu.memory_space<hbm>>
        %dma_wait3A_656 = arith.constant 0 : i32
        %dma_wait3A_657 = arith.constant 0 : i32
        %dma_wait3A_658 = tpu.memref_slice %arg2[%dma_wait3A_656, %dma_wait3A_657] : memref<8192x2048xf32, #tpu.memory_space<hbm>> -> memref<16x2048xf32, #tpu.memory_space<hbm>>
        tpu.wait_dma2 semaphore(%arg10 : memref<!tpu.dma_semaphore, #tpu.memory_space<semaphore_mem>>) src(%dma_wait3A_658 : memref<16x2048xf32, #tpu.memory_space<hbm>>) dst(%arg7 : memref<16x2048xf32, #tpu.memory_space<vmem>>)
        %dma_start3A_659 = arith.constant 0 : i32
        %dma_start3A_660 = arith.constant 0 : i32
        %dma_start3A_661 = tpu.memref_slice %arg5[%dma_start3A_659, %dma_start3A_660] : memref<9216x2048xf32, #tpu.memory_space<hbm>> -> memref<9216x2048xf32, #tpu.memory_space<hbm>>
        tpu.enqueue_indirect_dma source(%arg7 : memref<16x2048xf32, #tpu.memory_space<vmem>>) target(%dma_start3A_661 : memref<9216x2048xf32, #tpu.memory_space<hbm>>) offsets(%add3A_584 : vector<16xi32>) semaphore(%arg13 : memref<!tpu.dma_semaphore, #tpu.memory_space<semaphore_mem>>)
      } else {
      }
      %jit3A_604 = arith.constant 3 : i32
      %eq3A_605 = arith.constant 0 : i32
      %eq3A_606 = arith.cmpi eq, %jit3A_604, %eq3A_605 : i32
      %jit3A_607 = arith.constant 1 : i32
      %select_n3A_608 = arith.select %eq3A_606, %jit3A_607, %jit3A_604 : i32
      %rem3A_609 = arith.remsi %scan3A_551, %select_n3A_608 : i32
      %ne3A_610 = arith.constant 0 : i32
      %ne3A_611 = arith.cmpi ne, %rem3A_609, %ne3A_610 : i32
      %lt3A_612 = arith.constant 0 : i32
      %lt3A_613 = arith.cmpi slt, %rem3A_609, %lt3A_612 : i32
      %lt3A_614 = arith.constant 0 : i32
      %lt3A_615 = arith.cmpi slt, %select_n3A_608, %lt3A_614 : i32
      %ne3A_616 = arith.xori %lt3A_613, %lt3A_615 : i1
      %and3A_617 = arith.andi %ne3A_616, %ne3A_611 : i1
      %add3A_618 = arith.addi %rem3A_609, %select_n3A_608 : i32
      %select_n3A_619 = arith.select %and3A_617, %add3A_618, %rem3A_609 : i32
      %eq3A_620 = arith.constant 1 : i32
      %eq3A_621 = arith.cmpi eq, %select_n3A_619, %eq3A_620 : i32
      %convert_element_type3A_622 = arith.extui %eq3A_621 : i1 to i32
      %cond3A_623 = arith.constant 0 : i32
      %cond3A_624 = arith.cmpi ne, %convert_element_type3A_622, %cond3A_623 : i32
      scf.if %cond3A_624 {
        %dma_wait3A_653 = arith.constant 0 : i32
        %dma_wait3A_654 = arith.constant 0 : i32
        %dma_wait3A_655 = tpu.memref_slice %arg2[%dma_wait3A_653, %dma_wait3A_654] : memref<8192x2048xf32, #tpu.memory_space<hbm>> -> memref<16x2048xf32, #tpu.memory_space<hbm>>
        %dma_wait3A_656 = arith.constant 0 : i32
        %dma_wait3A_657 = arith.constant 0 : i32
        %dma_wait3A_658 = tpu.memref_slice %arg2[%dma_wait3A_656, %dma_wait3A_657] : memref<8192x2048xf32, #tpu.memory_space<hbm>> -> memref<16x2048xf32, #tpu.memory_space<hbm>>
        tpu.wait_dma2 semaphore(%arg11 : memref<!tpu.dma_semaphore, #tpu.memory_space<semaphore_mem>>) src(%dma_wait3A_658 : memref<16x2048xf32, #tpu.memory_space<hbm>>) dst(%arg8 : memref<16x2048xf32, #tpu.memory_space<vmem>>)
        %dma_start3A_659 = arith.constant 0 : i32
        %dma_start3A_660 = arith.constant 0 : i32
        %dma_start3A_661 = tpu.memref_slice %arg5[%dma_start3A_659, %dma_start3A_660] : memref<9216x2048xf32, #tpu.memory_space<hbm>> -> memref<9216x2048xf32, #tpu.memory_space<hbm>>
        tpu.enqueue_indirect_dma source(%arg8 : memref<16x2048xf32, #tpu.memory_space<vmem>>) target(%dma_start3A_661 : memref<9216x2048xf32, #tpu.memory_space<hbm>>) offsets(%add3A_584 : vector<16xi32>) semaphore(%arg14 : memref<!tpu.dma_semaphore, #tpu.memory_space<semaphore_mem>>)
      } else {
      }
      %jit3A_625 = arith.constant 3 : i32
      %eq3A_626 = arith.constant 0 : i32
      %eq3A_627 = arith.cmpi eq, %jit3A_625, %eq3A_626 : i32
      %jit3A_628 = arith.constant 1 : i32
      %select_n3A_629 = arith.select %eq3A_627, %jit3A_628, %jit3A_625 : i32
      %rem3A_630 = arith.remsi %scan3A_551, %select_n3A_629 : i32
      %ne3A_631 = arith.constant 0 : i32
      %ne3A_632 = arith.cmpi ne, %rem3A_630, %ne3A_631 : i32
      %lt3A_633 = arith.constant 0 : i32
      %lt3A_634 = arith.cmpi slt, %rem3A_630, %lt3A_633 : i32
      %lt3A_635 = arith.constant 0 : i32
      %lt3A_636 = arith.cmpi slt, %select_n3A_629, %lt3A_635 : i32
      %ne3A_637 = arith.xori %lt3A_634, %lt3A_636 : i1
      %and3A_638 = arith.andi %ne3A_637, %ne3A_632 : i1
      %add3A_639 = arith.addi %rem3A_630, %select_n3A_629 : i32
      %select_n3A_640 = arith.select %and3A_638, %add3A_639, %rem3A_630 : i32
      %eq3A_641 = arith.constant 2 : i32
      %eq3A_642 = arith.cmpi eq, %select_n3A_640, %eq3A_641 : i32
      %convert_element_type3A_643 = arith.extui %eq3A_642 : i1 to i32
      %cond3A_644 = arith.constant 0 : i32
      %cond3A_645 = arith.cmpi ne, %convert_element_type3A_643, %cond3A_644 : i32
      scf.if %cond3A_645 {
        %dma_wait3A_653 = arith.constant 0 : i32
        %dma_wait3A_654 = arith.constant 0 : i32
        %dma_wait3A_655 = tpu.memref_slice %arg2[%dma_wait3A_653, %dma_wait3A_654] : memref<8192x2048xf32, #tpu.memory_space<hbm>> -> memref<16x2048xf32, #tpu.memory_space<hbm>>
        %dma_wait3A_656 = arith.constant 0 : i32
        %dma_wait3A_657 = arith.constant 0 : i32
        %dma_wait3A_658 = tpu.memref_slice %arg2[%dma_wait3A_656, %dma_wait3A_657] : memref<8192x2048xf32, #tpu.memory_space<hbm>> -> memref<16x2048xf32, #tpu.memory_space<hbm>>
        tpu.wait_dma2 semaphore(%arg12 : memref<!tpu.dma_semaphore, #tpu.memory_space<semaphore_mem>>) src(%dma_wait3A_658 : memref<16x2048xf32, #tpu.memory_space<hbm>>) dst(%arg9 : memref<16x2048xf32, #tpu.memory_space<vmem>>)
        %dma_start3A_659 = arith.constant 0 : i32
        %dma_start3A_660 = arith.constant 0 : i32
        %dma_start3A_661 = tpu.memref_slice %arg5[%dma_start3A_659, %dma_start3A_660] : memref<9216x2048xf32, #tpu.memory_space<hbm>> -> memref<9216x2048xf32, #tpu.memory_space<hbm>>
        tpu.enqueue_indirect_dma source(%arg9 : memref<16x2048xf32, #tpu.memory_space<vmem>>) target(%dma_start3A_661 : memref<9216x2048xf32, #tpu.memory_space<hbm>>) offsets(%add3A_584 : vector<16xi32>) semaphore(%arg15 : memref<!tpu.dma_semaphore, #tpu.memory_space<semaphore_mem>>)
      } else {
      }
      %add3A_646 = arith.constant 1 : i32
      %add3A_647 = arith.addi %scan3A_551, %add3A_646 : i32
      %lt3A_648 = arith.constant 16 : i32
      %lt3A_649 = arith.cmpi slt, %add3A_647, %lt3A_648 : i32
      %convert_element_type3A_650 = arith.extui %lt3A_649 : i1 to i32
      %cond3A_651 = arith.constant 0 : i32
      %cond3A_652 = arith.cmpi ne, %convert_element_type3A_650, %cond3A_651 : i32
      scf.if %cond3A_652 {
        %add3A_653 = arith.constant 1 : i32
        %add3A_654 = arith.addi %scan3A_551, %add3A_653 : i32
        %jit3A_655 = arith.constant 3 : i32
        %eq3A_656 = arith.constant 0 : i32
        %eq3A_657 = arith.cmpi eq, %jit3A_655, %eq3A_656 : i32
        %jit3A_658 = arith.constant 1 : i32
        %select_n3A_659 = arith.select %eq3A_657, %jit3A_658, %jit3A_655 : i32
        %rem3A_660 = arith.remsi %add3A_654, %select_n3A_659 : i32
        %ne3A_661 = arith.constant 0 : i32
        %ne3A_662 = arith.cmpi ne, %rem3A_660, %ne3A_661 : i32
        %lt3A_663 = arith.constant 0 : i32
        %lt3A_664 = arith.cmpi slt, %rem3A_660, %lt3A_663 : i32
        %lt3A_665 = arith.constant 0 : i32
        %lt3A_666 = arith.cmpi slt, %select_n3A_659, %lt3A_665 : i32
        %ne3A_667 = arith.xori %lt3A_664, %lt3A_666 : i1
        %and3A_668 = arith.andi %ne3A_667, %ne3A_662 : i1
        %add3A_669 = arith.addi %rem3A_660, %select_n3A_659 : i32
        %select_n3A_670 = arith.select %and3A_668, %add3A_669, %rem3A_660 : i32
        %eq3A_671 = arith.constant 0 : i32
        %eq3A_672 = arith.cmpi eq, %select_n3A_670, %eq3A_671 : i32
        %convert_element_type3A_673 = arith.extui %eq3A_672 : i1 to i32
        %cond3A_674 = arith.constant 0 : i32
        %cond3A_675 = arith.cmpi ne, %convert_element_type3A_673, %cond3A_674 : i32
        scf.if %cond3A_675 {
          %ge3A_722 = arith.constant 2 : i32
          %ge3A_723 = arith.cmpi sge, %scan3A_551, %ge3A_722 : i32
          %convert_element_type3A_724 = arith.extui %ge3A_723 : i1 to i32
          %cond3A_725 = arith.constant 0 : i32
          %cond3A_726 = arith.cmpi ne, %convert_element_type3A_724, %cond3A_725 : i32
          scf.if %cond3A_726 {
            %dma_wait3A_737 = arith.constant 0 : i32
            %dma_wait3A_738 = arith.constant 0 : i32
            %dma_wait3A_739 = tpu.memref_slice %arg5[%dma_wait3A_737, %dma_wait3A_738] : memref<9216x2048xf32, #tpu.memory_space<hbm>> -> memref<16x2048xf32, #tpu.memory_space<hbm>>
            %dma_wait3A_740 = arith.constant 0 : i32
            %dma_wait3A_741 = arith.constant 0 : i32
            %dma_wait3A_742 = tpu.memref_slice %arg5[%dma_wait3A_740, %dma_wait3A_741] : memref<9216x2048xf32, #tpu.memory_space<hbm>> -> memref<16x2048xf32, #tpu.memory_space<hbm>>
            tpu.wait_dma2 semaphore(%arg13 : memref<!tpu.dma_semaphore, #tpu.memory_space<semaphore_mem>>) src(%arg7 : memref<16x2048xf32, #tpu.memory_space<vmem>>) dst(%dma_wait3A_742 : memref<16x2048xf32, #tpu.memory_space<hbm>>)
          } else {
          }
          %add3A_727 = arith.constant 1 : i32
          %add3A_728 = arith.addi %scan3A_551, %add3A_727 : i32
          %mul3A_729 = arith.constant 16 : i32
          %mul3A_730 = arith.muli %add3A_728, %mul3A_729 : i32
          %add3A_731 = arith.addi %mul3A_85, %mul3A_730 : i32
          %multiple_of3A_732 = tpu.assume_multiple %add3A_731, 16 : i32
          %dma_start3A_733 = arith.constant 0 : i32
          %dma_start3A_734 = tpu.memref_slice %arg2[%multiple_of3A_732, %dma_start3A_733] : memref<8192x2048xf32, #tpu.memory_space<hbm>> -> memref<16x2048xf32, #tpu.memory_space<hbm>>
          %dma_start3A_735 = arith.constant 0 : i32
          %dma_start3A_736 = tpu.memref_slice %arg2[%multiple_of3A_732, %dma_start3A_735] : memref<8192x2048xf32, #tpu.memory_space<hbm>> -> memref<16x2048xf32, #tpu.memory_space<hbm>>
          tpu.enqueue_dma source(%dma_start3A_736 : memref<16x2048xf32, #tpu.memory_space<hbm>>) target(%arg7 : memref<16x2048xf32, #tpu.memory_space<vmem>>) target_semaphore(%arg10 : memref<!tpu.dma_semaphore, #tpu.memory_space<semaphore_mem>>)
        } else {
        }
        %add3A_676 = arith.constant 1 : i32
        %add3A_677 = arith.addi %scan3A_551, %add3A_676 : i32
        %jit3A_678 = arith.constant 3 : i32
        %eq3A_679 = arith.constant 0 : i32
        %eq3A_680 = arith.cmpi eq, %jit3A_678, %eq3A_679 : i32
        %jit3A_681 = arith.constant 1 : i32
        %select_n3A_682 = arith.select %eq3A_680, %jit3A_681, %jit3A_678 : i32
        %rem3A_683 = arith.remsi %add3A_677, %select_n3A_682 : i32
        %ne3A_684 = arith.constant 0 : i32
        %ne3A_685 = arith.cmpi ne, %rem3A_683, %ne3A_684 : i32
        %lt3A_686 = arith.constant 0 : i32
        %lt3A_687 = arith.cmpi slt, %rem3A_683, %lt3A_686 : i32
        %lt3A_688 = arith.constant 0 : i32
        %lt3A_689 = arith.cmpi slt, %select_n3A_682, %lt3A_688 : i32
        %ne3A_690 = arith.xori %lt3A_687, %lt3A_689 : i1
        %and3A_691 = arith.andi %ne3A_690, %ne3A_685 : i1
        %add3A_692 = arith.addi %rem3A_683, %select_n3A_682 : i32
        %select_n3A_693 = arith.select %and3A_691, %add3A_692, %rem3A_683 : i32
        %eq3A_694 = arith.constant 1 : i32
        %eq3A_695 = arith.cmpi eq, %select_n3A_693, %eq3A_694 : i32
        %convert_element_type3A_696 = arith.extui %eq3A_695 : i1 to i32
        %cond3A_697 = arith.constant 0 : i32
        %cond3A_698 = arith.cmpi ne, %convert_element_type3A_696, %cond3A_697 : i32
        scf.if %cond3A_698 {
          %ge3A_722 = arith.constant 2 : i32
          %ge3A_723 = arith.cmpi sge, %scan3A_551, %ge3A_722 : i32
          %convert_element_type3A_724 = arith.extui %ge3A_723 : i1 to i32
          %cond3A_725 = arith.constant 0 : i32
          %cond3A_726 = arith.cmpi ne, %convert_element_type3A_724, %cond3A_725 : i32
          scf.if %cond3A_726 {
            %dma_wait3A_737 = arith.constant 0 : i32
            %dma_wait3A_738 = arith.constant 0 : i32
            %dma_wait3A_739 = tpu.memref_slice %arg5[%dma_wait3A_737, %dma_wait3A_738] : memref<9216x2048xf32, #tpu.memory_space<hbm>> -> memref<16x2048xf32, #tpu.memory_space<hbm>>
            %dma_wait3A_740 = arith.constant 0 : i32
            %dma_wait3A_741 = arith.constant 0 : i32
            %dma_wait3A_742 = tpu.memref_slice %arg5[%dma_wait3A_740, %dma_wait3A_741] : memref<9216x2048xf32, #tpu.memory_space<hbm>> -> memref<16x2048xf32, #tpu.memory_space<hbm>>
            tpu.wait_dma2 semaphore(%arg14 : memref<!tpu.dma_semaphore, #tpu.memory_space<semaphore_mem>>) src(%arg8 : memref<16x2048xf32, #tpu.memory_space<vmem>>) dst(%dma_wait3A_742 : memref<16x2048xf32, #tpu.memory_space<hbm>>)
          } else {
          }
          %add3A_727 = arith.constant 1 : i32
          %add3A_728 = arith.addi %scan3A_551, %add3A_727 : i32
          %mul3A_729 = arith.constant 16 : i32
          %mul3A_730 = arith.muli %add3A_728, %mul3A_729 : i32
          %add3A_731 = arith.addi %mul3A_85, %mul3A_730 : i32
          %multiple_of3A_732 = tpu.assume_multiple %add3A_731, 16 : i32
          %dma_start3A_733 = arith.constant 0 : i32
          %dma_start3A_734 = tpu.memref_slice %arg2[%multiple_of3A_732, %dma_start3A_733] : memref<8192x2048xf32, #tpu.memory_space<hbm>> -> memref<16x2048xf32, #tpu.memory_space<hbm>>
          %dma_start3A_735 = arith.constant 0 : i32
          %dma_start3A_736 = tpu.memref_slice %arg2[%multiple_of3A_732, %dma_start3A_735] : memref<8192x2048xf32, #tpu.memory_space<hbm>> -> memref<16x2048xf32, #tpu.memory_space<hbm>>
          tpu.enqueue_dma source(%dma_start3A_736 : memref<16x2048xf32, #tpu.memory_space<hbm>>) target(%arg8 : memref<16x2048xf32, #tpu.memory_space<vmem>>) target_semaphore(%arg11 : memref<!tpu.dma_semaphore, #tpu.memory_space<semaphore_mem>>)
        } else {
        }
        %add3A_699 = arith.constant 1 : i32
        %add3A_700 = arith.addi %scan3A_551, %add3A_699 : i32
        %jit3A_701 = arith.constant 3 : i32
        %eq3A_702 = arith.constant 0 : i32
        %eq3A_703 = arith.cmpi eq, %jit3A_701, %eq3A_702 : i32
        %jit3A_704 = arith.constant 1 : i32
        %select_n3A_705 = arith.select %eq3A_703, %jit3A_704, %jit3A_701 : i32
        %rem3A_706 = arith.remsi %add3A_700, %select_n3A_705 : i32
        %ne3A_707 = arith.constant 0 : i32
        %ne3A_708 = arith.cmpi ne, %rem3A_706, %ne3A_707 : i32
        %lt3A_709 = arith.constant 0 : i32
        %lt3A_710 = arith.cmpi slt, %rem3A_706, %lt3A_709 : i32
        %lt3A_711 = arith.constant 0 : i32
        %lt3A_712 = arith.cmpi slt, %select_n3A_705, %lt3A_711 : i32
        %ne3A_713 = arith.xori %lt3A_710, %lt3A_712 : i1
        %and3A_714 = arith.andi %ne3A_713, %ne3A_708 : i1
        %add3A_715 = arith.addi %rem3A_706, %select_n3A_705 : i32
        %select_n3A_716 = arith.select %and3A_714, %add3A_715, %rem3A_706 : i32
        %eq3A_717 = arith.constant 2 : i32
        %eq3A_718 = arith.cmpi eq, %select_n3A_716, %eq3A_717 : i32
        %convert_element_type3A_719 = arith.extui %eq3A_718 : i1 to i32
        %cond3A_720 = arith.constant 0 : i32
        %cond3A_721 = arith.cmpi ne, %convert_element_type3A_719, %cond3A_720 : i32
        scf.if %cond3A_721 {
          %ge3A_722 = arith.constant 2 : i32
          %ge3A_723 = arith.cmpi sge, %scan3A_551, %ge3A_722 : i32
          %convert_element_type3A_724 = arith.extui %ge3A_723 : i1 to i32
          %cond3A_725 = arith.constant 0 : i32
          %cond3A_726 = arith.cmpi ne, %convert_element_type3A_724, %cond3A_725 : i32
          scf.if %cond3A_726 {
            %dma_wait3A_737 = arith.constant 0 : i32
            %dma_wait3A_738 = arith.constant 0 : i32
            %dma_wait3A_739 = tpu.memref_slice %arg5[%dma_wait3A_737, %dma_wait3A_738] : memref<9216x2048xf32, #tpu.memory_space<hbm>> -> memref<16x2048xf32, #tpu.memory_space<hbm>>
            %dma_wait3A_740 = arith.constant 0 : i32
            %dma_wait3A_741 = arith.constant 0 : i32
            %dma_wait3A_742 = tpu.memref_slice %arg5[%dma_wait3A_740, %dma_wait3A_741] : memref<9216x2048xf32, #tpu.memory_space<hbm>> -> memref<16x2048xf32, #tpu.memory_space<hbm>>
            tpu.wait_dma2 semaphore(%arg15 : memref<!tpu.dma_semaphore, #tpu.memory_space<semaphore_mem>>) src(%arg9 : memref<16x2048xf32, #tpu.memory_space<vmem>>) dst(%dma_wait3A_742 : memref<16x2048xf32, #tpu.memory_space<hbm>>)
          } else {
          }
          %add3A_727 = arith.constant 1 : i32
          %add3A_728 = arith.addi %scan3A_551, %add3A_727 : i32
          %mul3A_729 = arith.constant 16 : i32
          %mul3A_730 = arith.muli %add3A_728, %mul3A_729 : i32
          %add3A_731 = arith.addi %mul3A_85, %mul3A_730 : i32
          %multiple_of3A_732 = tpu.assume_multiple %add3A_731, 16 : i32
          %dma_start3A_733 = arith.constant 0 : i32
          %dma_start3A_734 = tpu.memref_slice %arg2[%multiple_of3A_732, %dma_start3A_733] : memref<8192x2048xf32, #tpu.memory_space<hbm>> -> memref<16x2048xf32, #tpu.memory_space<hbm>>
          %dma_start3A_735 = arith.constant 0 : i32
          %dma_start3A_736 = tpu.memref_slice %arg2[%multiple_of3A_732, %dma_start3A_735] : memref<8192x2048xf32, #tpu.memory_space<hbm>> -> memref<16x2048xf32, #tpu.memory_space<hbm>>
          tpu.enqueue_dma source(%dma_start3A_736 : memref<16x2048xf32, #tpu.memory_space<hbm>>) target(%arg9 : memref<16x2048xf32, #tpu.memory_space<vmem>>) target_semaphore(%arg12 : memref<!tpu.dma_semaphore, #tpu.memory_space<semaphore_mem>>)
        } else {
        }
      } else {
      }
    }
    %scan3A_95 = arith.constant 16 : i32
    %dma_wait3A = arith.constant 0 : i32
    %dma_wait3A_96 = arith.constant 0 : i32
    %dma_wait3A_97 = tpu.memref_slice %arg5[%dma_wait3A, %dma_wait3A_96] : memref<9216x2048xf32, #tpu.memory_space<hbm>> -> memref<16x2048xf32, #tpu.memory_space<hbm>>
    %dma_wait3A_98 = arith.constant 0 : i32
    %dma_wait3A_99 = arith.constant 0 : i32
    %dma_wait3A_100 = tpu.memref_slice %arg5[%dma_wait3A_98, %dma_wait3A_99] : memref<9216x2048xf32, #tpu.memory_space<hbm>> -> memref<16x2048xf32, #tpu.memory_space<hbm>>
    tpu.wait_dma2 semaphore(%arg14 : memref<!tpu.dma_semaphore, #tpu.memory_space<semaphore_mem>>) src(%arg8 : memref<16x2048xf32, #tpu.memory_space<vmem>>) dst(%dma_wait3A_100 : memref<16x2048xf32, #tpu.memory_space<hbm>>)
    %dma_wait3A_101 = arith.constant 0 : i32
    %dma_wait3A_102 = arith.constant 0 : i32
    %dma_wait3A_103 = tpu.memref_slice %arg5[%dma_wait3A_101, %dma_wait3A_102] : memref<9216x2048xf32, #tpu.memory_space<hbm>> -> memref<16x2048xf32, #tpu.memory_space<hbm>>
    %dma_wait3A_104 = arith.constant 0 : i32
    %dma_wait3A_105 = arith.constant 0 : i32
    %dma_wait3A_106 = tpu.memref_slice %arg5[%dma_wait3A_104, %dma_wait3A_105] : memref<9216x2048xf32, #tpu.memory_space<hbm>> -> memref<16x2048xf32, #tpu.memory_space<hbm>>
    tpu.wait_dma2 semaphore(%arg15 : memref<!tpu.dma_semaphore, #tpu.memory_space<semaphore_mem>>) src(%arg9 : memref<16x2048xf32, #tpu.memory_space<vmem>>) dst(%dma_wait3A_106 : memref<16x2048xf32, #tpu.memory_space<hbm>>)
    %dma_wait3A_107 = arith.constant 0 : i32
    %dma_wait3A_108 = arith.constant 0 : i32
    %dma_wait3A_109 = tpu.memref_slice %arg5[%dma_wait3A_107, %dma_wait3A_108] : memref<9216x2048xf32, #tpu.memory_space<hbm>> -> memref<16x2048xf32, #tpu.memory_space<hbm>>
    %dma_wait3A_110 = arith.constant 0 : i32
    %dma_wait3A_111 = arith.constant 0 : i32
    %dma_wait3A_112 = tpu.memref_slice %arg5[%dma_wait3A_110, %dma_wait3A_111] : memref<9216x2048xf32, #tpu.memory_space<hbm>> -> memref<16x2048xf32, #tpu.memory_space<hbm>>
    tpu.wait_dma2 semaphore(%arg13 : memref<!tpu.dma_semaphore, #tpu.memory_space<semaphore_mem>>) src(%arg7 : memref<16x2048xf32, #tpu.memory_space<vmem>>) dst(%dma_wait3A_112 : memref<16x2048xf32, #tpu.memory_space<hbm>>)
    %sub3A_113 = arith.subi %add3A_13, %add3A_8 : i32
    %max3A = arith.constant 0 : i32
    %max3A_114 = arith.maxsi %sub3A_113, %max3A : i32
    %add3A_115 = arith.constant 0 : i32
    %add3A_116 = arith.addi %add3A_115, %max3A_114 : i32
    %sub3A_117 = arith.subi %add3A_23, %add3A_18 : i32
    %max3A_118 = arith.constant 0 : i32
    %max3A_119 = arith.maxsi %sub3A_117, %max3A_118 : i32
    %add3A_120 = arith.addi %add3A_116, %max3A_119 : i32
    %sub3A_121 = arith.subi %add3A_33, %add3A_28 : i32
    %max3A_122 = arith.constant 0 : i32
    %max3A_123 = arith.maxsi %sub3A_121, %max3A_122 : i32
    %add3A_124 = arith.addi %add3A_120, %max3A_123 : i32
    %sub3A_125 = arith.subi %add3A_43, %add3A_38 : i32
    %max3A_126 = arith.constant 0 : i32
    %max3A_127 = arith.maxsi %sub3A_125, %max3A_126 : i32
    %add3A_128 = arith.addi %add3A_124, %max3A_127 : i32
    %sub3A_129 = arith.subi %add3A_53, %add3A_48 : i32
    %max3A_130 = arith.constant 0 : i32
    %max3A_131 = arith.maxsi %sub3A_129, %max3A_130 : i32
    %add3A_132 = arith.addi %add3A_128, %max3A_131 : i32
    %sub3A_133 = arith.subi %add3A_63, %add3A_58 : i32
    %max3A_134 = arith.constant 0 : i32
    %max3A_135 = arith.maxsi %sub3A_133, %max3A_134 : i32
    %add3A_136 = arith.addi %add3A_132, %max3A_135 : i32
    %sub3A_137 = arith.subi %add3A_73, %add3A_68 : i32
    %max3A_138 = arith.constant 0 : i32
    %max3A_139 = arith.maxsi %sub3A_137, %max3A_138 : i32
    %add3A_140 = arith.addi %add3A_136, %max3A_139 : i32
    %sub3A_141 = arith.constant 9216 : i32
    %sub3A_142 = arith.subi %sub3A_141, %add3A_78 : i32
    %max3A_143 = arith.constant 0 : i32
    %max3A_144 = arith.maxsi %sub3A_142, %max3A_143 : i32
    %add3A_145 = arith.addi %add3A_140, %max3A_144 : i32
    %add3A_146 = arith.constant 32 : i32
    %add3A_147 = arith.addi %add3A_145, %add3A_146 : i32
    %sub3A_148 = arith.constant 1 : i32
    %sub3A_149 = arith.subi %add3A_147, %sub3A_148 : i32
    %jit3A = arith.constant 32 : i32
    %div3A = arith.divsi %sub3A_149, %jit3A : i32
    %sign3A = arith.constant 0 : i32
    %sign3A_150 = arith.cmpi sgt, %sub3A_149, %sign3A : i32
    %sign3A_151 = arith.extui %sign3A_150 : i1 to i32
    %sign3A_152 = arith.constant 0 : i32
    %sign3A_153 = arith.cmpi slt, %sub3A_149, %sign3A_152 : i32
    %sign3A_154 = arith.extui %sign3A_153 : i1 to i32
    %sign3A_155 = arith.subi %sign3A_151, %sign3A_154 : i32
    %sign3A_156 = arith.constant 0 : i32
    %sign3A_157 = arith.cmpi sgt, %jit3A, %sign3A_156 : i32
    %sign3A_158 = arith.extui %sign3A_157 : i1 to i32
    %sign3A_159 = arith.constant 0 : i32
    %sign3A_160 = arith.cmpi slt, %jit3A, %sign3A_159 : i32
    %sign3A_161 = arith.extui %sign3A_160 : i1 to i32
    %sign3A_162 = arith.subi %sign3A_158, %sign3A_161 : i32
    %ne3A = arith.cmpi ne, %sign3A_155, %sign3A_162 : i32
    %rem3A = arith.remsi %sub3A_149, %jit3A : i32
    %ne3A_163 = arith.constant 0 : i32
    %ne3A_164 = arith.cmpi ne, %rem3A, %ne3A_163 : i32
    %and3A_165 = arith.andi %ne3A, %ne3A_164 : i1
    %sub3A_166 = arith.constant 1 : i32
    %sub3A_167 = arith.subi %div3A, %sub3A_166 : i32
    %select_n3A = arith.select %and3A_165, %sub3A_167, %div3A : i32
    %mul3A_168 = arith.muli %add3A, %select_n3A : i32
    %add3A_169 = arith.addi %mul3A_168, %select_n3A : i32
    %min3A = arith.minsi %add3A_169, %add3A_145 : i32
    %gt3A = arith.cmpi sgt, %min3A, %mul3A_168 : i32
    %convert_element_type3A = arith.extui %gt3A : i1 to i32
    %cond3A = arith.constant 0 : i32
    %cond3A_170 = arith.cmpi ne, %convert_element_type3A, %cond3A : i32
    scf.if %cond3A_170 {
      "tpu.region"() ({
        %run_scoped3A = tpu.sem_alloc : memref<!tpu.dma_semaphore, #tpu.memory_space<semaphore_mem>>
        %dma_start3A_551 = arith.constant 0 : i32
        %dma_start3A_552 = arith.constant 0 : i32
        %dma_start3A_553 = tpu.memref_slice %arg3[%dma_start3A_551, %dma_start3A_552] : memref<9216x2048xf32, #tpu.memory_space<hbm>> -> memref<16x2048xf32, #tpu.memory_space<hbm>>
        %dma_start3A_554 = arith.constant 0 : i32
        %dma_start3A_555 = arith.constant 0 : i32
        %dma_start3A_556 = tpu.memref_slice %arg3[%dma_start3A_554, %dma_start3A_555] : memref<9216x2048xf32, #tpu.memory_space<hbm>> -> memref<16x2048xf32, #tpu.memory_space<hbm>>
        tpu.enqueue_dma source(%dma_start3A_556 : memref<16x2048xf32, #tpu.memory_space<hbm>>) target(%arg7 : memref<16x2048xf32, #tpu.memory_space<vmem>>) target_semaphore(%run_scoped3A : memref<!tpu.dma_semaphore, #tpu.memory_space<semaphore_mem>>)
        %dma_wait3A_557 = arith.constant 0 : i32
        %dma_wait3A_558 = arith.constant 0 : i32
        %dma_wait3A_559 = tpu.memref_slice %arg3[%dma_wait3A_557, %dma_wait3A_558] : memref<9216x2048xf32, #tpu.memory_space<hbm>> -> memref<16x2048xf32, #tpu.memory_space<hbm>>
        %dma_wait3A_560 = arith.constant 0 : i32
        %dma_wait3A_561 = arith.constant 0 : i32
        %dma_wait3A_562 = tpu.memref_slice %arg3[%dma_wait3A_560, %dma_wait3A_561] : memref<9216x2048xf32, #tpu.memory_space<hbm>> -> memref<16x2048xf32, #tpu.memory_space<hbm>>
        tpu.wait_dma2 semaphore(%run_scoped3A : memref<!tpu.dma_semaphore, #tpu.memory_space<semaphore_mem>>) src(%dma_wait3A_562 : memref<16x2048xf32, #tpu.memory_space<hbm>>) dst(%arg7 : memref<16x2048xf32, #tpu.memory_space<vmem>>)
        tpu.yield
      }) : () -> ()
    } else {
    }
    %max3A_171 = arith.constant 0 : i32
    %max3A_172 = arith.maxsi %mul3A_168, %max3A_171 : i32
    %min3A_173 = arith.minsi %min3A, %add3A_116 : i32
    %sub3A_174 = arith.subi %min3A_173, %max3A_172 : i32
    %max3A_175 = arith.constant 0 : i32
    %max3A_176 = arith.maxsi %sub3A_174, %max3A_175 : i32
    %sub3A_177 = arith.constant 0 : i32
    %sub3A_178 = arith.subi %max3A_172, %sub3A_177 : i32
    %add3A_179 = arith.addi %add3A_8, %sub3A_178 : i32
    %add3A_180 = arith.constant 16 : i32
    %add3A_181 = arith.addi %max3A_176, %add3A_180 : i32
    %sub3A_182 = arith.constant 1 : i32
    %sub3A_183 = arith.subi %add3A_181, %sub3A_182 : i32
    %jit3A_184 = arith.constant 16 : i32
    %div3A_185 = arith.divsi %sub3A_183, %jit3A_184 : i32
    %sign3A_186 = arith.constant 0 : i32
    %sign3A_187 = arith.cmpi sgt, %sub3A_183, %sign3A_186 : i32
    %sign3A_188 = arith.extui %sign3A_187 : i1 to i32
    %sign3A_189 = arith.constant 0 : i32
    %sign3A_190 = arith.cmpi slt, %sub3A_183, %sign3A_189 : i32
    %sign3A_191 = arith.extui %sign3A_190 : i1 to i32
    %sign3A_192 = arith.subi %sign3A_188, %sign3A_191 : i32
    %sign3A_193 = arith.constant 0 : i32
    %sign3A_194 = arith.cmpi sgt, %jit3A_184, %sign3A_193 : i32
    %sign3A_195 = arith.extui %sign3A_194 : i1 to i32
    %sign3A_196 = arith.constant 0 : i32
    %sign3A_197 = arith.cmpi slt, %jit3A_184, %sign3A_196 : i32
    %sign3A_198 = arith.extui %sign3A_197 : i1 to i32
    %sign3A_199 = arith.subi %sign3A_195, %sign3A_198 : i32
    %ne3A_200 = arith.cmpi ne, %sign3A_192, %sign3A_199 : i32
    %rem3A_201 = arith.remsi %sub3A_183, %jit3A_184 : i32
    %ne3A_202 = arith.constant 0 : i32
    %ne3A_203 = arith.cmpi ne, %rem3A_201, %ne3A_202 : i32
    %and3A_204 = arith.andi %ne3A_200, %ne3A_203 : i1
    %sub3A_205 = arith.constant 1 : i32
    %sub3A_206 = arith.subi %div3A_185, %sub3A_205 : i32
    %select_n3A_207 = arith.select %and3A_204, %sub3A_206, %div3A_185 : i32
    %while3A = arith.constant 0 : i32
    %while3A_208 = arith.constant 0 : i32
    %while3A_209 = arith.subi %select_n3A_207, %while3A_208 : i32
    %while3A_210 = arith.addi %while3A_208, %while3A_209 : i32
    %while3A_211 = arith.constant 1 : i32
    %while3A_212 = arith.divsi %while3A_209, %while3A_211 : i32
    %while3A_213 = arith.muli %while3A_212, %while3A_211 : i32
    %while3A_214 = arith.addi %while3A_208, %while3A_213 : i32
    %while3A_215 = arith.constant 1 : i32
    scf.for %while3A_551 = %while3A_208 to %while3A_214 step %while3A_215  : i32 {
      %mul3A_552 = arith.constant 16 : i32
      %mul3A_553 = arith.muli %while3A_551, %mul3A_552 : i32
      %add3A_554 = arith.addi %add3A_179, %mul3A_553 : i32
      %add3A_555 = vector.broadcast %add3A_554 : i32 to vector<16xi32>
      %add3A_556 = arith.addi %add3A_555, %iota3A : vector<16xi32>
      %add3A_557 = arith.addi %add3A_179, %max3A_176 : i32
      %sub3A_558 = arith.constant 1 : i32
      %sub3A_559 = arith.subi %add3A_557, %sub3A_558 : i32
      %min3A_560 = vector.broadcast %sub3A_559 : i32 to vector<16xi32>
      %min3A_561 = arith.minsi %add3A_556, %min3A_560 : vector<16xi32>
      %dma_start3A_562 = arith.constant 0 : i32
      %dma_start3A_563 = arith.constant 0 : i32
      %dma_start3A_564 = tpu.memref_slice %arg5[%dma_start3A_562, %dma_start3A_563] : memref<9216x2048xf32, #tpu.memory_space<hbm>> -> memref<9216x2048xf32, #tpu.memory_space<hbm>>
      tpu.enqueue_indirect_dma source(%arg7 : memref<16x2048xf32, #tpu.memory_space<vmem>>) target(%dma_start3A_564 : memref<9216x2048xf32, #tpu.memory_space<hbm>>) offsets(%min3A_561 : vector<16xi32>) semaphore(%arg15 : memref<!tpu.dma_semaphore, #tpu.memory_space<semaphore_mem>>)
    }
    %while3A_216 = arith.constant 1 : i32
    scf.for %while3A_551 = %while3A_214 to %while3A_210 step %while3A_216  : i32 {
      %mul3A_552 = arith.constant 16 : i32
      %mul3A_553 = arith.muli %while3A_551, %mul3A_552 : i32
      %add3A_554 = arith.addi %add3A_179, %mul3A_553 : i32
      %add3A_555 = vector.broadcast %add3A_554 : i32 to vector<16xi32>
      %add3A_556 = arith.addi %add3A_555, %iota3A : vector<16xi32>
      %add3A_557 = arith.addi %add3A_179, %max3A_176 : i32
      %sub3A_558 = arith.constant 1 : i32
      %sub3A_559 = arith.subi %add3A_557, %sub3A_558 : i32
      %min3A_560 = vector.broadcast %sub3A_559 : i32 to vector<16xi32>
      %min3A_561 = arith.minsi %add3A_556, %min3A_560 : vector<16xi32>
      %dma_start3A_562 = arith.constant 0 : i32
      %dma_start3A_563 = arith.constant 0 : i32
      %dma_start3A_564 = tpu.memref_slice %arg5[%dma_start3A_562, %dma_start3A_563] : memref<9216x2048xf32, #tpu.memory_space<hbm>> -> memref<9216x2048xf32, #tpu.memory_space<hbm>>
      tpu.enqueue_indirect_dma source(%arg7 : memref<16x2048xf32, #tpu.memory_space<vmem>>) target(%dma_start3A_564 : memref<9216x2048xf32, #tpu.memory_space<hbm>>) offsets(%min3A_561 : vector<16xi32>) semaphore(%arg15 : memref<!tpu.dma_semaphore, #tpu.memory_space<semaphore_mem>>)
    }
    %add3A_217 = arith.constant 0 : i32
    %add3A_218 = arith.addi %add3A_217, %select_n3A_207 : i32
    %max3A_219 = arith.maxsi %mul3A_168, %add3A_116 : i32
    %min3A_220 = arith.minsi %min3A, %add3A_120 : i32
    %sub3A_221 = arith.subi %min3A_220, %max3A_219 : i32
    %max3A_222 = arith.constant 0 : i32
    %max3A_223 = arith.maxsi %sub3A_221, %max3A_222 : i32
    %sub3A_224 = arith.subi %max3A_219, %add3A_116 : i32
    %add3A_225 = arith.addi %add3A_18, %sub3A_224 : i32
    %add3A_226 = arith.constant 16 : i32
    %add3A_227 = arith.addi %max3A_223, %add3A_226 : i32
    %sub3A_228 = arith.constant 1 : i32
    %sub3A_229 = arith.subi %add3A_227, %sub3A_228 : i32
    %jit3A_230 = arith.constant 16 : i32
    %div3A_231 = arith.divsi %sub3A_229, %jit3A_230 : i32
    %sign3A_232 = arith.constant 0 : i32
    %sign3A_233 = arith.cmpi sgt, %sub3A_229, %sign3A_232 : i32
    %sign3A_234 = arith.extui %sign3A_233 : i1 to i32
    %sign3A_235 = arith.constant 0 : i32
    %sign3A_236 = arith.cmpi slt, %sub3A_229, %sign3A_235 : i32
    %sign3A_237 = arith.extui %sign3A_236 : i1 to i32
    %sign3A_238 = arith.subi %sign3A_234, %sign3A_237 : i32
    %sign3A_239 = arith.constant 0 : i32
    %sign3A_240 = arith.cmpi sgt, %jit3A_230, %sign3A_239 : i32
    %sign3A_241 = arith.extui %sign3A_240 : i1 to i32
    %sign3A_242 = arith.constant 0 : i32
    %sign3A_243 = arith.cmpi slt, %jit3A_230, %sign3A_242 : i32
    %sign3A_244 = arith.extui %sign3A_243 : i1 to i32
    %sign3A_245 = arith.subi %sign3A_241, %sign3A_244 : i32
    %ne3A_246 = arith.cmpi ne, %sign3A_238, %sign3A_245 : i32
    %rem3A_247 = arith.remsi %sub3A_229, %jit3A_230 : i32
    %ne3A_248 = arith.constant 0 : i32
    %ne3A_249 = arith.cmpi ne, %rem3A_247, %ne3A_248 : i32
    %and3A_250 = arith.andi %ne3A_246, %ne3A_249 : i1
    %sub3A_251 = arith.constant 1 : i32
    %sub3A_252 = arith.subi %div3A_231, %sub3A_251 : i32
    %select_n3A_253 = arith.select %and3A_250, %sub3A_252, %div3A_231 : i32
    %while3A_254 = arith.constant 0 : i32
    %while3A_255 = arith.constant 0 : i32
    %while3A_256 = arith.subi %select_n3A_253, %while3A_255 : i32
    %while3A_257 = arith.addi %while3A_255, %while3A_256 : i32
    %while3A_258 = arith.constant 1 : i32
    %while3A_259 = arith.divsi %while3A_256, %while3A_258 : i32
    %while3A_260 = arith.muli %while3A_259, %while3A_258 : i32
    %while3A_261 = arith.addi %while3A_255, %while3A_260 : i32
    %while3A_262 = arith.constant 1 : i32
    scf.for %while3A_551 = %while3A_255 to %while3A_261 step %while3A_262  : i32 {
      %mul3A_552 = arith.constant 16 : i32
      %mul3A_553 = arith.muli %while3A_551, %mul3A_552 : i32
      %add3A_554 = arith.addi %add3A_225, %mul3A_553 : i32
      %add3A_555 = vector.broadcast %add3A_554 : i32 to vector<16xi32>
      %add3A_556 = arith.addi %add3A_555, %iota3A : vector<16xi32>
      %add3A_557 = arith.addi %add3A_225, %max3A_223 : i32
      %sub3A_558 = arith.constant 1 : i32
      %sub3A_559 = arith.subi %add3A_557, %sub3A_558 : i32
      %min3A_560 = vector.broadcast %sub3A_559 : i32 to vector<16xi32>
      %min3A_561 = arith.minsi %add3A_556, %min3A_560 : vector<16xi32>
      %dma_start3A_562 = arith.constant 0 : i32
      %dma_start3A_563 = arith.constant 0 : i32
      %dma_start3A_564 = tpu.memref_slice %arg5[%dma_start3A_562, %dma_start3A_563] : memref<9216x2048xf32, #tpu.memory_space<hbm>> -> memref<9216x2048xf32, #tpu.memory_space<hbm>>
      tpu.enqueue_indirect_dma source(%arg7 : memref<16x2048xf32, #tpu.memory_space<vmem>>) target(%dma_start3A_564 : memref<9216x2048xf32, #tpu.memory_space<hbm>>) offsets(%min3A_561 : vector<16xi32>) semaphore(%arg15 : memref<!tpu.dma_semaphore, #tpu.memory_space<semaphore_mem>>)
    }
    %while3A_263 = arith.constant 1 : i32
    scf.for %while3A_551 = %while3A_261 to %while3A_257 step %while3A_263  : i32 {
      %mul3A_552 = arith.constant 16 : i32
      %mul3A_553 = arith.muli %while3A_551, %mul3A_552 : i32
      %add3A_554 = arith.addi %add3A_225, %mul3A_553 : i32
      %add3A_555 = vector.broadcast %add3A_554 : i32 to vector<16xi32>
      %add3A_556 = arith.addi %add3A_555, %iota3A : vector<16xi32>
      %add3A_557 = arith.addi %add3A_225, %max3A_223 : i32
      %sub3A_558 = arith.constant 1 : i32
      %sub3A_559 = arith.subi %add3A_557, %sub3A_558 : i32
      %min3A_560 = vector.broadcast %sub3A_559 : i32 to vector<16xi32>
      %min3A_561 = arith.minsi %add3A_556, %min3A_560 : vector<16xi32>
      %dma_start3A_562 = arith.constant 0 : i32
      %dma_start3A_563 = arith.constant 0 : i32
      %dma_start3A_564 = tpu.memref_slice %arg5[%dma_start3A_562, %dma_start3A_563] : memref<9216x2048xf32, #tpu.memory_space<hbm>> -> memref<9216x2048xf32, #tpu.memory_space<hbm>>
      tpu.enqueue_indirect_dma source(%arg7 : memref<16x2048xf32, #tpu.memory_space<vmem>>) target(%dma_start3A_564 : memref<9216x2048xf32, #tpu.memory_space<hbm>>) offsets(%min3A_561 : vector<16xi32>) semaphore(%arg15 : memref<!tpu.dma_semaphore, #tpu.memory_space<semaphore_mem>>)
    }
    %add3A_264 = arith.addi %add3A_218, %select_n3A_253 : i32
    %max3A_265 = arith.maxsi %mul3A_168, %add3A_120 : i32
    %min3A_266 = arith.minsi %min3A, %add3A_124 : i32
    %sub3A_267 = arith.subi %min3A_266, %max3A_265 : i32
    %max3A_268 = arith.constant 0 : i32
    %max3A_269 = arith.maxsi %sub3A_267, %max3A_268 : i32
    %sub3A_270 = arith.subi %max3A_265, %add3A_120 : i32
    %add3A_271 = arith.addi %add3A_28, %sub3A_270 : i32
    %add3A_272 = arith.constant 16 : i32
    %add3A_273 = arith.addi %max3A_269, %add3A_272 : i32
    %sub3A_274 = arith.constant 1 : i32
    %sub3A_275 = arith.subi %add3A_273, %sub3A_274 : i32
    %jit3A_276 = arith.constant 16 : i32
    %div3A_277 = arith.divsi %sub3A_275, %jit3A_276 : i32
    %sign3A_278 = arith.constant 0 : i32
    %sign3A_279 = arith.cmpi sgt, %sub3A_275, %sign3A_278 : i32
    %sign3A_280 = arith.extui %sign3A_279 : i1 to i32
    %sign3A_281 = arith.constant 0 : i32
    %sign3A_282 = arith.cmpi slt, %sub3A_275, %sign3A_281 : i32
    %sign3A_283 = arith.extui %sign3A_282 : i1 to i32
    %sign3A_284 = arith.subi %sign3A_280, %sign3A_283 : i32
    %sign3A_285 = arith.constant 0 : i32
    %sign3A_286 = arith.cmpi sgt, %jit3A_276, %sign3A_285 : i32
    %sign3A_287 = arith.extui %sign3A_286 : i1 to i32
    %sign3A_288 = arith.constant 0 : i32
    %sign3A_289 = arith.cmpi slt, %jit3A_276, %sign3A_288 : i32
    %sign3A_290 = arith.extui %sign3A_289 : i1 to i32
    %sign3A_291 = arith.subi %sign3A_287, %sign3A_290 : i32
    %ne3A_292 = arith.cmpi ne, %sign3A_284, %sign3A_291 : i32
    %rem3A_293 = arith.remsi %sub3A_275, %jit3A_276 : i32
    %ne3A_294 = arith.constant 0 : i32
    %ne3A_295 = arith.cmpi ne, %rem3A_293, %ne3A_294 : i32
    %and3A_296 = arith.andi %ne3A_292, %ne3A_295 : i1
    %sub3A_297 = arith.constant 1 : i32
    %sub3A_298 = arith.subi %div3A_277, %sub3A_297 : i32
    %select_n3A_299 = arith.select %and3A_296, %sub3A_298, %div3A_277 : i32
    %while3A_300 = arith.constant 0 : i32
    %while3A_301 = arith.constant 0 : i32
    %while3A_302 = arith.subi %select_n3A_299, %while3A_301 : i32
    %while3A_303 = arith.addi %while3A_301, %while3A_302 : i32
    %while3A_304 = arith.constant 1 : i32
    %while3A_305 = arith.divsi %while3A_302, %while3A_304 : i32
    %while3A_306 = arith.muli %while3A_305, %while3A_304 : i32
    %while3A_307 = arith.addi %while3A_301, %while3A_306 : i32
    %while3A_308 = arith.constant 1 : i32
    scf.for %while3A_551 = %while3A_301 to %while3A_307 step %while3A_308  : i32 {
      %mul3A_552 = arith.constant 16 : i32
      %mul3A_553 = arith.muli %while3A_551, %mul3A_552 : i32
      %add3A_554 = arith.addi %add3A_271, %mul3A_553 : i32
      %add3A_555 = vector.broadcast %add3A_554 : i32 to vector<16xi32>
      %add3A_556 = arith.addi %add3A_555, %iota3A : vector<16xi32>
      %add3A_557 = arith.addi %add3A_271, %max3A_269 : i32
      %sub3A_558 = arith.constant 1 : i32
      %sub3A_559 = arith.subi %add3A_557, %sub3A_558 : i32
      %min3A_560 = vector.broadcast %sub3A_559 : i32 to vector<16xi32>
      %min3A_561 = arith.minsi %add3A_556, %min3A_560 : vector<16xi32>
      %dma_start3A_562 = arith.constant 0 : i32
      %dma_start3A_563 = arith.constant 0 : i32
      %dma_start3A_564 = tpu.memref_slice %arg5[%dma_start3A_562, %dma_start3A_563] : memref<9216x2048xf32, #tpu.memory_space<hbm>> -> memref<9216x2048xf32, #tpu.memory_space<hbm>>
      tpu.enqueue_indirect_dma source(%arg7 : memref<16x2048xf32, #tpu.memory_space<vmem>>) target(%dma_start3A_564 : memref<9216x2048xf32, #tpu.memory_space<hbm>>) offsets(%min3A_561 : vector<16xi32>) semaphore(%arg15 : memref<!tpu.dma_semaphore, #tpu.memory_space<semaphore_mem>>)
    }
    %while3A_309 = arith.constant 1 : i32
    scf.for %while3A_551 = %while3A_307 to %while3A_303 step %while3A_309  : i32 {
      %mul3A_552 = arith.constant 16 : i32
      %mul3A_553 = arith.muli %while3A_551, %mul3A_552 : i32
      %add3A_554 = arith.addi %add3A_271, %mul3A_553 : i32
      %add3A_555 = vector.broadcast %add3A_554 : i32 to vector<16xi32>
      %add3A_556 = arith.addi %add3A_555, %iota3A : vector<16xi32>
      %add3A_557 = arith.addi %add3A_271, %max3A_269 : i32
      %sub3A_558 = arith.constant 1 : i32
      %sub3A_559 = arith.subi %add3A_557, %sub3A_558 : i32
      %min3A_560 = vector.broadcast %sub3A_559 : i32 to vector<16xi32>
      %min3A_561 = arith.minsi %add3A_556, %min3A_560 : vector<16xi32>
      %dma_start3A_562 = arith.constant 0 : i32
      %dma_start3A_563 = arith.constant 0 : i32
      %dma_start3A_564 = tpu.memref_slice %arg5[%dma_start3A_562, %dma_start3A_563] : memref<9216x2048xf32, #tpu.memory_space<hbm>> -> memref<9216x2048xf32, #tpu.memory_space<hbm>>
      tpu.enqueue_indirect_dma source(%arg7 : memref<16x2048xf32, #tpu.memory_space<vmem>>) target(%dma_start3A_564 : memref<9216x2048xf32, #tpu.memory_space<hbm>>) offsets(%min3A_561 : vector<16xi32>) semaphore(%arg15 : memref<!tpu.dma_semaphore, #tpu.memory_space<semaphore_mem>>)
    }
    %add3A_310 = arith.addi %add3A_264, %select_n3A_299 : i32
    %max3A_311 = arith.maxsi %mul3A_168, %add3A_124 : i32
    %min3A_312 = arith.minsi %min3A, %add3A_128 : i32
    %sub3A_313 = arith.subi %min3A_312, %max3A_311 : i32
    %max3A_314 = arith.constant 0 : i32
    %max3A_315 = arith.maxsi %sub3A_313, %max3A_314 : i32
    %sub3A_316 = arith.subi %max3A_311, %add3A_124 : i32
    %add3A_317 = arith.addi %add3A_38, %sub3A_316 : i32
    %add3A_318 = arith.constant 16 : i32
    %add3A_319 = arith.addi %max3A_315, %add3A_318 : i32
    %sub3A_320 = arith.constant 1 : i32
    %sub3A_321 = arith.subi %add3A_319, %sub3A_320 : i32
    %jit3A_322 = arith.constant 16 : i32
    %div3A_323 = arith.divsi %sub3A_321, %jit3A_322 : i32
    %sign3A_324 = arith.constant 0 : i32
    %sign3A_325 = arith.cmpi sgt, %sub3A_321, %sign3A_324 : i32
    %sign3A_326 = arith.extui %sign3A_325 : i1 to i32
    %sign3A_327 = arith.constant 0 : i32
    %sign3A_328 = arith.cmpi slt, %sub3A_321, %sign3A_327 : i32
    %sign3A_329 = arith.extui %sign3A_328 : i1 to i32
    %sign3A_330 = arith.subi %sign3A_326, %sign3A_329 : i32
    %sign3A_331 = arith.constant 0 : i32
    %sign3A_332 = arith.cmpi sgt, %jit3A_322, %sign3A_331 : i32
    %sign3A_333 = arith.extui %sign3A_332 : i1 to i32
    %sign3A_334 = arith.constant 0 : i32
    %sign3A_335 = arith.cmpi slt, %jit3A_322, %sign3A_334 : i32
    %sign3A_336 = arith.extui %sign3A_335 : i1 to i32
    %sign3A_337 = arith.subi %sign3A_333, %sign3A_336 : i32
    %ne3A_338 = arith.cmpi ne, %sign3A_330, %sign3A_337 : i32
    %rem3A_339 = arith.remsi %sub3A_321, %jit3A_322 : i32
    %ne3A_340 = arith.constant 0 : i32
    %ne3A_341 = arith.cmpi ne, %rem3A_339, %ne3A_340 : i32
    %and3A_342 = arith.andi %ne3A_338, %ne3A_341 : i1
    %sub3A_343 = arith.constant 1 : i32
    %sub3A_344 = arith.subi %div3A_323, %sub3A_343 : i32
    %select_n3A_345 = arith.select %and3A_342, %sub3A_344, %div3A_323 : i32
    %while3A_346 = arith.constant 0 : i32
    %while3A_347 = arith.constant 0 : i32
    %while3A_348 = arith.subi %select_n3A_345, %while3A_347 : i32
    %while3A_349 = arith.addi %while3A_347, %while3A_348 : i32
    %while3A_350 = arith.constant 1 : i32
    %while3A_351 = arith.divsi %while3A_348, %while3A_350 : i32
    %while3A_352 = arith.muli %while3A_351, %while3A_350 : i32
    %while3A_353 = arith.addi %while3A_347, %while3A_352 : i32
    %while3A_354 = arith.constant 1 : i32
    scf.for %while3A_551 = %while3A_347 to %while3A_353 step %while3A_354  : i32 {
      %mul3A_552 = arith.constant 16 : i32
      %mul3A_553 = arith.muli %while3A_551, %mul3A_552 : i32
      %add3A_554 = arith.addi %add3A_317, %mul3A_553 : i32
      %add3A_555 = vector.broadcast %add3A_554 : i32 to vector<16xi32>
      %add3A_556 = arith.addi %add3A_555, %iota3A : vector<16xi32>
      %add3A_557 = arith.addi %add3A_317, %max3A_315 : i32
      %sub3A_558 = arith.constant 1 : i32
      %sub3A_559 = arith.subi %add3A_557, %sub3A_558 : i32
      %min3A_560 = vector.broadcast %sub3A_559 : i32 to vector<16xi32>
      %min3A_561 = arith.minsi %add3A_556, %min3A_560 : vector<16xi32>
      %dma_start3A_562 = arith.constant 0 : i32
      %dma_start3A_563 = arith.constant 0 : i32
      %dma_start3A_564 = tpu.memref_slice %arg5[%dma_start3A_562, %dma_start3A_563] : memref<9216x2048xf32, #tpu.memory_space<hbm>> -> memref<9216x2048xf32, #tpu.memory_space<hbm>>
      tpu.enqueue_indirect_dma source(%arg7 : memref<16x2048xf32, #tpu.memory_space<vmem>>) target(%dma_start3A_564 : memref<9216x2048xf32, #tpu.memory_space<hbm>>) offsets(%min3A_561 : vector<16xi32>) semaphore(%arg15 : memref<!tpu.dma_semaphore, #tpu.memory_space<semaphore_mem>>)
    }
    %while3A_355 = arith.constant 1 : i32
    scf.for %while3A_551 = %while3A_353 to %while3A_349 step %while3A_355  : i32 {
      %mul3A_552 = arith.constant 16 : i32
      %mul3A_553 = arith.muli %while3A_551, %mul3A_552 : i32
      %add3A_554 = arith.addi %add3A_317, %mul3A_553 : i32
      %add3A_555 = vector.broadcast %add3A_554 : i32 to vector<16xi32>
      %add3A_556 = arith.addi %add3A_555, %iota3A : vector<16xi32>
      %add3A_557 = arith.addi %add3A_317, %max3A_315 : i32
      %sub3A_558 = arith.constant 1 : i32
      %sub3A_559 = arith.subi %add3A_557, %sub3A_558 : i32
      %min3A_560 = vector.broadcast %sub3A_559 : i32 to vector<16xi32>
      %min3A_561 = arith.minsi %add3A_556, %min3A_560 : vector<16xi32>
      %dma_start3A_562 = arith.constant 0 : i32
      %dma_start3A_563 = arith.constant 0 : i32
      %dma_start3A_564 = tpu.memref_slice %arg5[%dma_start3A_562, %dma_start3A_563] : memref<9216x2048xf32, #tpu.memory_space<hbm>> -> memref<9216x2048xf32, #tpu.memory_space<hbm>>
      tpu.enqueue_indirect_dma source(%arg7 : memref<16x2048xf32, #tpu.memory_space<vmem>>) target(%dma_start3A_564 : memref<9216x2048xf32, #tpu.memory_space<hbm>>) offsets(%min3A_561 : vector<16xi32>) semaphore(%arg15 : memref<!tpu.dma_semaphore, #tpu.memory_space<semaphore_mem>>)
    }
    %add3A_356 = arith.addi %add3A_310, %select_n3A_345 : i32
    %max3A_357 = arith.maxsi %mul3A_168, %add3A_128 : i32
    %min3A_358 = arith.minsi %min3A, %add3A_132 : i32
    %sub3A_359 = arith.subi %min3A_358, %max3A_357 : i32
    %max3A_360 = arith.constant 0 : i32
    %max3A_361 = arith.maxsi %sub3A_359, %max3A_360 : i32
    %sub3A_362 = arith.subi %max3A_357, %add3A_128 : i32
    %add3A_363 = arith.addi %add3A_48, %sub3A_362 : i32
    %add3A_364 = arith.constant 16 : i32
    %add3A_365 = arith.addi %max3A_361, %add3A_364 : i32
    %sub3A_366 = arith.constant 1 : i32
    %sub3A_367 = arith.subi %add3A_365, %sub3A_366 : i32
    %jit3A_368 = arith.constant 16 : i32
    %div3A_369 = arith.divsi %sub3A_367, %jit3A_368 : i32
    %sign3A_370 = arith.constant 0 : i32
    %sign3A_371 = arith.cmpi sgt, %sub3A_367, %sign3A_370 : i32
    %sign3A_372 = arith.extui %sign3A_371 : i1 to i32
    %sign3A_373 = arith.constant 0 : i32
    %sign3A_374 = arith.cmpi slt, %sub3A_367, %sign3A_373 : i32
    %sign3A_375 = arith.extui %sign3A_374 : i1 to i32
    %sign3A_376 = arith.subi %sign3A_372, %sign3A_375 : i32
    %sign3A_377 = arith.constant 0 : i32
    %sign3A_378 = arith.cmpi sgt, %jit3A_368, %sign3A_377 : i32
    %sign3A_379 = arith.extui %sign3A_378 : i1 to i32
    %sign3A_380 = arith.constant 0 : i32
    %sign3A_381 = arith.cmpi slt, %jit3A_368, %sign3A_380 : i32
    %sign3A_382 = arith.extui %sign3A_381 : i1 to i32
    %sign3A_383 = arith.subi %sign3A_379, %sign3A_382 : i32
    %ne3A_384 = arith.cmpi ne, %sign3A_376, %sign3A_383 : i32
    %rem3A_385 = arith.remsi %sub3A_367, %jit3A_368 : i32
    %ne3A_386 = arith.constant 0 : i32
    %ne3A_387 = arith.cmpi ne, %rem3A_385, %ne3A_386 : i32
    %and3A_388 = arith.andi %ne3A_384, %ne3A_387 : i1
    %sub3A_389 = arith.constant 1 : i32
    %sub3A_390 = arith.subi %div3A_369, %sub3A_389 : i32
    %select_n3A_391 = arith.select %and3A_388, %sub3A_390, %div3A_369 : i32
    %while3A_392 = arith.constant 0 : i32
    %while3A_393 = arith.constant 0 : i32
    %while3A_394 = arith.subi %select_n3A_391, %while3A_393 : i32
    %while3A_395 = arith.addi %while3A_393, %while3A_394 : i32
    %while3A_396 = arith.constant 1 : i32
    %while3A_397 = arith.divsi %while3A_394, %while3A_396 : i32
    %while3A_398 = arith.muli %while3A_397, %while3A_396 : i32
    %while3A_399 = arith.addi %while3A_393, %while3A_398 : i32
    %while3A_400 = arith.constant 1 : i32
    scf.for %while3A_551 = %while3A_393 to %while3A_399 step %while3A_400  : i32 {
      %mul3A_552 = arith.constant 16 : i32
      %mul3A_553 = arith.muli %while3A_551, %mul3A_552 : i32
      %add3A_554 = arith.addi %add3A_363, %mul3A_553 : i32
      %add3A_555 = vector.broadcast %add3A_554 : i32 to vector<16xi32>
      %add3A_556 = arith.addi %add3A_555, %iota3A : vector<16xi32>
      %add3A_557 = arith.addi %add3A_363, %max3A_361 : i32
      %sub3A_558 = arith.constant 1 : i32
      %sub3A_559 = arith.subi %add3A_557, %sub3A_558 : i32
      %min3A_560 = vector.broadcast %sub3A_559 : i32 to vector<16xi32>
      %min3A_561 = arith.minsi %add3A_556, %min3A_560 : vector<16xi32>
      %dma_start3A_562 = arith.constant 0 : i32
      %dma_start3A_563 = arith.constant 0 : i32
      %dma_start3A_564 = tpu.memref_slice %arg5[%dma_start3A_562, %dma_start3A_563] : memref<9216x2048xf32, #tpu.memory_space<hbm>> -> memref<9216x2048xf32, #tpu.memory_space<hbm>>
      tpu.enqueue_indirect_dma source(%arg7 : memref<16x2048xf32, #tpu.memory_space<vmem>>) target(%dma_start3A_564 : memref<9216x2048xf32, #tpu.memory_space<hbm>>) offsets(%min3A_561 : vector<16xi32>) semaphore(%arg15 : memref<!tpu.dma_semaphore, #tpu.memory_space<semaphore_mem>>)
    }
    %while3A_401 = arith.constant 1 : i32
    scf.for %while3A_551 = %while3A_399 to %while3A_395 step %while3A_401  : i32 {
      %mul3A_552 = arith.constant 16 : i32
      %mul3A_553 = arith.muli %while3A_551, %mul3A_552 : i32
      %add3A_554 = arith.addi %add3A_363, %mul3A_553 : i32
      %add3A_555 = vector.broadcast %add3A_554 : i32 to vector<16xi32>
      %add3A_556 = arith.addi %add3A_555, %iota3A : vector<16xi32>
      %add3A_557 = arith.addi %add3A_363, %max3A_361 : i32
      %sub3A_558 = arith.constant 1 : i32
      %sub3A_559 = arith.subi %add3A_557, %sub3A_558 : i32
      %min3A_560 = vector.broadcast %sub3A_559 : i32 to vector<16xi32>
      %min3A_561 = arith.minsi %add3A_556, %min3A_560 : vector<16xi32>
      %dma_start3A_562 = arith.constant 0 : i32
      %dma_start3A_563 = arith.constant 0 : i32
      %dma_start3A_564 = tpu.memref_slice %arg5[%dma_start3A_562, %dma_start3A_563] : memref<9216x2048xf32, #tpu.memory_space<hbm>> -> memref<9216x2048xf32, #tpu.memory_space<hbm>>
      tpu.enqueue_indirect_dma source(%arg7 : memref<16x2048xf32, #tpu.memory_space<vmem>>) target(%dma_start3A_564 : memref<9216x2048xf32, #tpu.memory_space<hbm>>) offsets(%min3A_561 : vector<16xi32>) semaphore(%arg15 : memref<!tpu.dma_semaphore, #tpu.memory_space<semaphore_mem>>)
    }
    %add3A_402 = arith.addi %add3A_356, %select_n3A_391 : i32
    %max3A_403 = arith.maxsi %mul3A_168, %add3A_132 : i32
    %min3A_404 = arith.minsi %min3A, %add3A_136 : i32
    %sub3A_405 = arith.subi %min3A_404, %max3A_403 : i32
    %max3A_406 = arith.constant 0 : i32
    %max3A_407 = arith.maxsi %sub3A_405, %max3A_406 : i32
    %sub3A_408 = arith.subi %max3A_403, %add3A_132 : i32
    %add3A_409 = arith.addi %add3A_58, %sub3A_408 : i32
    %add3A_410 = arith.constant 16 : i32
    %add3A_411 = arith.addi %max3A_407, %add3A_410 : i32
    %sub3A_412 = arith.constant 1 : i32
    %sub3A_413 = arith.subi %add3A_411, %sub3A_412 : i32
    %jit3A_414 = arith.constant 16 : i32
    %div3A_415 = arith.divsi %sub3A_413, %jit3A_414 : i32
    %sign3A_416 = arith.constant 0 : i32
    %sign3A_417 = arith.cmpi sgt, %sub3A_413, %sign3A_416 : i32
    %sign3A_418 = arith.extui %sign3A_417 : i1 to i32
    %sign3A_419 = arith.constant 0 : i32
    %sign3A_420 = arith.cmpi slt, %sub3A_413, %sign3A_419 : i32
    %sign3A_421 = arith.extui %sign3A_420 : i1 to i32
    %sign3A_422 = arith.subi %sign3A_418, %sign3A_421 : i32
    %sign3A_423 = arith.constant 0 : i32
    %sign3A_424 = arith.cmpi sgt, %jit3A_414, %sign3A_423 : i32
    %sign3A_425 = arith.extui %sign3A_424 : i1 to i32
    %sign3A_426 = arith.constant 0 : i32
    %sign3A_427 = arith.cmpi slt, %jit3A_414, %sign3A_426 : i32
    %sign3A_428 = arith.extui %sign3A_427 : i1 to i32
    %sign3A_429 = arith.subi %sign3A_425, %sign3A_428 : i32
    %ne3A_430 = arith.cmpi ne, %sign3A_422, %sign3A_429 : i32
    %rem3A_431 = arith.remsi %sub3A_413, %jit3A_414 : i32
    %ne3A_432 = arith.constant 0 : i32
    %ne3A_433 = arith.cmpi ne, %rem3A_431, %ne3A_432 : i32
    %and3A_434 = arith.andi %ne3A_430, %ne3A_433 : i1
    %sub3A_435 = arith.constant 1 : i32
    %sub3A_436 = arith.subi %div3A_415, %sub3A_435 : i32
    %select_n3A_437 = arith.select %and3A_434, %sub3A_436, %div3A_415 : i32
    %while3A_438 = arith.constant 0 : i32
    %while3A_439 = arith.constant 0 : i32
    %while3A_440 = arith.subi %select_n3A_437, %while3A_439 : i32
    %while3A_441 = arith.addi %while3A_439, %while3A_440 : i32
    %while3A_442 = arith.constant 1 : i32
    %while3A_443 = arith.divsi %while3A_440, %while3A_442 : i32
    %while3A_444 = arith.muli %while3A_443, %while3A_442 : i32
    %while3A_445 = arith.addi %while3A_439, %while3A_444 : i32
    %while3A_446 = arith.constant 1 : i32
    scf.for %while3A_551 = %while3A_439 to %while3A_445 step %while3A_446  : i32 {
      %mul3A_552 = arith.constant 16 : i32
      %mul3A_553 = arith.muli %while3A_551, %mul3A_552 : i32
      %add3A_554 = arith.addi %add3A_409, %mul3A_553 : i32
      %add3A_555 = vector.broadcast %add3A_554 : i32 to vector<16xi32>
      %add3A_556 = arith.addi %add3A_555, %iota3A : vector<16xi32>
      %add3A_557 = arith.addi %add3A_409, %max3A_407 : i32
      %sub3A_558 = arith.constant 1 : i32
      %sub3A_559 = arith.subi %add3A_557, %sub3A_558 : i32
      %min3A_560 = vector.broadcast %sub3A_559 : i32 to vector<16xi32>
      %min3A_561 = arith.minsi %add3A_556, %min3A_560 : vector<16xi32>
      %dma_start3A_562 = arith.constant 0 : i32
      %dma_start3A_563 = arith.constant 0 : i32
      %dma_start3A_564 = tpu.memref_slice %arg5[%dma_start3A_562, %dma_start3A_563] : memref<9216x2048xf32, #tpu.memory_space<hbm>> -> memref<9216x2048xf32, #tpu.memory_space<hbm>>
      tpu.enqueue_indirect_dma source(%arg7 : memref<16x2048xf32, #tpu.memory_space<vmem>>) target(%dma_start3A_564 : memref<9216x2048xf32, #tpu.memory_space<hbm>>) offsets(%min3A_561 : vector<16xi32>) semaphore(%arg15 : memref<!tpu.dma_semaphore, #tpu.memory_space<semaphore_mem>>)
    }
    %while3A_447 = arith.constant 1 : i32
    scf.for %while3A_551 = %while3A_445 to %while3A_441 step %while3A_447  : i32 {
      %mul3A_552 = arith.constant 16 : i32
      %mul3A_553 = arith.muli %while3A_551, %mul3A_552 : i32
      %add3A_554 = arith.addi %add3A_409, %mul3A_553 : i32
      %add3A_555 = vector.broadcast %add3A_554 : i32 to vector<16xi32>
      %add3A_556 = arith.addi %add3A_555, %iota3A : vector<16xi32>
      %add3A_557 = arith.addi %add3A_409, %max3A_407 : i32
      %sub3A_558 = arith.constant 1 : i32
      %sub3A_559 = arith.subi %add3A_557, %sub3A_558 : i32
      %min3A_560 = vector.broadcast %sub3A_559 : i32 to vector<16xi32>
      %min3A_561 = arith.minsi %add3A_556, %min3A_560 : vector<16xi32>
      %dma_start3A_562 = arith.constant 0 : i32
      %dma_start3A_563 = arith.constant 0 : i32
      %dma_start3A_564 = tpu.memref_slice %arg5[%dma_start3A_562, %dma_start3A_563] : memref<9216x2048xf32, #tpu.memory_space<hbm>> -> memref<9216x2048xf32, #tpu.memory_space<hbm>>
      tpu.enqueue_indirect_dma source(%arg7 : memref<16x2048xf32, #tpu.memory_space<vmem>>) target(%dma_start3A_564 : memref<9216x2048xf32, #tpu.memory_space<hbm>>) offsets(%min3A_561 : vector<16xi32>) semaphore(%arg15 : memref<!tpu.dma_semaphore, #tpu.memory_space<semaphore_mem>>)
    }
    %add3A_448 = arith.addi %add3A_402, %select_n3A_437 : i32
    %max3A_449 = arith.maxsi %mul3A_168, %add3A_136 : i32
    %min3A_450 = arith.minsi %min3A, %add3A_140 : i32
    %sub3A_451 = arith.subi %min3A_450, %max3A_449 : i32
    %max3A_452 = arith.constant 0 : i32
    %max3A_453 = arith.maxsi %sub3A_451, %max3A_452 : i32
    %sub3A_454 = arith.subi %max3A_449, %add3A_136 : i32
    %add3A_455 = arith.addi %add3A_68, %sub3A_454 : i32
    %add3A_456 = arith.constant 16 : i32
    %add3A_457 = arith.addi %max3A_453, %add3A_456 : i32
    %sub3A_458 = arith.constant 1 : i32
    %sub3A_459 = arith.subi %add3A_457, %sub3A_458 : i32
    %jit3A_460 = arith.constant 16 : i32
    %div3A_461 = arith.divsi %sub3A_459, %jit3A_460 : i32
    %sign3A_462 = arith.constant 0 : i32
    %sign3A_463 = arith.cmpi sgt, %sub3A_459, %sign3A_462 : i32
    %sign3A_464 = arith.extui %sign3A_463 : i1 to i32
    %sign3A_465 = arith.constant 0 : i32
    %sign3A_466 = arith.cmpi slt, %sub3A_459, %sign3A_465 : i32
    %sign3A_467 = arith.extui %sign3A_466 : i1 to i32
    %sign3A_468 = arith.subi %sign3A_464, %sign3A_467 : i32
    %sign3A_469 = arith.constant 0 : i32
    %sign3A_470 = arith.cmpi sgt, %jit3A_460, %sign3A_469 : i32
    %sign3A_471 = arith.extui %sign3A_470 : i1 to i32
    %sign3A_472 = arith.constant 0 : i32
    %sign3A_473 = arith.cmpi slt, %jit3A_460, %sign3A_472 : i32
    %sign3A_474 = arith.extui %sign3A_473 : i1 to i32
    %sign3A_475 = arith.subi %sign3A_471, %sign3A_474 : i32
    %ne3A_476 = arith.cmpi ne, %sign3A_468, %sign3A_475 : i32
    %rem3A_477 = arith.remsi %sub3A_459, %jit3A_460 : i32
    %ne3A_478 = arith.constant 0 : i32
    %ne3A_479 = arith.cmpi ne, %rem3A_477, %ne3A_478 : i32
    %and3A_480 = arith.andi %ne3A_476, %ne3A_479 : i1
    %sub3A_481 = arith.constant 1 : i32
    %sub3A_482 = arith.subi %div3A_461, %sub3A_481 : i32
    %select_n3A_483 = arith.select %and3A_480, %sub3A_482, %div3A_461 : i32
    %while3A_484 = arith.constant 0 : i32
    %while3A_485 = arith.constant 0 : i32
    %while3A_486 = arith.subi %select_n3A_483, %while3A_485 : i32
    %while3A_487 = arith.addi %while3A_485, %while3A_486 : i32
    %while3A_488 = arith.constant 1 : i32
    %while3A_489 = arith.divsi %while3A_486, %while3A_488 : i32
    %while3A_490 = arith.muli %while3A_489, %while3A_488 : i32
    %while3A_491 = arith.addi %while3A_485, %while3A_490 : i32
    %while3A_492 = arith.constant 1 : i32
    scf.for %while3A_551 = %while3A_485 to %while3A_491 step %while3A_492  : i32 {
      %mul3A_552 = arith.constant 16 : i32
      %mul3A_553 = arith.muli %while3A_551, %mul3A_552 : i32
      %add3A_554 = arith.addi %add3A_455, %mul3A_553 : i32
      %add3A_555 = vector.broadcast %add3A_554 : i32 to vector<16xi32>
      %add3A_556 = arith.addi %add3A_555, %iota3A : vector<16xi32>
      %add3A_557 = arith.addi %add3A_455, %max3A_453 : i32
      %sub3A_558 = arith.constant 1 : i32
      %sub3A_559 = arith.subi %add3A_557, %sub3A_558 : i32
      %min3A_560 = vector.broadcast %sub3A_559 : i32 to vector<16xi32>
      %min3A_561 = arith.minsi %add3A_556, %min3A_560 : vector<16xi32>
      %dma_start3A_562 = arith.constant 0 : i32
      %dma_start3A_563 = arith.constant 0 : i32
      %dma_start3A_564 = tpu.memref_slice %arg5[%dma_start3A_562, %dma_start3A_563] : memref<9216x2048xf32, #tpu.memory_space<hbm>> -> memref<9216x2048xf32, #tpu.memory_space<hbm>>
      tpu.enqueue_indirect_dma source(%arg7 : memref<16x2048xf32, #tpu.memory_space<vmem>>) target(%dma_start3A_564 : memref<9216x2048xf32, #tpu.memory_space<hbm>>) offsets(%min3A_561 : vector<16xi32>) semaphore(%arg15 : memref<!tpu.dma_semaphore, #tpu.memory_space<semaphore_mem>>)
    }
    %while3A_493 = arith.constant 1 : i32
    scf.for %while3A_551 = %while3A_491 to %while3A_487 step %while3A_493  : i32 {
      %mul3A_552 = arith.constant 16 : i32
      %mul3A_553 = arith.muli %while3A_551, %mul3A_552 : i32
      %add3A_554 = arith.addi %add3A_455, %mul3A_553 : i32
      %add3A_555 = vector.broadcast %add3A_554 : i32 to vector<16xi32>
      %add3A_556 = arith.addi %add3A_555, %iota3A : vector<16xi32>
      %add3A_557 = arith.addi %add3A_455, %max3A_453 : i32
      %sub3A_558 = arith.constant 1 : i32
      %sub3A_559 = arith.subi %add3A_557, %sub3A_558 : i32
      %min3A_560 = vector.broadcast %sub3A_559 : i32 to vector<16xi32>
      %min3A_561 = arith.minsi %add3A_556, %min3A_560 : vector<16xi32>
      %dma_start3A_562 = arith.constant 0 : i32
      %dma_start3A_563 = arith.constant 0 : i32
      %dma_start3A_564 = tpu.memref_slice %arg5[%dma_start3A_562, %dma_start3A_563] : memref<9216x2048xf32, #tpu.memory_space<hbm>> -> memref<9216x2048xf32, #tpu.memory_space<hbm>>
      tpu.enqueue_indirect_dma source(%arg7 : memref<16x2048xf32, #tpu.memory_space<vmem>>) target(%dma_start3A_564 : memref<9216x2048xf32, #tpu.memory_space<hbm>>) offsets(%min3A_561 : vector<16xi32>) semaphore(%arg15 : memref<!tpu.dma_semaphore, #tpu.memory_space<semaphore_mem>>)
    }
    %add3A_494 = arith.addi %add3A_448, %select_n3A_483 : i32
    %max3A_495 = arith.maxsi %mul3A_168, %add3A_140 : i32
    %min3A_496 = arith.minsi %min3A, %add3A_145 : i32
    %sub3A_497 = arith.subi %min3A_496, %max3A_495 : i32
    %max3A_498 = arith.constant 0 : i32
    %max3A_499 = arith.maxsi %sub3A_497, %max3A_498 : i32
    %sub3A_500 = arith.subi %max3A_495, %add3A_140 : i32
    %add3A_501 = arith.addi %add3A_78, %sub3A_500 : i32
    %add3A_502 = arith.constant 16 : i32
    %add3A_503 = arith.addi %max3A_499, %add3A_502 : i32
    %sub3A_504 = arith.constant 1 : i32
    %sub3A_505 = arith.subi %add3A_503, %sub3A_504 : i32
    %jit3A_506 = arith.constant 16 : i32
    %div3A_507 = arith.divsi %sub3A_505, %jit3A_506 : i32
    %sign3A_508 = arith.constant 0 : i32
    %sign3A_509 = arith.cmpi sgt, %sub3A_505, %sign3A_508 : i32
    %sign3A_510 = arith.extui %sign3A_509 : i1 to i32
    %sign3A_511 = arith.constant 0 : i32
    %sign3A_512 = arith.cmpi slt, %sub3A_505, %sign3A_511 : i32
    %sign3A_513 = arith.extui %sign3A_512 : i1 to i32
    %sign3A_514 = arith.subi %sign3A_510, %sign3A_513 : i32
    %sign3A_515 = arith.constant 0 : i32
    %sign3A_516 = arith.cmpi sgt, %jit3A_506, %sign3A_515 : i32
    %sign3A_517 = arith.extui %sign3A_516 : i1 to i32
    %sign3A_518 = arith.constant 0 : i32
    %sign3A_519 = arith.cmpi slt, %jit3A_506, %sign3A_518 : i32
    %sign3A_520 = arith.extui %sign3A_519 : i1 to i32
    %sign3A_521 = arith.subi %sign3A_517, %sign3A_520 : i32
    %ne3A_522 = arith.cmpi ne, %sign3A_514, %sign3A_521 : i32
    %rem3A_523 = arith.remsi %sub3A_505, %jit3A_506 : i32
    %ne3A_524 = arith.constant 0 : i32
    %ne3A_525 = arith.cmpi ne, %rem3A_523, %ne3A_524 : i32
    %and3A_526 = arith.andi %ne3A_522, %ne3A_525 : i1
    %sub3A_527 = arith.constant 1 : i32
    %sub3A_528 = arith.subi %div3A_507, %sub3A_527 : i32
    %select_n3A_529 = arith.select %and3A_526, %sub3A_528, %div3A_507 : i32
    %while3A_530 = arith.constant 0 : i32
    %while3A_531 = arith.constant 0 : i32
    %while3A_532 = arith.subi %select_n3A_529, %while3A_531 : i32
    %while3A_533 = arith.addi %while3A_531, %while3A_532 : i32
    %while3A_534 = arith.constant 1 : i32
    %while3A_535 = arith.divsi %while3A_532, %while3A_534 : i32
    %while3A_536 = arith.muli %while3A_535, %while3A_534 : i32
    %while3A_537 = arith.addi %while3A_531, %while3A_536 : i32
    %while3A_538 = arith.constant 1 : i32
    scf.for %while3A_551 = %while3A_531 to %while3A_537 step %while3A_538  : i32 {
      %mul3A_552 = arith.constant 16 : i32
      %mul3A_553 = arith.muli %while3A_551, %mul3A_552 : i32
      %add3A_554 = arith.addi %add3A_501, %mul3A_553 : i32
      %add3A_555 = vector.broadcast %add3A_554 : i32 to vector<16xi32>
      %add3A_556 = arith.addi %add3A_555, %iota3A : vector<16xi32>
      %add3A_557 = arith.addi %add3A_501, %max3A_499 : i32
      %sub3A_558 = arith.constant 1 : i32
      %sub3A_559 = arith.subi %add3A_557, %sub3A_558 : i32
      %min3A_560 = vector.broadcast %sub3A_559 : i32 to vector<16xi32>
      %min3A_561 = arith.minsi %add3A_556, %min3A_560 : vector<16xi32>
      %dma_start3A_562 = arith.constant 0 : i32
      %dma_start3A_563 = arith.constant 0 : i32
      %dma_start3A_564 = tpu.memref_slice %arg5[%dma_start3A_562, %dma_start3A_563] : memref<9216x2048xf32, #tpu.memory_space<hbm>> -> memref<9216x2048xf32, #tpu.memory_space<hbm>>
      tpu.enqueue_indirect_dma source(%arg7 : memref<16x2048xf32, #tpu.memory_space<vmem>>) target(%dma_start3A_564 : memref<9216x2048xf32, #tpu.memory_space<hbm>>) offsets(%min3A_561 : vector<16xi32>) semaphore(%arg15 : memref<!tpu.dma_semaphore, #tpu.memory_space<semaphore_mem>>)
    }
    %while3A_539 = arith.constant 1 : i32
    scf.for %while3A_551 = %while3A_537 to %while3A_533 step %while3A_539  : i32 {
      %mul3A_552 = arith.constant 16 : i32
      %mul3A_553 = arith.muli %while3A_551, %mul3A_552 : i32
      %add3A_554 = arith.addi %add3A_501, %mul3A_553 : i32
      %add3A_555 = vector.broadcast %add3A_554 : i32 to vector<16xi32>
      %add3A_556 = arith.addi %add3A_555, %iota3A : vector<16xi32>
      %add3A_557 = arith.addi %add3A_501, %max3A_499 : i32
      %sub3A_558 = arith.constant 1 : i32
      %sub3A_559 = arith.subi %add3A_557, %sub3A_558 : i32
      %min3A_560 = vector.broadcast %sub3A_559 : i32 to vector<16xi32>
      %min3A_561 = arith.minsi %add3A_556, %min3A_560 : vector<16xi32>
      %dma_start3A_562 = arith.constant 0 : i32
      %dma_start3A_563 = arith.constant 0 : i32
      %dma_start3A_564 = tpu.memref_slice %arg5[%dma_start3A_562, %dma_start3A_563] : memref<9216x2048xf32, #tpu.memory_space<hbm>> -> memref<9216x2048xf32, #tpu.memory_space<hbm>>
      tpu.enqueue_indirect_dma source(%arg7 : memref<16x2048xf32, #tpu.memory_space<vmem>>) target(%dma_start3A_564 : memref<9216x2048xf32, #tpu.memory_space<hbm>>) offsets(%min3A_561 : vector<16xi32>) semaphore(%arg15 : memref<!tpu.dma_semaphore, #tpu.memory_space<semaphore_mem>>)
    }
    %add3A_540 = arith.addi %add3A_494, %select_n3A_529 : i32
    %while3A_541 = arith.constant 0 : i32
    %while3A_542 = arith.constant 0 : i32
    %while3A_543 = arith.subi %add3A_540, %while3A_542 : i32
    %while3A_544 = arith.addi %while3A_542, %while3A_543 : i32
    %while3A_545 = arith.constant 1 : i32
    %while3A_546 = arith.divsi %while3A_543, %while3A_545 : i32
    %while3A_547 = arith.muli %while3A_546, %while3A_545 : i32
    %while3A_548 = arith.addi %while3A_542, %while3A_547 : i32
    %while3A_549 = arith.constant 1 : i32
    scf.for %while3A_551 = %while3A_542 to %while3A_548 step %while3A_549  : i32 {
      %dma_wait3A_552 = arith.constant 0 : i32
      %dma_wait3A_553 = arith.constant 0 : i32
      %dma_wait3A_554 = tpu.memref_slice %arg5[%dma_wait3A_552, %dma_wait3A_553] : memref<9216x2048xf32, #tpu.memory_space<hbm>> -> memref<16x2048xf32, #tpu.memory_space<hbm>>
      %dma_wait3A_555 = arith.constant 0 : i32
      %dma_wait3A_556 = arith.constant 0 : i32
      %dma_wait3A_557 = tpu.memref_slice %arg5[%dma_wait3A_555, %dma_wait3A_556] : memref<9216x2048xf32, #tpu.memory_space<hbm>> -> memref<16x2048xf32, #tpu.memory_space<hbm>>
      tpu.wait_dma2 semaphore(%arg15 : memref<!tpu.dma_semaphore, #tpu.memory_space<semaphore_mem>>) src(%arg7 : memref<16x2048xf32, #tpu.memory_space<vmem>>) dst(%dma_wait3A_557 : memref<16x2048xf32, #tpu.memory_space<hbm>>)
    }
    %while3A_550 = arith.constant 1 : i32
    scf.for %while3A_551 = %while3A_548 to %while3A_544 step %while3A_550  : i32 {
      %dma_wait3A_552 = arith.constant 0 : i32
      %dma_wait3A_553 = arith.constant 0 : i32
      %dma_wait3A_554 = tpu.memref_slice %arg5[%dma_wait3A_552, %dma_wait3A_553] : memref<9216x2048xf32, #tpu.memory_space<hbm>> -> memref<16x2048xf32, #tpu.memory_space<hbm>>
      %dma_wait3A_555 = arith.constant 0 : i32
      %dma_wait3A_556 = arith.constant 0 : i32
      %dma_wait3A_557 = tpu.memref_slice %arg5[%dma_wait3A_555, %dma_wait3A_556] : memref<9216x2048xf32, #tpu.memory_space<hbm>> -> memref<16x2048xf32, #tpu.memory_space<hbm>>
      tpu.wait_dma2 semaphore(%arg15 : memref<!tpu.dma_semaphore, #tpu.memory_space<semaphore_mem>>) src(%arg7 : memref<16x2048xf32, #tpu.memory_space<vmem>>) dst(%dma_wait3A_557 : memref<16x2048xf32, #tpu.memory_space<hbm>>)
    }
    return
  }
}

</mosaic_0001>

<sc_bundles>
// kernel: kernel.3.cloned.1.call-start
scs
__scs_entry_jumppad:
0x0: {  	(pc) =	sbr.rel $0x88, $3  }
0x1: {  	(tag) =	ssettag $0x0;
	lr =	simm.s32 $0x1  }
0x2: {  	[smem:$0x3F9E] =	sst lr;
	_ =	strace $0xD0000000  }
0x3: {  	_ = 	snop  }
0x4: {  	_ = 	snop  }
0x5: {  	_ = 	snop  }
0x6: {  	_ = 	snop  }
0x7: {  	_ = 	snop  }
__scs_overlays_trampoline_lowered:
0x8: {  	[smem:$0x3FAD] =	sst s0  }
0x9: {  	[smem:$0x3FAE] =	sst s1  }
0xa: {  	[smem:$0x3FAF] =	sst s2  }
0xb: {  	[smem:$0x3FB0] =	sst s3  }
0xc: {  	[smem:$0x3FB1] =	sst s4  }
0xd: {  	[smem:$0x3FB2] =	sst s5  }
0xe: {  	[smem:$0x3FB3] =	sst s6  }
0xf: {  	[smem:$0x3FB4] =	sst s7  }
0x10: {  	[smem:$0x3FB5] =	sst s8  }
0x11: {  	[smem:$0x3FB6] =	sst s9;
	s0 =	simm.s32 @!p0 $0x0  }
0x12: {  	s1 =	sld [smem:$0x3F9C];
	s0 =	simm.s32 @p0 $0x1  }
0x13: {  	[smem:$0x3FB7] =	sst s0;
	s0 =	simm.s32 @!p1 $0x0  }
0x14: {  	s2 =	sld [smem:$0x3F9B];
	s0 =	simm.s32 @p1 $0x1  }
0x15: {  	[smem:$0x3FB8] =	sst s0;
	s0 =	simm.s32 @!p2 $0x0  }
0x16: {  	s3 =	sld [smem:$0x3FDB];
	s0 =	simm.s32 @p2 $0x1  }
0x17: {  	s4 =	simm.s32 $0x1BF5;
	[smem:$0x3FBA] =	sst s0  }
0x18: {  	s0 =	sld [smem:$0x3F9D];
	_ =	swait.ge [sflag:s4], $0x0  }
0x19: {  	s7 =	sld [smem:$0x3F9E]  }
0x1a: {  	s8 =	sadd.s32 $0xFFFFE003, lr  }
0x1b: {  	s9 =	sadd.s32 $0xFFFFFEF7, lr;
	s5 =	simm.s32 $0xFFFFFFFF;
	p2 =	slt.u32 s8, $0xFFFFF086  }
0x1c: {  	p1 =	slt.u32 s9, $0xF7A;
	s5 =	simm.s32 @!p2 $0x0  }
0x1d: {  	s5 =	simm.s32 @p1 $0x1;
	p0 =	seq.s32 s7, s2  }
0x1e: {  	s7 =	smul.u32 @!p0 $0xF7A, s2;
	p2 =	seq.s32 @!p0 s5, $0x0  }
0x1f: {  	s9 =	smul.u32 $0xF7A, s1;
	s8 =	simm.s32 @!p0 $0x1BF5;
	p2 =	por !p2, p0  }
0x20: {  	[sflag:s8] =	ssyncset.s32 @!p0 $0xFFFFF086;
	s6 =	sadd.s32 @!p0 s3, s7;
	s7 =	simm.s32 @!p0 $0x108  }
0x21: {  	s3 =	sadd.s32 s3, s9;
	s6 =	sadd.s32 @!p0 $0x88, s6;
	s7 =	simm.s32 @p2 $0x1082  }
0x22: {  	[simem:s7], [sflag:s8] =	dma.local @!p0 [hbm:s6], $0xF7A  }
0x23: {  	s9 =	sor.u32 $0xD0000000, s2;
	s6 =	simm.s32 $0x108;
	_ =	swait.ge @!p0 [sflag:s8], $0x0  }
0x24: {  	s3 =	sadd.s32 $0x88, s3;
	s6 =	simm.s32 @!p1 $0x1082;
	[sflag:s4] =	ssyncset.s32 $0xFFFFF086  }
0x25: {  	[simem:s6], [sflag:s4] =	dma.local [hbm:s3], $0xF7A  }
0x26: {  	[smem:$0x3F9E] =	sst s1;
	(tag) =	ssettag s2;
	_ =	strace s9  }
0x27: {  	s1 =	sld [smem:$0x3FAE]  }
0x28: {  	s2 =	sld [smem:$0x3FAF]  }
0x29: {  	s4 =	sld [smem:$0x3FB1]  }
0x2a: {  	p0 =	seq.s32 s5, $0x0;
	s5 =	sld [smem:$0x3FB2]  }
0x2b: {  	s6 =	sld [smem:$0x3FB3]  }
0x2c: {  	s7 =	sld [smem:$0x3FB4]  }
0x2d: {  	s3 =	simm.s32 $0x108;
	s8 =	sld [smem:$0x3FB5]  }
0x2e: {  	s3 =	simm.s32 @!p0 $0x1082;
	s9 =	sld [smem:$0x3FB6]  }
0x2f: {  	lr =	sadd.s32 s0, s3;
	s0 =	sld [smem:$0x3FAD]  }
0x30: {  	s3 =	sld [smem:$0x3FB0]  }
0x31: {  	[smem:$0x3FB9] =	sst s10  }
0x32: {  	s10 =	sld [smem:$0x3FB7];
	_ =	sdelay $0x3  }
0x33: {  	p0 =	seq.s32 s10, $0x1;
	s10 =	sld [smem:$0x3FB9];
	_ =	sdelay $0x3  }
0x34: {  	[smem:$0x3FB9] =	sst s10  }
0x35: {  	s10 =	sld [smem:$0x3FB8];
	_ =	sdelay $0x3  }
0x36: {  	p1 =	seq.s32 s10, $0x1;
	s10 =	sld [smem:$0x3FB9];
	_ =	sdelay $0x3  }
0x37: {  	[smem:$0x3FB9] =	sst s10  }
0x38: {  	s10 =	sld [smem:$0x3FBA]  }
0x39: {  	_ = 	snop;
	(pc) =	sbr.ind lr, $3  }
0x3a: {  	_ = 	snop  }
0x3b: {  	_ = 	snop  }
0x3c: {  	p2 =	seq.s32 s10, $0x1;
	s10 =	sld [smem:$0x3FB9]  }
0x3d: {  	_ =	shalt  }
0x3e: {  	_ =	shalt  }
0x3f: {  	_ =	shalt  }
0x40: {  	_ =	shalt  }
0x41: {  	_ =	shalt  }
0x42: {  	_ =	shalt  }
0x43: {  	_ =	shalt  }
0x44: {  	_ =	shalt  }
0x45: {  	_ =	shalt  }
0x46: {  	_ =	shalt  }
0x47: {  	_ =	shalt  }
0x48: {  	_ =	shalt  }
0x49: {  	_ =	shalt  }
0x4a: {  	_ =	shalt  }
0x4b: {  	_ =	shalt  }
0x4c: {  	_ =	shalt  }
0x4d: {  	_ =	shalt  }
0x4e: {  	_ =	shalt  }
0x4f: {  	_ =	shalt  }
0x50: {  	_ =	shalt  }
0x51: {  	_ =	shalt  }
0x52: {  	_ =	shalt  }
0x53: {  	_ =	shalt  }
0x54: {  	_ =	shalt  }
0x55: {  	_ =	shalt  }
0x56: {  	_ =	shalt  }
0x57: {  	_ =	shalt  }
0x58: {  	_ =	shalt  }
0x59: {  	_ =	shalt  }
0x5a: {  	_ =	shalt  }
0x5b: {  	_ =	shalt  }
0x5c: {  	_ =	shalt  }
0x5d: {  	_ =	shalt  }
0x5e: {  	_ =	shalt  }
0x5f: {  	_ =	shalt  }
0x60: {  	_ =	shalt  }
0x61: {  	_ =	shalt  }
0x62: {  	_ =	shalt  }
0x63: {  	_ =	shalt  }
0x64: {  	_ =	shalt  }
0x65: {  	_ =	shalt  }
0x66: {  	_ =	shalt  }
0x67: {  	_ =	shalt  }
0x68: {  	_ =	shalt  }
0x69: {  	_ =	shalt  }
0x6a: {  	_ =	shalt  }
0x6b: {  	_ =	shalt  }
0x6c: {  	_ =	shalt  }
0x6d: {  	_ =	shalt  }
0x6e: {  	_ =	shalt  }
0x6f: {  	_ =	shalt  }
0x70: {  	_ =	shalt  }
0x71: {  	_ =	shalt  }
0x72: {  	_ =	shalt  }
0x73: {  	_ =	shalt  }
0x74: {  	_ =	shalt  }
0x75: {  	_ =	shalt  }
0x76: {  	_ =	shalt  }
0x77: {  	_ =	shalt  }
0x78: {  	_ =	shalt  }
0x79: {  	_ =	shalt  }
0x7a: {  	_ =	shalt  }
0x7b: {  	_ =	shalt  }
0x7c: {  	_ =	shalt  }
0x7d: {  	_ =	shalt  }
0x7e: {  	_ =	shalt  }
0x7f: {  	_ =	shalt  }
0x80: {  	_ =	shalt  }
0x81: {  	_ =	shalt  }
0x82: {  	_ =	shalt  }
0x83: {  	_ =	shalt  }
0x84: {  	_ =	shalt  }
0x85: {  	_ =	shalt  }
0x86: {  	_ =	shalt  }
0x87: {  	_ =	shalt  }
.Lfunc_end0:
.L_simem_size_0:
called_computation_lowered:
.L_overlay_start_0:
0x88: {  	s2 =	sld [smem:$0x3FD9]  }
0x89: {  	s3 =	sld [smem:$0x3FFE];
	_ =	sdelay $0x1  }
0x8a: {  	s1 =	srdreg.scid  }
0x8b: {  	s0 =	sand.u32 $0x1, s1  }
0x8c: {  	s17 =	sshll.u32 s0, $0xA;
	s2 =	sadd.s32 s3, s2  }
0x8d: {  	s2 =	sadd.s32 s2, s17  }
0x8e: {  	[smem:$0x3FC5] =	sst s2  }
0x8f: {  	_ = 	snop  }
0x90: {  	s2 =	sld [smem:$0x3FC9]  }
0x91: {  	s18 =	sld [smem:$0x3FC8]  }
0x92: {  	s4 =	sld [smem:$0x3FD0];
	(tm) =	ssettm $0x1  }
0x93: {  	s5 =	sld [smem:$0x3FFB];
	_ =	sdelay $0x3  }
0x94: {  	_ =	strace s5  }
0x95: {  	s5 =	sld [smem:$0x3FFC];
	_ =	sdelay $0x3  }
0x96: {  	_ =	strace s5  }
0x97: {  	s5 =	sld [smem:$0x3FFD];
	_ =	sdelay $0x3  }
0x98: {  	_ =	strace s5  }
0x99: {  	_ =	strace $0x8FFFFFFF  }
0x9a: {  	s19 =	sld [smem:$0x3FDB];
	_ =	sdelay $0x1  }
0x9b: {  	s6 =	simm.s32 $_scs_section_size  }
0x9c: {  	s7 =	simm.s32 $_size__tile_overlayer_lowered;
	s8 =	simm.s32 $_tile_overlayer_lowered  }
0x9d: {  	s22 =	simm.s32 $0x1BFF;
	s21 =	sshll.u32 s8, $0x1;
	s5 =	sadd.s32 s6, s19  }
0x9e: {  	s9 =	simm.s32 $0x0;
	s20 =	sshll.u32 s7, $0x1;
	s7 =	sadd.s32 s21, s5  }
0x9f: {  	[timem:s9], [sflag:s22] =	dma.local [hbm:s7], s20  }
0xa0: {  	_ =	swait.ge [sflag:s22], s20  }
0xa1: {  	s6 =	ssub.s32 $0x0, s20;
	[sflag:s22] =	ssyncset.done $0x0  }
0xa2: {  	[sflag:s22] =	ssyncadd.s32 s6;
	_ =	sdelay $0x1  }
0xa3: {  	s23 =	simm.s32 $0x1B8B  }
0xa4: {  	_ =	swait.ge [sflag:s23], $0x1  }
0xa5: {  	[sflag:s23] =	ssyncset.done $0x0  }
0xa6: {  	s25 =	simm.s32 $0x1B8E;
	s24 =	sld [smem:$0x3FFE];
	[sflag:s23] =	ssyncadd.s32 $0xFFFFFFFF  }
0xa7: {  	s26 =	simm.s32 $execute0_lowered;
	[smem:$0x3FD2] =	sst s25  }
0xa8: {  	s7 =	sshll.u32 s26, $0x1;
	_ =	strace $0x80000046;
	[dreg:$0x1] =	wrdreg $0xFFFFFFFF  }
0xa9: {  	s28 =	simm.s32 $_size_execute0_lowered;
	s5 =	sadd.s32 s5, s7;
	[dreg:$0x0] =	wrdreg $0x0  }
0xaa: {  	s7 =	sshll.u32 s28, $0x1;
	[dreg:$0x2] =	wrdreg s5  }
0xab: {  	[dreg:$0x3] =	wrdreg s7  }
0xac: {  	[dreg:$0x4] =	wrdreg $0xC0  }
0xad: {  	_ =	task [dreg:s9], $0x5FFFF  }
0xae: {  	[dreg:$0x1] =	wrdreg $0xFFFFFFFF  }
0xaf: {  	[dreg:$0x0] =	wrdreg $0x60  }
0xb0: {  	[dreg:$0x2] =	wrdreg s2  }
0xb1: {  	[dreg:$0x3] =	wrdreg s18  }
0xb2: {  	[dreg:$0x4] =	wrdreg s24  }
0xb3: {  	[dreg:$0x5] =	wrdreg s4  }
0xb4: {  	[dreg:$0x6] =	wrdreg $0x9  }
0xb5: {  	_ =	task.clear_ibuf [dreg:s9], $0x7FFFF;
	_ =	strace $0x90000046  }
0xb6: {  	s29 =	simm.s32 $0x9;
	_ =	strace $0x80000048  }
0xb7: {  	_ =	swait.ge [sflag:s29], $0x1  }
0xb8: {  	[sflag:s29] =	ssyncadd.s32 $0xFFFFFFFF  }
0xb9: {  	_ =	strace $0x90000048  }
0xba: {  	_ =	sfence  }
0xbb: {  	s30 =	sld [smem:$0x0];
	_ =	sdelay $0x2  }
0xbc: {  	s31 =	sshll.u32 s1, $0xD;
	s1 =	sshrl.u32 s1, $0x2  }
0xbd: {  	s3 =	sand.u32 $0x4000, s31;
	s1 =	sadd.s32 s1, s30  }
0xbe: {  	s0 =	sor.u32 s3, s0;
	s1 =	sshll.u32 s1, $0x11  }
0xbf: {  	s0 =	sor.u32 s1, s0  }
0xc0: {  	s0 =	sadd.s32 $0x8F2B, s0  }
0xc1: {  	[sflag:s0] =	ssyncadd.remote.s32 $0x1  }
0xc2: {  	_ =	sfence.sel $0xFFFF  }
0xc3: {  	[dreg:$0x0] =	wrdreg $0xFFFFFFFF;
	(pc) =	sbr.abs _section_cstart, $3  }
0xc4: {  	[dreg:$0x1] =	wrdreg $0xFFFFFFFF  }
0xc5: {  	_ =	task.clear_ibuf [dreg:s9], $0x2FFFF;
	_ =	strace $0x9FFFFFFF  }
0xc6: {  	(tm) =	ssettm $0x7FFFFFFF  }
0xc7: {  	_ =	shalt  }
tec
execute0_lowered:
.L_overlay_start_1:
0x0: {  	(tag) =	ssettag $0x1  }
0x1: {  	s0 =	rddreg [dreg:$0x0]  }
0x2: {  	s1 =	rddreg [dreg:$0x2]  }
0x3: {  	s3 =	rddreg [dreg:$0x3];
	s2 =	srdreg.scid  }
0x4: {  	s15 =	stileid.u32;
	s4 =	simm.s32 $0x0;
	s19 =	simm.s32 $0x80  }
0x5: {  	s17 =	simm.s32 $0x6;
	s16 =	simm.s32 $0x880;
	s28 =	simm.s32 $0x4080  }
0x6: {  	s29 =	simm.s32 $0x4880;
	s30 =	simm.s32 $0x5080;
	s31 =	simm.s32 $0x5880  }
0x7: {  	s18 =	simm.s32 $0x0;
	s2 =	sand.u32 $0x1, s2;
	s5 =	sshll.u32 s15, $0x1  }
0x8: {  	[smem:$0x7FF] =	sst s4;
	s1 =	sadd.s32 $0x400, s1;
	s8 =	sadd.s32 $0x100, s3  }
0x9: {  	s9 =	sadd.s32 $0x200, s3;
	s10 =	sadd.s32 $0x300, s3;
	s11 =	sadd.s32 $0x400, s3  }
0xa: {  	s12 =	sadd.s32 $0x500, s3;
	s23 =	sshll.u32 s15, $0x11;
	s13 =	sadd.s32 $0x600, s3  }
0xb: {  	s14 =	sadd.s32 $0x700, s3;
	s25 =	sshll.u32 s15, $0x9;
	s6 =	ssub.s32 $0x2, s2  }
0xc: {  	s7 =	sor.u32 s2, s5;
	_ =	strace $0x80000047;
	[dreg:$0x6] =	wrdreg s1  }
0xd: {  	s24 =	sshll.u32 s2, $0x10;
	s26 =	sshll.u32 s2, $0x8;
	s5 =	simm.s32 $0x1080  }
0xe: {  	s20 =	sshrl.u32 s6, $0x1;
	[dreg:$0x5] =	wrdreg s7;
	s7 =	sshll.u32 s7, $0x10  }
0xf: {  	s2 =	simm.s32 $0x6880;
	s21 =	ssub.s32 s6, s20;
	s22 =	sadd.s32 s0, s7  }
0x10: {  	s0 =	sadd.s32 s23, s0;
	s23 =	simm.s32 $0x2080;
	s6 =	simm.s32 $0x7880  }
.Ltmp0:
0x11: {  	[dreg:$0x7] =	wrdreg s22;
	s1 =	smax.u32 s21, $0x1;
	(pc) =	sbr.rel .LBB2_1-.Ltmp0, $4  }
0x12: {  	s0 =	sadd.s32 s24, s0;
	s22 =	simm.s32 $0x1880;
	s24 =	simm.s32 $0x2880  }
0x13: {  	v0 =	vlaneseq.u32;
	[dreg:$0x8] =	wrdreg s1;
	s0 =	sadd.s32 $0x1000, s0;
	s1 =	simm.s32 $0x7080  }
0x14: {  	vm0 =	vmmov $0xffff;
	v2 =	vshrl.u32 v0, $0x3;
	[dreg:$0x9] =	wrdreg s0;
	s0 =	sor.u32 s26, s25;
	s25 =	simm.s32 $0x3080  }
0x15: {  	v1 =	vand.u32 $0x7, v0;
	v3 =	vor.u32 $0x8, v0;
	v2 =	vmul.u32 $0x8, v2;
	s26 =	simm.s32 $0x3880;
	[dreg:$0xa] =	wrdreg s0;
	s0 =	simm.s32 $0x6080  }
.LBB2_67:
0x16: {  	[sflag:s17] =	ssyncadd.s32 $0xFFFF8000;
	s18 =	rddreg [dreg:$0xb]  }
.LBB2_68:
0x17: {  	s18 =	sadd.s32 $0x1, s18;
	s7 =	rddreg [dreg:$0x8]  }
0x18: {  	p0 =	sne.s32 s18, s7  }
.Ltmp1:
0x19: {  	_ = 	snop;
	(pc) =	sbr.rel @!p0 .LBB2_69-.Ltmp1, $1  }
0x1a: {  	_ =	sdelay $0x3  }
.LBB2_1:
0x1b: {  	[dreg:$0xb] =	wrdreg s18  }
0x1c: {  	s7 =	rddreg [dreg:$0x6];
	s18 =	simm.s32 $0x7  }
0x1d: {  	[tilespmem:s4], [sflag:$0x7] =	stream.linear.gather [hbm4b:s7+s4], $0x80, $0x38;
	[tilespmem:$0x18080] =	vst v63  }
0x1e: {  	_ =	swait.ge [sflag:s18], $0x80  }
0x1f: {  	[sflag:s18] =	ssyncset.done $0x0  }
0x20: {  	[sflag:s18] =	ssyncadd.s32 $0xFFFFFF80  }
0x21: {  	v13 =	vld [tilespmem:$0x0];
	_ =	sdelay $0x4  }
0x22: {  	(v2sf) =	vpush v13, $0x0  }
0x23: {  	(v2sf) =	vpush v13, $0x1  }
0x24: {  	(v2sf) =	vpush v13, $0x2  }
0x25: {  	(v2sf) =	vpush v13, $0x3  }
0x26: {  	(v2sf) =	vpush v13, $0x4  }
0x27: {  	(v2sf) =	vpush v13, $0x5  }
0x28: {  	(v2sf) =	vpush v13, $0x6;
	_ =	sdelay $0x8  }
0x29: {  	s21 =	spop (v2sf)  }
0x2a: {  	s7 =	spop (v2sf)  }
0x2b: {  	s18 =	spop (v2sf)  }
0x2c: {  	[smem:$0x7E5] =	sst s21;
	s15 =	spop (v2sf)  }
0x2d: {  	[smem:$0x7EB] =	sst s15;
	s20 =	spop (v2sf)  }
0x2e: {  	[smem:$0x7ED] =	sst s20;
	s20 =	spop (v2sf)  }
0x2f: {  	s15 =	sadd.s32 $0x7F, s21;
	[dreg:$0x1c] =	wrdreg s20;
	s20 =	spop (v2sf)  }
0x30: {  	s15 =	sand.u32 $0xFFFFFF80, s15;
	[dreg:$0x16] =	wrdreg s20;
	s20 =	sadd.s32 $0x7F, s7  }
0x31: {  	[smem:$0x7E6] =	sst s20;
	s20 =	ssub.s32 s15, s21;
	s21 =	sadd.s32 s7, s21  }
0x32: {  	[smem:$0x7EF] =	sst s21  }
0x33: {  	s21 =	sld [smem:$0x7E6]  }
0x34: {  	[smem:$0x7E7] =	sst s7  }
0x35: {  	s7 =	sadd.s32 s7, s15;
	[smem:$0x7FB] =	sst s20  }
0x36: {  	[smem:$0x7E8] =	sst s7;
	s20 =	sand.u32 $0xFFFFFF80, s21  }
0x37: {  	[dreg:$0xd] =	wrdreg s20  }
0x38: {  	s7 =	sadd.s32 s20, s15;
	s20 =	sld [smem:$0x7EF];
	_ =	sdelay $0x1  }
0x39: {  	[smem:$0x7E9] =	sst s18  }
0x3a: {  	[dreg:$0xc] =	wrdreg s15;
	s21 =	ssub.s32 s7, s20;
	s20 =	sadd.s32 s18, s20  }
0x3b: {  	[smem:$0x7F2] =	sst s20;
	s20 =	sadd.s32 s18, s7  }
0x3c: {  	[smem:$0x7EA] =	sst s20  }
0x3d: {  	s15 =	sadd.s32 $0x7F, s18;
	s18 =	sld [smem:$0x7F2]  }
0x3e: {  	s15 =	sand.u32 $0xFFFFFF80, s15;
	s20 =	sld [smem:$0x7EB]  }
0x3f: {  	[dreg:$0xe] =	wrdreg s15;
	s7 =	sadd.s32 s15, s7  }
0x40: {  	[smem:$0x7F0] =	sst s21;
	s21 =	ssub.s32 s7, s18  }
0x41: {  	s15 =	sadd.s32 $0x7F, s20;
	[smem:$0x7F3] =	sst s21  }
0x42: {  	s21 =	sadd.s32 s20, s18;
	s20 =	sadd.s32 s20, s7;
	s18 =	sld [smem:$0x7ED]  }
0x43: {  	s15 =	sand.u32 $0xFFFFFF80, s15;
	[smem:$0x7EC] =	sst s20  }
0x44: {  	[dreg:$0xf] =	wrdreg s15;
	s7 =	sadd.s32 s15, s7  }
0x45: {  	[smem:$0x7F4] =	sst s21;
	s20 =	ssub.s32 s7, s21  }
0x46: {  	s15 =	sadd.s32 $0x7F, s18;
	s21 =	sadd.s32 s18, s21;
	s18 =	sadd.s32 s18, s7  }
0x47: {  	s15 =	sand.u32 $0xFFFFFF80, s15;
	[smem:$0x7EE] =	sst s18  }
0x48: {  	s18 =	sadd.s32 s15, s7;
	s7 =	rddreg [dreg:$0x1c]  }
0x49: {  	[dreg:$0x10] =	wrdreg s15;
	s15 =	sadd.s32 $0x7F, s7  }
0x4a: {  	[smem:$0x7F6] =	sst s20;
	s20 =	sand.u32 $0xFFFFFF80, s15  }
0x4b: {  	[dreg:$0x11] =	wrdreg s20  }
0x4c: {  	s20 =	sld [smem:$0x7EF]  }
0x4d: {  	[smem:$0x7F1] =	sst s18;
	s18 =	ssub.s32 s18, s21  }
0x4e: {  	[smem:$0x7F8] =	sst s18  }
0x4f: {  	v4 =	vmov s20;
	s20 =	sld [smem:$0x7F0]  }
0x50: {  	s18 =	rddreg [dreg:$0x16]  }
0x51: {  	[smem:$0x7F7] =	sst s21;
	s15 =	smov.u32 s21;
	s21 =	sadd.s32 $0x7F, s18  }
0x52: {  	s21 =	sand.u32 $0xFFFFFF80, s21;
	v5 =	vmov s20;
	s20 =	sadd.s32 s7, s15;
	s15 =	sld [smem:$0x7F1]  }
0x53: {  	[dreg:$0x12] =	wrdreg s21  }
0x54: {  	s21 =	rddreg [dreg:$0x11]  }
0x55: {  	s21 =	sadd.s32 s21, s15  }
0x56: {  	[smem:$0x7F5] =	sst s21  }
0x57: {  	s21 =	sld [smem:$0x7F2];
	_ =	sdelay $0x1  }
0x58: {  	s7 =	sadd.s32 s7, s15;
	s15 =	sadd.s32 s18, s20;
	s18 =	rddreg [dreg:$0x12]  }
0x59: {  	v6 =	vmov s21;
	s21 =	sld [smem:$0x7F3]  }
0x5a: {  	[smem:$0x7F9] =	sst s15  }
0x5b: {  	s15 =	sld [smem:$0x7F5]  }
0x5c: {  	(v2sf) =	vpush v13, $0x7;
	v7 =	vmov s21;
	s21 =	sld [smem:$0x7F4]  }
0x5d: {  	[dreg:$0x1d] =	wrdreg s7  }
0x5e: {  	s7 =	sadd.s32 s18, s15;
	s18 =	rddreg [dreg:$0x7]  }
0x5f: {  	v8 =	vmov s21;
	s21 =	sld [smem:$0x7F6]  }
0x60: {  	[tilespmem:s19], [sflag:$0x1] =	stream.linear.gather [hbm4b:s18+s4], $0x8000, $0x38;
	[tilespmem:$0x18080] =	vst v63  }
0x61: {  	s18 =	sld [smem:$0x7F8]  }
0x62: {  	v9 =	vmov s21;
	s21 =	sld [smem:$0x7F7]  }
0x63: {  	[smem:$0x7FA] =	sst s7  }
0x64: {  	v11 =	vmov s18;
	s18 =	sld [smem:$0x7FA]  }
0x65: {  	v12 =	vmov s20;
	v10 =	vmov s21;
	s21 =	ssub.s32 s15, s20;
	s20 =	sld [smem:$0x7F9];
	_ =	sdelay $0x2  }
0x66: {  	s7 =	ssub.s32 s18, s20  }
0x67: {  	[smem:$0x7FD] =	sst s7  }
0x68: {  	s7 =	sld [smem:$0x7FB]  }
0x69: {  	[smem:$0x7FC] =	sst s21;
	s21 =	spop (v2sf)  }
0x6a: {  	[dreg:$0x14] =	wrdreg s21  }
0x6b: {  	v14 =	vmov s7;
	s7 =	rddreg [dreg:$0x16]  }
0x6c: {  	v16 =	vmov s20;
	s20 =	rddreg [dreg:$0xa];
	s15 =	sadd.s32 s7, s15  }
.Ltmp2:
0x6d: {  	s7 =	sadd.s32 s21, s18;
	s18 =	sld [smem:$0x7FC];
	(pc) =	sbr.rel .LBB2_2-.Ltmp2, $4  }
0x6e: {  	s21 =	sld [smem:$0x7FD]  }
0x6f: {  	[dreg:$0x17] =	wrdreg s15  }
0x70: {  	[dreg:$0x13] =	wrdreg s7  }
0x71: {  	v13 =	vbroadcast v13, $0x0;
	s7 =	simm.s32 $0x0;
	v15 =	vmov s18;
	v17 =	vmov s21;
	s21 =	rddreg [dreg:$0x9]  }
.LBB2_12:
0x72: {  	p0 =	slt.u32 s18, $0x2  }
0x73: {  	s15 =	simm.s32 @!p0 $0x6  }
0x74: {  	_ =	swait.ge @!p0 [sflag:s15], $0x8000  }
0x75: {  	[sflag:s15] =	ssyncset.done @!p0 $0x0  }
0x76: {  	s18 =	simm.s32 $0x10080;
	[sflag:s15] =	ssyncadd.s32 @!p0 $0xFFFF8000  }
0x77: {  	[tilespmem:s18], [sflag:$0x3] =	stream.linear.gather [hbm4b:s21+s4], $0x8000, $0x38;
	[tilespmem:$0x18080] =	vst v63  }
.LBB2_13:
0x78: {  	p0 =	sne.s32 s7, $0x10  }
.Ltmp3:
0x79: {  	_ = 	snop;
	(pc) =	sbr.rel @!p0 .LBB2_14-.Ltmp3, $2  }
0x7a: {  	_ =	sdelay $0x2  }
0x7b: {  	s21 =	sadd.s32 $0x1000, s21;
	s20 =	sadd.s32 $0x10, s20  }
.LBB2_2:
0x7c: {  	v18 =	vor.u32 s20, v0;
	s15 =	smul.u32 $0xAB, s7  }
0x7d: {  	vm1 =	vlt.s32 v18, v13  }
0x7e: {  	s18 =	smov.u32 s7;
	v19 =	vsel vm1, $0x0, v14;
	vm1 =	vlt.s32 v18, v4;
	s7 =	sshrl.u32 s15, $0x9  }
0x7f: {  	v19 =	vsel vm1, v19, v5;
	vm1 =	vlt.s32 v18, v6;
	s7 =	sand.u32 $0x7F, s7  }
0x80: {  	v19 =	vsel vm1, v19, v7;
	vm1 =	vlt.s32 v18, v8;
	s7 =	smul.u32 $0x3, s7  }
0x81: {  	v19 =	vsel vm1, v19, v9;
	vm1 =	vlt.s32 v18, v10  }
0x82: {  	v19 =	vsel vm1, v19, v11;
	vm1 =	vlt.s32 v18, v12;
	s7 =	ssub.s32 s18, s7  }
0x83: {  	v19 =	vsel vm1, v19, v15;
	vm1 =	vlt.s32 v18, v16;
	s7 =	sand.u32 $0xFF, s7  }
0x84: {  	v19 =	vsel vm1, v19, v17;
	p0 =	seq.s32 s7, $0x2  }
.Ltmp4:
0x85: {  	v18 =	vadd.s32 v18, v19;
	(pc) =	sbr.rel @p0 .LBB2_6-.Ltmp4, $4  }
0x86: {  	v19 =	vshll.u32 v18, $0x4  }
0x87: {  	v18 =	vand.u32 $0x7, v18;
	v19 =	vand.u32 $0xFFFFFF80, v19  }
0x88: {  	v18 =	vor.u32 v18, v19  }
0x89: {  	v19 =	vperm.xlane v18, v1  }
0x8a: {  	p0 =	seq.s32 s7, $0x1  }
.Ltmp5:
0x8b: {  	_ = 	snop;
	(pc) =	sbr.rel @!p0 .LBB2_4-.Ltmp5, $2  }
0x8c: {  	_ =	sdelay $0x2  }
0x8d: {  	v19 =	vadd.s32 v2, v19  }
0x8e: {  	s7 =	simm.s32 $0x2  }
0x8f: {  	_ =	swait.ge [sflag:s7], $0x8000  }
0x90: {  	[sflag:s7] =	ssyncset.done $0x0  }
0x91: {  	s15 =	simm.s32 $0x8080;
	[sflag:s7] =	ssyncadd.s32 $0xFFFF8000  }
0x92: {  	[hbm4b:s3+s4] =	stream.indirect_vreg.scatter [tilespmem:s15], [sflag:$0x5], $0x80, v19, vm0, $0xb8;
	[tilespmem:$0x18080] =	vst v63  }
0x93: {  	s15 =	simm.s32 $0x8880  }
0x94: {  	[hbm4b:s8+s4] =	stream.indirect_vreg.scatter [tilespmem:s15], [sflag:$0x5], $0x80, v19, vm0, $0xb8;
	[tilespmem:$0x18080] =	vst v63  }
0x95: {  	s15 =	simm.s32 $0x9080  }
0x96: {  	[hbm4b:s9+s4] =	stream.indirect_vreg.scatter [tilespmem:s15], [sflag:$0x5], $0x80, v19, vm0, $0xb8;
	[tilespmem:$0x18080] =	vst v63  }
0x97: {  	s15 =	simm.s32 $0x9880  }
0x98: {  	[hbm4b:s10+s4] =	stream.indirect_vreg.scatter [tilespmem:s15], [sflag:$0x5], $0x80, v19, vm0, $0xb8;
	[tilespmem:$0x18080] =	vst v63  }
0x99: {  	s15 =	simm.s32 $0xA080  }
0x9a: {  	[hbm4b:s11+s4] =	stream.indirect_vreg.scatter [tilespmem:s15], [sflag:$0x5], $0x80, v19, vm0, $0xb8;
	[tilespmem:$0x18080] =	vst v63  }
0x9b: {  	v18 =	vperm.xlane v18, v3;
	s15 =	simm.s32 $0xA880  }
0x9c: {  	[hbm4b:s12+s4] =	stream.indirect_vreg.scatter [tilespmem:s15], [sflag:$0x5], $0x80, v19, vm0, $0xb8;
	[tilespmem:$0x18080] =	vst v63  }
0x9d: {  	v18 =	vadd.s32 v2, v18;
	s15 =	simm.s32 $0xB080  }
0x9e: {  	[hbm4b:s13+s4] =	stream.indirect_vreg.scatter [tilespmem:s15], [sflag:$0x5], $0x80, v19, vm0, $0xb8;
	[tilespmem:$0x18080] =	vst v63  }
0x9f: {  	s15 =	simm.s32 $0xB880  }
0xa0: {  	[hbm4b:s14+s4] =	stream.indirect_vreg.scatter [tilespmem:s15], [sflag:$0x5], $0x80, v19, vm0, $0xb8;
	[tilespmem:$0x18080] =	vst v63  }
0xa1: {  	s15 =	simm.s32 $0xC080  }
0xa2: {  	[hbm4b:s3+s4] =	stream.indirect_vreg.scatter [tilespmem:s15], [sflag:$0x5], $0x80, v18, vm0, $0xb8;
	[tilespmem:$0x18080] =	vst v63  }
0xa3: {  	s15 =	simm.s32 $0xC880  }
0xa4: {  	[hbm4b:s8+s4] =	stream.indirect_vreg.scatter [tilespmem:s15], [sflag:$0x5], $0x80, v18, vm0, $0xb8;
	[tilespmem:$0x18080] =	vst v63  }
0xa5: {  	s15 =	simm.s32 $0xD080  }
0xa6: {  	[hbm4b:s9+s4] =	stream.indirect_vreg.scatter [tilespmem:s15], [sflag:$0x5], $0x80, v18, vm0, $0xb8;
	[tilespmem:$0x18080] =	vst v63  }
0xa7: {  	s15 =	simm.s32 $0xD880  }
0xa8: {  	[hbm4b:s10+s4] =	stream.indirect_vreg.scatter [tilespmem:s15], [sflag:$0x5], $0x80, v18, vm0, $0xb8;
	[tilespmem:$0x18080] =	vst v63  }
0xa9: {  	s15 =	simm.s32 $0xE080  }
0xaa: {  	[hbm4b:s11+s4] =	stream.indirect_vreg.scatter [tilespmem:s15], [sflag:$0x5], $0x80, v18, vm0, $0xb8;
	[tilespmem:$0x18080] =	vst v63  }
0xab: {  	s15 =	simm.s32 $0xE880  }
0xac: {  	[hbm4b:s12+s4] =	stream.indirect_vreg.scatter [tilespmem:s15], [sflag:$0x5], $0x80, v18, vm0, $0xb8;
	[tilespmem:$0x18080] =	vst v63  }
.Ltmp6:
0xad: {  	_ = 	snop;
	(pc) =	sbr.rel .LBB2_7-.Ltmp6, $4  }
0xae: {  	s15 =	simm.s32 $0xF080  }
0xaf: {  	[hbm4b:s13+s4] =	stream.indirect_vreg.scatter [tilespmem:s15], [sflag:$0x5], $0x80, v18, vm0, $0xb8;
	[tilespmem:$0x18080] =	vst v63  }
0xb0: {  	s15 =	simm.s32 $0xF880  }
0xb1: {  	[hbm4b:s14+s4] =	stream.indirect_vreg.scatter [tilespmem:s15], [sflag:$0x5], $0x80, v18, vm0, $0xb8;
	[tilespmem:$0x18080] =	vst v63  }
.LBB2_6:
0xb2: {  	_ = 	snop  }
0xb3: {  	v19 =	vadd.s32 v2, v19  }
0xb4: {  	s7 =	simm.s32 $0x3  }
0xb5: {  	_ =	swait.ge [sflag:s7], $0x8000  }
0xb6: {  	[sflag:s7] =	ssyncset.done $0x0  }
0xb7: {  	s15 =	simm.s32 $0x10080;
	[sflag:s7] =	ssyncadd.s32 $0xFFFF8000  }
0xb8: {  	[hbm4b:s3+s4] =	stream.indirect_vreg.scatter [tilespmem:s15], [sflag:$0x6], $0x80, v19, vm0, $0xb8;
	[tilespmem:$0x18080] =	vst v63  }
0xb9: {  	s15 =	simm.s32 $0x10880  }
0xba: {  	[hbm4b:s8+s4] =	stream.indirect_vreg.scatter [tilespmem:s15], [sflag:$0x6], $0x80, v19, vm0, $0xb8;
	[tilespmem:$0x18080] =	vst v63  }
0xbb: {  	s15 =	simm.s32 $0x11080  }
0xbc: {  	[hbm4b:s9+s4] =	stream.indirect_vreg.scatter [tilespmem:s15], [sflag:$0x6], $0x80, v19, vm0, $0xb8;
	[tilespmem:$0x18080] =	vst v63  }
0xbd: {  	s15 =	simm.s32 $0x11880  }
0xbe: {  	[hbm4b:s10+s4] =	stream.indirect_vreg.scatter [tilespmem:s15], [sflag:$0x6], $0x80, v19, vm0, $0xb8;
	[tilespmem:$0x18080] =	vst v63  }
0xbf: {  	s15 =	simm.s32 $0x12080  }
0xc0: {  	[hbm4b:s11+s4] =	stream.indirect_vreg.scatter [tilespmem:s15], [sflag:$0x6], $0x80, v19, vm0, $0xb8;
	[tilespmem:$0x18080] =	vst v63  }
0xc1: {  	v18 =	vperm.xlane v18, v3;
	s15 =	simm.s32 $0x12880  }
0xc2: {  	[hbm4b:s12+s4] =	stream.indirect_vreg.scatter [tilespmem:s15], [sflag:$0x6], $0x80, v19, vm0, $0xb8;
	[tilespmem:$0x18080] =	vst v63  }
0xc3: {  	v18 =	vadd.s32 v2, v18;
	s15 =	simm.s32 $0x13080  }
0xc4: {  	[hbm4b:s13+s4] =	stream.indirect_vreg.scatter [tilespmem:s15], [sflag:$0x6], $0x80, v19, vm0, $0xb8;
	[tilespmem:$0x18080] =	vst v63  }
0xc5: {  	s15 =	simm.s32 $0x13880  }
0xc6: {  	[hbm4b:s14+s4] =	stream.indirect_vreg.scatter [tilespmem:s15], [sflag:$0x6], $0x80, v19, vm0, $0xb8;
	[tilespmem:$0x18080] =	vst v63  }
0xc7: {  	s15 =	simm.s32 $0x14080  }
0xc8: {  	[hbm4b:s3+s4] =	stream.indirect_vreg.scatter [tilespmem:s15], [sflag:$0x6], $0x80, v18, vm0, $0xb8;
	[tilespmem:$0x18080] =	vst v63  }
0xc9: {  	s15 =	simm.s32 $0x14880  }
0xca: {  	[hbm4b:s8+s4] =	stream.indirect_vreg.scatter [tilespmem:s15], [sflag:$0x6], $0x80, v18, vm0, $0xb8;
	[tilespmem:$0x18080] =	vst v63  }
0xcb: {  	s15 =	simm.s32 $0x15080  }
0xcc: {  	[hbm4b:s9+s4] =	stream.indirect_vreg.scatter [tilespmem:s15], [sflag:$0x6], $0x80, v18, vm0, $0xb8;
	[tilespmem:$0x18080] =	vst v63  }
0xcd: {  	s15 =	simm.s32 $0x15880  }
0xce: {  	[hbm4b:s10+s4] =	stream.indirect_vreg.scatter [tilespmem:s15], [sflag:$0x6], $0x80, v18, vm0, $0xb8;
	[tilespmem:$0x18080] =	vst v63  }
0xcf: {  	s15 =	simm.s32 $0x16080  }
0xd0: {  	[hbm4b:s11+s4] =	stream.indirect_vreg.scatter [tilespmem:s15], [sflag:$0x6], $0x80, v18, vm0, $0xb8;
	[tilespmem:$0x18080] =	vst v63  }
0xd1: {  	s15 =	simm.s32 $0x16880  }
0xd2: {  	[hbm4b:s12+s4] =	stream.indirect_vreg.scatter [tilespmem:s15], [sflag:$0x6], $0x80, v18, vm0, $0xb8;
	[tilespmem:$0x18080] =	vst v63  }
.Ltmp7:
0xd3: {  	_ = 	snop;
	(pc) =	sbr.rel .LBB2_7-.Ltmp7, $4  }
0xd4: {  	s15 =	simm.s32 $0x17080  }
0xd5: {  	[hbm4b:s13+s4] =	stream.indirect_vreg.scatter [tilespmem:s15], [sflag:$0x6], $0x80, v18, vm0, $0xb8;
	[tilespmem:$0x18080] =	vst v63  }
0xd6: {  	s15 =	simm.s32 $0x17880  }
0xd7: {  	[hbm4b:s14+s4] =	stream.indirect_vreg.scatter [tilespmem:s15], [sflag:$0x6], $0x80, v18, vm0, $0xb8;
	[tilespmem:$0x18080] =	vst v63  }
.LBB2_4:
0xd8: {  	s7 =	simm.s32 $0x1  }
0xd9: {  	_ =	swait.ge [sflag:s7], $0x8000  }
0xda: {  	[sflag:s7] =	ssyncset.done $0x0  }
0xdb: {  	[sflag:s7] =	ssyncadd.s32 $0xFFFF8000  }
0xdc: {  	[hbm4b:s3+s4] =	stream.indirect_vreg.scatter [tilespmem:s19], [sflag:$0x4], $0x80, v19, vm0, $0xb8;
	[tilespmem:$0x18080] =	vst v63  }
0xdd: {  	_ = 	snop  }
0xde: {  	[hbm4b:s8+s4] =	stream.indirect_vreg.scatter [tilespmem:s16], [sflag:$0x4], $0x80, v19, vm0, $0xb8;
	[tilespmem:$0x18080] =	vst v63  }
0xdf: {  	_ = 	snop  }
0xe0: {  	[hbm4b:s9+s4] =	stream.indirect_vreg.scatter [tilespmem:s5], [sflag:$0x4], $0x80, v19, vm0, $0xb8;
	[tilespmem:$0x18080] =	vst v63  }
0xe1: {  	_ = 	snop  }
0xe2: {  	[hbm4b:s10+s4] =	stream.indirect_vreg.scatter [tilespmem:s22], [sflag:$0x4], $0x80, v19, vm0, $0xb8;
	[tilespmem:$0x18080] =	vst v63  }
0xe3: {  	_ = 	snop  }
0xe4: {  	[hbm4b:s11+s4] =	stream.indirect_vreg.scatter [tilespmem:s23], [sflag:$0x4], $0x80, v19, vm0, $0xb8;
	[tilespmem:$0x18080] =	vst v63  }
0xe5: {  	v18 =	vperm.xlane v18, v3  }
0xe6: {  	[hbm4b:s12+s4] =	stream.indirect_vreg.scatter [tilespmem:s24], [sflag:$0x4], $0x80, v19, vm0, $0xb8;
	[tilespmem:$0x18080] =	vst v63  }
0xe7: {  	v18 =	vadd.s32 v2, v18  }
0xe8: {  	[hbm4b:s13+s4] =	stream.indirect_vreg.scatter [tilespmem:s25], [sflag:$0x4], $0x80, v19, vm0, $0xb8;
	[tilespmem:$0x18080] =	vst v63  }
0xe9: {  	_ = 	snop  }
0xea: {  	[hbm4b:s14+s4] =	stream.indirect_vreg.scatter [tilespmem:s26], [sflag:$0x4], $0x80, v19, vm0, $0xb8;
	[tilespmem:$0x18080] =	vst v63  }
0xeb: {  	_ = 	snop  }
0xec: {  	[hbm4b:s3+s4] =	stream.indirect_vreg.scatter [tilespmem:s28], [sflag:$0x4], $0x80, v18, vm0, $0xb8;
	[tilespmem:$0x18080] =	vst v63  }
0xed: {  	_ = 	snop  }
0xee: {  	[hbm4b:s8+s4] =	stream.indirect_vreg.scatter [tilespmem:s29], [sflag:$0x4], $0x80, v18, vm0, $0xb8;
	[tilespmem:$0x18080] =	vst v63  }
0xef: {  	_ = 	snop  }
0xf0: {  	[hbm4b:s9+s4] =	stream.indirect_vreg.scatter [tilespmem:s30], [sflag:$0x4], $0x80, v18, vm0, $0xb8;
	[tilespmem:$0x18080] =	vst v63  }
0xf1: {  	_ = 	snop  }
0xf2: {  	[hbm4b:s10+s4] =	stream.indirect_vreg.scatter [tilespmem:s31], [sflag:$0x4], $0x80, v18, vm0, $0xb8;
	[tilespmem:$0x18080] =	vst v63  }
0xf3: {  	_ = 	snop  }
0xf4: {  	[hbm4b:s11+s4] =	stream.indirect_vreg.scatter [tilespmem:s0], [sflag:$0x4], $0x80, v18, vm0, $0xb8;
	[tilespmem:$0x18080] =	vst v63  }
0xf5: {  	_ = 	snop  }
0xf6: {  	[hbm4b:s12+s4] =	stream.indirect_vreg.scatter [tilespmem:s2], [sflag:$0x4], $0x80, v18, vm0, $0xb8;
	[tilespmem:$0x18080] =	vst v63  }
0xf7: {  	_ = 	snop  }
0xf8: {  	[hbm4b:s13+s4] =	stream.indirect_vreg.scatter [tilespmem:s1], [sflag:$0x4], $0x80, v18, vm0, $0xb8;
	[tilespmem:$0x18080] =	vst v63  }
0xf9: {  	_ = 	snop  }
0xfa: {  	[hbm4b:s14+s4] =	stream.indirect_vreg.scatter [tilespmem:s6], [sflag:$0x4], $0x80, v18, vm0, $0xb8;
	[tilespmem:$0x18080] =	vst v63  }
.LBB2_7:
0xfb: {  	p0 =	seq.s32 s18, $0xF  }
.Ltmp8:
0xfc: {  	_ = 	snop;
	(pc) =	sbr.rel @p0 .LBB2_14-.Ltmp8, $1  }
0xfd: {  	_ =	sdelay $0x3  }
0xfe: {  	s7 =	sadd.s32 $0x1, s18  }
0xff: {  	s15 =	smul.u32 $0xAB, s7;
	_ =	sdelay $0x1  }
0x100: {  	s15 =	sshrl.u32 s15, $0x9  }
0x101: {  	s15 =	sand.u32 $0x7F, s15  }
0x102: {  	s15 =	smul.u32 $0x3, s15;
	_ =	sdelay $0x1  }
0x103: {  	s15 =	ssub.s32 s7, s15  }
0x104: {  	s15 =	sand.u32 $0xFF, s15  }
0x105: {  	p0 =	seq.s32 s15, $0x2  }
.Ltmp9:
0x106: {  	_ = 	snop;
	(pc) =	sbr.rel @p0 .LBB2_12-.Ltmp9, $1  }
0x107: {  	_ =	sdelay $0x3  }
0x108: {  	p1 =	seq.s32 s15, $0x1  }
.Ltmp10:
0x109: {  	_ = 	snop;
	(pc) =	sbr.rel @!p1 .LBB2_10-.Ltmp10, $2  }
0x10a: {  	_ =	sdelay $0x2  }
0x10b: {  	p0 =	slt.u32 s18, $0x2  }
.Ltmp11:
0x10c: {  	s15 =	simm.s32 @!p0 $0x5;
	(pc) =	sbr.rel .LBB2_13-.Ltmp11, $4  }
0x10d: {  	_ =	swait.ge @!p0 [sflag:s15], $0x8000  }
0x10e: {  	[sflag:s15] =	ssyncset.done @!p0 $0x0  }
0x10f: {  	s18 =	simm.s32 $0x8080;
	[sflag:s15] =	ssyncadd.s32 @!p0 $0xFFFF8000  }
0x110: {  	[tilespmem:s18], [sflag:$0x2] =	stream.linear.gather [hbm4b:s21+s4], $0x8000, $0x38;
	[tilespmem:$0x18080] =	vst v63  }
.LBB2_10:
.Ltmp12:
0x111: {  	s15 =	simm.s32 @!p0 $0x4;
	(pc) =	sbr.rel .LBB2_13-.Ltmp12, $4  }
0x112: {  	_ =	swait.ge @!p0 [sflag:s15], $0x8000  }
0x113: {  	[sflag:s15] =	ssyncset.done @!p0 $0x0  }
0x114: {  	[sflag:s15] =	ssyncadd.s32 @!p0 $0xFFFF8000  }
0x115: {  	[tilespmem:s19], [sflag:$0x1] =	stream.linear.gather [hbm4b:s21+s4], $0x8000, $0x38;
	[tilespmem:$0x18080] =	vst v63  }
.LBB2_14:
0x116: {  	s15 =	sld [smem:$0x7E7]  }
0x117: {  	s20 =	sld [smem:$0x7FB]  }
0x118: {  	s18 =	sld [smem:$0x7E9]  }
0x119: {  	s7 =	rddreg [dreg:$0xd]  }
0x11a: {  	s21 =	rddreg [dreg:$0xe]  }
0x11b: {  	s7 =	ssub.s32 s7, s15;
	p0 =	sgt.s32 s20, $0x0;
	s15 =	ssub.s32 s21, s18  }
0x11c: {  	s18 =	rddreg [dreg:$0xf];
	p1 =	sgt.s32 s7, $0x0;
	s20 =	simm.s32 @!p0 $0x0  }
0x11d: {  	[smem:$0x7FB] =	sst s20;
	s7 =	simm.s32 @!p1 $0x0  }
0x11e: {  	p0 =	sgt.s32 s15, $0x0;
	s21 =	sadd.s32 s7, s20;
	s20 =	sld [smem:$0x7EB]  }
0x11f: {  	s15 =	simm.s32 @!p0 $0x0;
	[smem:$0x7E1] =	sst s21  }
0x120: {  	s15 =	sadd.s32 s15, s21;
	s21 =	rddreg [dreg:$0x1c]  }
0x121: {  	s7 =	ssub.s32 s18, s20;
	s20 =	sld [smem:$0x7ED]  }
0x122: {  	[smem:$0x7E2] =	sst s15;
	p0 =	sgt.s32 s7, $0x0  }
0x123: {  	s18 =	rddreg [dreg:$0x10];
	s7 =	simm.s32 @!p0 $0x0  }
0x124: {  	s18 =	ssub.s32 s18, s20;
	s20 =	sadd.s32 s7, s15;
	s15 =	rddreg [dreg:$0x11]  }
0x125: {  	p0 =	sgt.s32 s18, $0x0;
	[smem:$0x7E3] =	sst s20  }
0x126: {  	s7 =	ssub.s32 s15, s21;
	s21 =	rddreg [dreg:$0x16];
	s18 =	simm.s32 @!p0 $0x0  }
0x127: {  	s20 =	sadd.s32 s18, s20;
	s18 =	rddreg [dreg:$0x12]  }
0x128: {  	p0 =	sgt.s32 s7, $0x0;
	s15 =	ssub.s32 s18, s21;
	s21 =	rddreg [dreg:$0x13]  }
0x129: {  	s7 =	simm.s32 @!p0 $0x0;
	p0 =	sgt.s32 s15, $0x0;
	s18 =	ssub.s32 $0x2400, s21  }
0x12a: {  	s7 =	sadd.s32 s7, s20;
	s15 =	simm.s32 @!p0 $0x0;
	p0 =	sgt.s32 s18, $0x0  }
0x12b: {  	[dreg:$0x1e] =	wrdreg s7;
	s7 =	sadd.s32 s15, s7;
	s18 =	simm.s32 @!p0 $0x0  }
0x12c: {  	[smem:$0x7E4] =	sst s20;
	s20 =	sadd.s32 s7, s18  }
0x12d: {  	[dreg:$0x18] =	wrdreg s7;
	s7 =	sadd.s32 $0x1F, s20  }
0x12e: {  	s15 =	simm.s32 $0x1;
	s18 =	sand.u32 $0x1F, s7  }
0x12f: {  	s21 =	sshra.s32 s7, $0x1F;
	p3 =	slt.s32 s7, $0x1;
	p4 =	sne.s32 s18, $0x0  }
0x130: {  	s18 =	sshrl.u32 s21, $0x1B;
	s21 =	simm.s32 $0x5;
	p0 =	por !p3, !p4  }
0x131: {  	s7 =	sadd.s32 s18, s7;
	_ =	swait.ge [sflag:s21], $0x8000;
	p0 =	por !p0, !p0  }
0x132: {  	s7 =	sshra.s32 s7, $0x5;
	[sflag:s21] =	ssyncset.done $0x0;
	s15 =	simm.s32 @!p0 $0x0  }
0x133: {  	[sflag:s21] =	ssyncadd.s32 $0xFFFF8000;
	s21 =	rddreg [dreg:$0x5];
	s7 =	ssub.s32 s7, s15  }
0x134: {  	_ =	swait.ge [sflag:s17], $0x8000;
	s21 =	smul.u32 s21, s7  }
0x135: {  	[sflag:s17] =	ssyncset.done $0x0  }
0x136: {  	s18 =	simm.s32 $0x4;
	[sflag:s17] =	ssyncadd.s32 $0xFFFF8000;
	s7 =	sadd.s32 s7, s21  }
0x137: {  	_ =	swait.ge [sflag:s18], $0x8000;
	p0 =	slt.s32 s7, s20  }
0x138: {  	[sflag:s18] =	ssyncset.done $0x0;
	s20 =	smov.u32 @p0 s7  }
0x139: {  	[sflag:s18] =	ssyncadd.s32 $0xFFFF8000;
	p0 =	sle.s32 s20, s21  }
0x13a: {  	s18 =	rddreg [dreg:$0x1];
	s7 =	simm.s32 @!p0 $0x0;
	s15 =	simm.s32 @!p0 $0x80  }
0x13b: {  	[tilespmem:s15], [sflag:$0x7] =	stream.linear.gather @!p0 [hbm4b:s18+s7], $0x8000, $0x38;
	[tilespmem:$0x18080] =	vst v63  }
0x13c: {  	s15 =	sld [smem:$0x7FB];
	_ =	sdelay $0x2  }
0x13d: {  	p1 =	sgt.s32 s21, $0x0;
	s7 =	smov.u32 s21;
	p2 =	slt.s32 s20, s15  }
0x13e: {  	s7 =	simm.s32 @!p1 $0x0;
	s15 =	smov.u32 @p2 s20  }
0x13f: {  	s18 =	ssub.s32 s15, s7  }
0x140: {  	p1 =	sgt.s32 s18, $0x0  }
0x141: {  	s18 =	simm.s32 @!p1 $0x0  }
0x142: {  	[dreg:$0x1a] =	wrdreg s21;
	s15 =	sadd.s32 $0xF, s18  }
0x143: {  	[dreg:$0x19] =	wrdreg s20;
	s21 =	sand.u32 $0xF, s15  }
0x144: {  	s20 =	sshra.s32 s15, $0x1F;
	p5 =	slt.s32 s15, $0x0;
	p6 =	sne.s32 s21, $0x0  }
0x145: {  	s20 =	sshrl.u32 s20, $0x1C;
	p1 =	por !p5, !p6  }
0x146: {  	s15 =	sadd.s32 s20, s15;
	s20 =	simm.s32 $0x1;
	p1 =	por !p1, !p1  }
0x147: {  	s15 =	sshra.s32 s15, $0x4;
	s20 =	simm.s32 @!p1 $0x0  }
0x148: {  	s15 =	ssub.s32 s15, s20  }
0x149: {  	p1 =	slt.s32 s15, $0x1  }
.Ltmp13:
0x14a: {  	_ = 	snop;
	(pc) =	sbr.rel @p1 .LBB2_20-.Ltmp13, $4  }
0x14b: {  	s21 =	simm.s32 @!p0 $0x7  }
0x14c: {  	_ =	swait.ge @!p0 [sflag:s21], $0x8000  }
0x14d: {  	[sflag:s21] =	ssyncset.done @!p0 $0x0  }
0x14e: {  	[sflag:s21] =	ssyncadd.s32 @!p0 $0xFFFF8000  }
0x14f: {  	s20 =	sld [smem:$0x7E5];
	_ =	sdelay $0x2  }
0x150: {  	s21 =	sadd.s32 s20, s7  }
0x151: {  	s7 =	sadd.s32 s18, s21  }
0x152: {  	s7 =	sadd.s32 $0xFFFFFFFF, s7  }
0x153: {  	v5 =	vadd.s32 s21, v0;
	v4 =	vmov s7  }
0x154: {  	vm1 =	vlt.s32 v5, v4  }
0x155: {  	v5 =	vsel vm1, v5, v4  }
0x156: {  	p1 =	sne.s32 s15, $0x1;
	v6 =	vshll.u32 v5, $0x4  }
.Ltmp14:
0x157: {  	v5 =	vand.u32 $0x7, v5;
	v6 =	vand.u32 $0xFFFFFF80, v6;
	(pc) =	sbr.rel @!p1 .LBB2_16-.Ltmp14, $3  }
0x158: {  	v5 =	vor.u32 v5, v6  }
0x159: {  	v6 =	vperm.xlane v5, v1;
	_ =	sdelay $0x1  }
0x15a: {  	p0 =	por $0x0, $0x0;
	s7 =	sadd.s32 $0xFFFFFFFF, s15;
	v7 =	vperm.xlane v5, v3;
	v6 =	vadd.s32 v2, v6  }
0x15b: {  	_ =	sdelay $0x3  }
0x15c: {  	[hbm4b:s3+s4] =	stream.indirect_vreg.scatter [tilespmem:s19], [sflag:$0x6], $0x80, v6, vm0, $0xb8;
	[tilespmem:$0x18080] =	vst v63  }
0x15d: {  	_ = 	snop  }
0x15e: {  	[hbm4b:s8+s4] =	stream.indirect_vreg.scatter [tilespmem:s16], [sflag:$0x6], $0x80, v6, vm0, $0xb8;
	[tilespmem:$0x18080] =	vst v63  }
0x15f: {  	_ = 	snop  }
0x160: {  	[hbm4b:s9+s4] =	stream.indirect_vreg.scatter [tilespmem:s5], [sflag:$0x6], $0x80, v6, vm0, $0xb8;
	[tilespmem:$0x18080] =	vst v63  }
0x161: {  	_ = 	snop  }
0x162: {  	[hbm4b:s10+s4] =	stream.indirect_vreg.scatter [tilespmem:s22], [sflag:$0x6], $0x80, v6, vm0, $0xb8;
	[tilespmem:$0x18080] =	vst v63  }
0x163: {  	_ = 	snop  }
0x164: {  	[hbm4b:s11+s4] =	stream.indirect_vreg.scatter [tilespmem:s23], [sflag:$0x6], $0x80, v6, vm0, $0xb8;
	[tilespmem:$0x18080] =	vst v63  }
0x165: {  	_ = 	snop  }
0x166: {  	[hbm4b:s12+s4] =	stream.indirect_vreg.scatter [tilespmem:s24], [sflag:$0x6], $0x80, v6, vm0, $0xb8;
	[tilespmem:$0x18080] =	vst v63  }
0x167: {  	v5 =	vadd.s32 v2, v7  }
0x168: {  	[hbm4b:s13+s4] =	stream.indirect_vreg.scatter [tilespmem:s25], [sflag:$0x6], $0x80, v6, vm0, $0xb8;
	[tilespmem:$0x18080] =	vst v63  }
0x169: {  	_ = 	snop  }
0x16a: {  	[hbm4b:s14+s4] =	stream.indirect_vreg.scatter [tilespmem:s26], [sflag:$0x6], $0x80, v6, vm0, $0xb8;
	[tilespmem:$0x18080] =	vst v63  }
0x16b: {  	_ = 	snop  }
0x16c: {  	[hbm4b:s3+s4] =	stream.indirect_vreg.scatter [tilespmem:s28], [sflag:$0x6], $0x80, v5, vm0, $0xb8;
	[tilespmem:$0x18080] =	vst v63  }
0x16d: {  	_ = 	snop  }
0x16e: {  	[hbm4b:s8+s4] =	stream.indirect_vreg.scatter [tilespmem:s29], [sflag:$0x6], $0x80, v5, vm0, $0xb8;
	[tilespmem:$0x18080] =	vst v63  }
0x16f: {  	s21 =	sadd.s32 $0x10, s21  }
0x170: {  	v6 =	vadd.s32 s21, v0;
	[hbm4b:s9+s4] =	stream.indirect_vreg.scatter [tilespmem:s30], [sflag:$0x6], $0x80, v5, vm0, $0xb8;
	[tilespmem:$0x18080] =	vst v63  }
0x171: {  	vm1 =	vlt.s32 v6, v4  }
0x172: {  	v6 =	vsel vm1, v6, v4;
	[hbm4b:s10+s4] =	stream.indirect_vreg.scatter [tilespmem:s31], [sflag:$0x6], $0x80, v5, vm0, $0xb8;
	[tilespmem:$0x18080] =	vst v63  }
0x173: {  	p1 =	sne.s32 s7, $0x1;
	v7 =	vshll.u32 v6, $0x4  }
0x174: {  	v6 =	vand.u32 $0x7, v6;
	v7 =	vand.u32 $0xFFFFFF80, v7;
	[hbm4b:s11+s4] =	stream.indirect_vreg.scatter [tilespmem:s0], [sflag:$0x6], $0x80, v5, vm0, $0xb8;
	[tilespmem:$0x18080] =	vst v63  }
.Ltmp15:
0x175: {  	v6 =	vor.u32 v6, v7;
	(pc) =	sbr.rel @!p1 .LBB2_19-.Ltmp15, $4  }
0x176: {  	v8 =	vperm.xlane v6, v1  }
0x177: {  	[hbm4b:s12+s4] =	stream.indirect_vreg.scatter [tilespmem:s2], [sflag:$0x6], $0x80, v5, vm0, $0xb8;
	[tilespmem:$0x18080] =	vst v63  }
0x178: {  	s7 =	sadd.s32 $0xFFFFFFFF, s7;
	p0 =	por $0x1, $0x1;
	v7 =	vperm.xlane v6, v3;
	v6 =	vadd.s32 v2, v8  }
0x179: {  	[hbm4b:s13+s4] =	stream.indirect_vreg.scatter [tilespmem:s1], [sflag:$0x6], $0x80, v5, vm0, $0xb8;
	[tilespmem:$0x18080] =	vst v63  }
.LBB2_18:
0x17a: {  	_ = 	snop  }
0x17b: {  	[hbm4b:s14+s4] =	stream.indirect_vreg.scatter [tilespmem:s6], [sflag:$0x6], $0x80, v5, vm0, $0xb8;
	[tilespmem:$0x18080] =	vst v63  }
0x17c: {  	p1 =	sne.s32 s7, $0x1;
	s7 =	sadd.s32 $0xFFFFFFFF, s7  }
0x17d: {  	[hbm4b:s3+s4] =	stream.indirect_vreg.scatter [tilespmem:s19], [sflag:$0x6], $0x80, v6, vm0, $0xb8;
	[tilespmem:$0x18080] =	vst v63  }
0x17e: {  	_ = 	snop  }
0x17f: {  	[hbm4b:s8+s4] =	stream.indirect_vreg.scatter [tilespmem:s16], [sflag:$0x6], $0x80, v6, vm0, $0xb8;
	[tilespmem:$0x18080] =	vst v63  }
0x180: {  	_ = 	snop  }
0x181: {  	[hbm4b:s9+s4] =	stream.indirect_vreg.scatter [tilespmem:s5], [sflag:$0x6], $0x80, v6, vm0, $0xb8;
	[tilespmem:$0x18080] =	vst v63  }
0x182: {  	_ = 	snop  }
0x183: {  	[hbm4b:s10+s4] =	stream.indirect_vreg.scatter [tilespmem:s22], [sflag:$0x6], $0x80, v6, vm0, $0xb8;
	[tilespmem:$0x18080] =	vst v63  }
0x184: {  	_ = 	snop  }
0x185: {  	[hbm4b:s11+s4] =	stream.indirect_vreg.scatter [tilespmem:s23], [sflag:$0x6], $0x80, v6, vm0, $0xb8;
	[tilespmem:$0x18080] =	vst v63  }
0x186: {  	_ = 	snop  }
0x187: {  	[hbm4b:s12+s4] =	stream.indirect_vreg.scatter [tilespmem:s24], [sflag:$0x6], $0x80, v6, vm0, $0xb8;
	[tilespmem:$0x18080] =	vst v63  }
0x188: {  	v5 =	vadd.s32 v2, v7  }
0x189: {  	[hbm4b:s13+s4] =	stream.indirect_vreg.scatter [tilespmem:s25], [sflag:$0x6], $0x80, v6, vm0, $0xb8;
	[tilespmem:$0x18080] =	vst v63  }
0x18a: {  	_ = 	snop  }
0x18b: {  	[hbm4b:s14+s4] =	stream.indirect_vreg.scatter [tilespmem:s26], [sflag:$0x6], $0x80, v6, vm0, $0xb8;
	[tilespmem:$0x18080] =	vst v63  }
0x18c: {  	_ = 	snop  }
0x18d: {  	[hbm4b:s3+s4] =	stream.indirect_vreg.scatter [tilespmem:s28], [sflag:$0x6], $0x80, v5, vm0, $0xb8;
	[tilespmem:$0x18080] =	vst v63  }
0x18e: {  	s21 =	sadd.s32 $0x10, s21  }
0x18f: {  	[hbm4b:s8+s4] =	stream.indirect_vreg.scatter [tilespmem:s29], [sflag:$0x6], $0x80, v5, vm0, $0xb8;
	[tilespmem:$0x18080] =	vst v63  }
0x190: {  	v6 =	vadd.s32 s21, v0  }
0x191: {  	vm1 =	vlt.s32 v6, v4;
	[hbm4b:s9+s4] =	stream.indirect_vreg.scatter [tilespmem:s30], [sflag:$0x6], $0x80, v5, vm0, $0xb8;
	[tilespmem:$0x18080] =	vst v63  }
0x192: {  	v6 =	vsel vm1, v6, v4  }
0x193: {  	v7 =	vshll.u32 v6, $0x4;
	[hbm4b:s10+s4] =	stream.indirect_vreg.scatter [tilespmem:s31], [sflag:$0x6], $0x80, v5, vm0, $0xb8;
	[tilespmem:$0x18080] =	vst v63  }
0x194: {  	v6 =	vand.u32 $0x7, v6;
	v7 =	vand.u32 $0xFFFFFF80, v7  }
0x195: {  	[hbm4b:s11+s4] =	stream.indirect_vreg.scatter [tilespmem:s0], [sflag:$0x6], $0x80, v5, vm0, $0xb8;
	[tilespmem:$0x18080] =	vst v63  }
.Ltmp16:
0x196: {  	v6 =	vor.u32 v6, v7;
	(pc) =	sbr.rel @p1 .LBB2_18-.Ltmp16, $4  }
0x197: {  	v8 =	vperm.xlane v6, v1;
	v7 =	vperm.xlane v6, v3  }
0x198: {  	[hbm4b:s12+s4] =	stream.indirect_vreg.scatter [tilespmem:s2], [sflag:$0x6], $0x80, v5, vm0, $0xb8;
	[tilespmem:$0x18080] =	vst v63  }
0x199: {  	v6 =	vadd.s32 v2, v8  }
0x19a: {  	[hbm4b:s13+s4] =	stream.indirect_vreg.scatter [tilespmem:s1], [sflag:$0x6], $0x80, v5, vm0, $0xb8;
	[tilespmem:$0x18080] =	vst v63  }
.LBB2_19:
0x19b: {  	_ =	sdelay $0x3  }
0x19c: {  	[hbm4b:s14+s4] =	stream.indirect_vreg.scatter @p0 [tilespmem:s6], [sflag:$0x6], $0x80, v5, vm0, $0xb8;
	[tilespmem:$0x18080] =	vst v63  }
0x19d: {  	_ = 	snop  }
0x19e: {  	[hbm4b:s3+s4] =	stream.indirect_vreg.scatter [tilespmem:s19], [sflag:$0x6], $0x80, v6, vm0, $0xb8;
	[tilespmem:$0x18080] =	vst v63  }
0x19f: {  	_ = 	snop  }
0x1a0: {  	[hbm4b:s8+s4] =	stream.indirect_vreg.scatter [tilespmem:s16], [sflag:$0x6], $0x80, v6, vm0, $0xb8;
	[tilespmem:$0x18080] =	vst v63  }
0x1a1: {  	_ = 	snop  }
0x1a2: {  	[hbm4b:s9+s4] =	stream.indirect_vreg.scatter [tilespmem:s5], [sflag:$0x6], $0x80, v6, vm0, $0xb8;
	[tilespmem:$0x18080] =	vst v63  }
0x1a3: {  	_ = 	snop  }
0x1a4: {  	[hbm4b:s10+s4] =	stream.indirect_vreg.scatter [tilespmem:s22], [sflag:$0x6], $0x80, v6, vm0, $0xb8;
	[tilespmem:$0x18080] =	vst v63  }
0x1a5: {  	_ = 	snop  }
0x1a6: {  	[hbm4b:s11+s4] =	stream.indirect_vreg.scatter [tilespmem:s23], [sflag:$0x6], $0x80, v6, vm0, $0xb8;
	[tilespmem:$0x18080] =	vst v63  }
0x1a7: {  	_ = 	snop  }
0x1a8: {  	[hbm4b:s12+s4] =	stream.indirect_vreg.scatter [tilespmem:s24], [sflag:$0x6], $0x80, v6, vm0, $0xb8;
	[tilespmem:$0x18080] =	vst v63  }
0x1a9: {  	v4 =	vadd.s32 v2, v7  }
0x1aa: {  	[hbm4b:s13+s4] =	stream.indirect_vreg.scatter [tilespmem:s25], [sflag:$0x6], $0x80, v6, vm0, $0xb8;
	[tilespmem:$0x18080] =	vst v63  }
0x1ab: {  	_ = 	snop  }
0x1ac: {  	[hbm4b:s14+s4] =	stream.indirect_vreg.scatter [tilespmem:s26], [sflag:$0x6], $0x80, v6, vm0, $0xb8;
	[tilespmem:$0x18080] =	vst v63  }
0x1ad: {  	_ = 	snop  }
0x1ae: {  	[hbm4b:s3+s4] =	stream.indirect_vreg.scatter [tilespmem:s28], [sflag:$0x6], $0x80, v4, vm0, $0xb8;
	[tilespmem:$0x18080] =	vst v63  }
0x1af: {  	_ = 	snop  }
0x1b0: {  	[hbm4b:s8+s4] =	stream.indirect_vreg.scatter [tilespmem:s29], [sflag:$0x6], $0x80, v4, vm0, $0xb8;
	[tilespmem:$0x18080] =	vst v63  }
0x1b1: {  	_ = 	snop  }
0x1b2: {  	[hbm4b:s9+s4] =	stream.indirect_vreg.scatter [tilespmem:s30], [sflag:$0x6], $0x80, v4, vm0, $0xb8;
	[tilespmem:$0x18080] =	vst v63  }
0x1b3: {  	_ = 	snop  }
0x1b4: {  	[hbm4b:s10+s4] =	stream.indirect_vreg.scatter [tilespmem:s31], [sflag:$0x6], $0x80, v4, vm0, $0xb8;
	[tilespmem:$0x18080] =	vst v63  }
0x1b5: {  	_ = 	snop  }
0x1b6: {  	[hbm4b:s11+s4] =	stream.indirect_vreg.scatter [tilespmem:s0], [sflag:$0x6], $0x80, v4, vm0, $0xb8;
	[tilespmem:$0x18080] =	vst v63  }
0x1b7: {  	_ = 	snop  }
0x1b8: {  	[hbm4b:s12+s4] =	stream.indirect_vreg.scatter [tilespmem:s2], [sflag:$0x6], $0x80, v4, vm0, $0xb8;
	[tilespmem:$0x18080] =	vst v63  }
0x1b9: {  	_ = 	snop  }
0x1ba: {  	[hbm4b:s13+s4] =	stream.indirect_vreg.scatter [tilespmem:s1], [sflag:$0x6], $0x80, v4, vm0, $0xb8;
	[tilespmem:$0x18080] =	vst v63  }
0x1bb: {  	_ = 	snop  }
0x1bc: {  	[hbm4b:s14+s4] =	stream.indirect_vreg.scatter [tilespmem:s6], [sflag:$0x6], $0x80, v4, vm0, $0xb8;
	[tilespmem:$0x18080] =	vst v63  }
.LBB2_20:
0x1bd: {  	[dreg:$0x15] =	wrdreg s15  }
0x1be: {  	s21 =	sld [smem:$0x7FB]  }
0x1bf: {  	s15 =	sld [smem:$0x7E1]  }
0x1c0: {  	s18 =	rddreg [dreg:$0x1a]  }
0x1c1: {  	s20 =	rddreg [dreg:$0x19]  }
0x1c2: {  	p0 =	sgt.s32 s18, s21;
	s7 =	smov.u32 s21;
	p1 =	slt.s32 s20, s15  }
0x1c3: {  	s7 =	smov.u32 @p0 s18;
	s15 =	smov.u32 @p1 s20  }
0x1c4: {  	s18 =	ssub.s32 s15, s7  }
0x1c5: {  	p0 =	sgt.s32 s18, $0x0  }
0x1c6: {  	s18 =	simm.s32 @!p0 $0x0  }
0x1c7: {  	s15 =	sadd.s32 $0xF, s18  }
0x1c8: {  	s20 =	sand.u32 $0xF, s15  }
0x1c9: {  	p6 =	slt.s32 s15, $0x0;
	p5 =	sne.s32 s20, $0x0;
	s20 =	sshra.s32 s15, $0x1F  }
0x1ca: {  	s20 =	sshrl.u32 s20, $0x1C;
	p0 =	por !p6, !p5  }
0x1cb: {  	s15 =	sadd.s32 s20, s15;
	p0 =	por !p0, !p0;
	s20 =	simm.s32 $0x1  }
0x1cc: {  	s15 =	sshra.s32 s15, $0x4;
	s20 =	simm.s32 @!p0 $0x0  }
0x1cd: {  	s20 =	ssub.s32 s15, s20  }
0x1ce: {  	p0 =	slt.s32 s20, $0x1  }
.Ltmp17:
0x1cf: {  	_ = 	snop;
	(pc) =	sbr.rel @p0 .LBB2_26-.Ltmp17, $1  }
0x1d0: {  	_ =	sdelay $0x3  }
0x1d1: {  	s15 =	sld [smem:$0x7E8];
	_ =	sdelay $0x1  }
0x1d2: {  	s7 =	ssub.s32 s7, s21  }
0x1d3: {  	s15 =	sadd.s32 s7, s15  }
0x1d4: {  	s7 =	sadd.s32 s18, s15  }
0x1d5: {  	s7 =	sadd.s32 $0xFFFFFFFF, s7  }
0x1d6: {  	v5 =	vadd.s32 s15, v0;
	v4 =	vmov s7  }
0x1d7: {  	vm1 =	vlt.s32 v5, v4  }
0x1d8: {  	v5 =	vsel vm1, v5, v4  }
0x1d9: {  	p1 =	sne.s32 s20, $0x1;
	v6 =	vshll.u32 v5, $0x4  }
.Ltmp18:
0x1da: {  	v5 =	vand.u32 $0x7, v5;
	v6 =	vand.u32 $0xFFFFFF80, v6;
	(pc) =	sbr.rel @!p1 .LBB2_22-.Ltmp18, $3  }
0x1db: {  	v5 =	vor.u32 v5, v6  }
0x1dc: {  	v6 =	vperm.xlane v5, v1;
	_ =	sdelay $0x1  }
0x1dd: {  	p0 =	por $0x0, $0x0;
	s7 =	sadd.s32 $0xFFFFFFFF, s20;
	v7 =	vperm.xlane v5, v3;
	v6 =	vadd.s32 v2, v6  }
0x1de: {  	_ =	sdelay $0x3  }
0x1df: {  	[hbm4b:s3+s4] =	stream.indirect_vreg.scatter [tilespmem:s19], [sflag:$0x6], $0x80, v6, vm0, $0xb8;
	[tilespmem:$0x18080] =	vst v63  }
0x1e0: {  	_ = 	snop  }
0x1e1: {  	[hbm4b:s8+s4] =	stream.indirect_vreg.scatter [tilespmem:s16], [sflag:$0x6], $0x80, v6, vm0, $0xb8;
	[tilespmem:$0x18080] =	vst v63  }
0x1e2: {  	_ = 	snop  }
0x1e3: {  	[hbm4b:s9+s4] =	stream.indirect_vreg.scatter [tilespmem:s5], [sflag:$0x6], $0x80, v6, vm0, $0xb8;
	[tilespmem:$0x18080] =	vst v63  }
0x1e4: {  	_ = 	snop  }
0x1e5: {  	[hbm4b:s10+s4] =	stream.indirect_vreg.scatter [tilespmem:s22], [sflag:$0x6], $0x80, v6, vm0, $0xb8;
	[tilespmem:$0x18080] =	vst v63  }
0x1e6: {  	_ = 	snop  }
0x1e7: {  	[hbm4b:s11+s4] =	stream.indirect_vreg.scatter [tilespmem:s23], [sflag:$0x6], $0x80, v6, vm0, $0xb8;
	[tilespmem:$0x18080] =	vst v63  }
0x1e8: {  	_ = 	snop  }
0x1e9: {  	[hbm4b:s12+s4] =	stream.indirect_vreg.scatter [tilespmem:s24], [sflag:$0x6], $0x80, v6, vm0, $0xb8;
	[tilespmem:$0x18080] =	vst v63  }
0x1ea: {  	v5 =	vadd.s32 v2, v7  }
0x1eb: {  	[hbm4b:s13+s4] =	stream.indirect_vreg.scatter [tilespmem:s25], [sflag:$0x6], $0x80, v6, vm0, $0xb8;
	[tilespmem:$0x18080] =	vst v63  }
0x1ec: {  	_ = 	snop  }
0x1ed: {  	[hbm4b:s14+s4] =	stream.indirect_vreg.scatter [tilespmem:s26], [sflag:$0x6], $0x80, v6, vm0, $0xb8;
	[tilespmem:$0x18080] =	vst v63  }
0x1ee: {  	_ = 	snop  }
0x1ef: {  	[hbm4b:s3+s4] =	stream.indirect_vreg.scatter [tilespmem:s28], [sflag:$0x6], $0x80, v5, vm0, $0xb8;
	[tilespmem:$0x18080] =	vst v63  }
0x1f0: {  	_ = 	snop  }
0x1f1: {  	[hbm4b:s8+s4] =	stream.indirect_vreg.scatter [tilespmem:s29], [sflag:$0x6], $0x80, v5, vm0, $0xb8;
	[tilespmem:$0x18080] =	vst v63  }
0x1f2: {  	s15 =	sadd.s32 $0x10, s15  }
0x1f3: {  	v6 =	vadd.s32 s15, v0;
	[hbm4b:s9+s4] =	stream.indirect_vreg.scatter [tilespmem:s30], [sflag:$0x6], $0x80, v5, vm0, $0xb8;
	[tilespmem:$0x18080] =	vst v63  }
0x1f4: {  	vm1 =	vlt.s32 v6, v4  }
0x1f5: {  	v6 =	vsel vm1, v6, v4;
	[hbm4b:s10+s4] =	stream.indirect_vreg.scatter [tilespmem:s31], [sflag:$0x6], $0x80, v5, vm0, $0xb8;
	[tilespmem:$0x18080] =	vst v63  }
0x1f6: {  	p1 =	sne.s32 s7, $0x1;
	v7 =	vshll.u32 v6, $0x4  }
0x1f7: {  	v6 =	vand.u32 $0x7, v6;
	v7 =	vand.u32 $0xFFFFFF80, v7;
	[hbm4b:s11+s4] =	stream.indirect_vreg.scatter [tilespmem:s0], [sflag:$0x6], $0x80, v5, vm0, $0xb8;
	[tilespmem:$0x18080] =	vst v63  }
.Ltmp19:
0x1f8: {  	v6 =	vor.u32 v6, v7;
	(pc) =	sbr.rel @!p1 .LBB2_25-.Ltmp19, $4  }
0x1f9: {  	v8 =	vperm.xlane v6, v1  }
0x1fa: {  	[hbm4b:s12+s4] =	stream.indirect_vreg.scatter [tilespmem:s2], [sflag:$0x6], $0x80, v5, vm0, $0xb8;
	[tilespmem:$0x18080] =	vst v63  }
0x1fb: {  	s7 =	sadd.s32 $0xFFFFFFFF, s7;
	p0 =	por $0x1, $0x1;
	v7 =	vperm.xlane v6, v3;
	v6 =	vadd.s32 v2, v8  }
0x1fc: {  	[hbm4b:s13+s4] =	stream.indirect_vreg.scatter [tilespmem:s1], [sflag:$0x6], $0x80, v5, vm0, $0xb8;
	[tilespmem:$0x18080] =	vst v63  }
.LBB2_24:
0x1fd: {  	_ = 	snop  }
0x1fe: {  	[hbm4b:s14+s4] =	stream.indirect_vreg.scatter [tilespmem:s6], [sflag:$0x6], $0x80, v5, vm0, $0xb8;
	[tilespmem:$0x18080] =	vst v63  }
0x1ff: {  	p1 =	sne.s32 s7, $0x1;
	s7 =	sadd.s32 $0xFFFFFFFF, s7  }
0x200: {  	[hbm4b:s3+s4] =	stream.indirect_vreg.scatter [tilespmem:s19], [sflag:$0x6], $0x80, v6, vm0, $0xb8;
	[tilespmem:$0x18080] =	vst v63  }
0x201: {  	_ = 	snop  }
0x202: {  	[hbm4b:s8+s4] =	stream.indirect_vreg.scatter [tilespmem:s16], [sflag:$0x6], $0x80, v6, vm0, $0xb8;
	[tilespmem:$0x18080] =	vst v63  }
0x203: {  	_ = 	snop  }
0x204: {  	[hbm4b:s9+s4] =	stream.indirect_vreg.scatter [tilespmem:s5], [sflag:$0x6], $0x80, v6, vm0, $0xb8;
	[tilespmem:$0x18080] =	vst v63  }
0x205: {  	_ = 	snop  }
0x206: {  	[hbm4b:s10+s4] =	stream.indirect_vreg.scatter [tilespmem:s22], [sflag:$0x6], $0x80, v6, vm0, $0xb8;
	[tilespmem:$0x18080] =	vst v63  }
0x207: {  	_ = 	snop  }
0x208: {  	[hbm4b:s11+s4] =	stream.indirect_vreg.scatter [tilespmem:s23], [sflag:$0x6], $0x80, v6, vm0, $0xb8;
	[tilespmem:$0x18080] =	vst v63  }
0x209: {  	_ = 	snop  }
0x20a: {  	[hbm4b:s12+s4] =	stream.indirect_vreg.scatter [tilespmem:s24], [sflag:$0x6], $0x80, v6, vm0, $0xb8;
	[tilespmem:$0x18080] =	vst v63  }
0x20b: {  	v5 =	vadd.s32 v2, v7  }
0x20c: {  	[hbm4b:s13+s4] =	stream.indirect_vreg.scatter [tilespmem:s25], [sflag:$0x6], $0x80, v6, vm0, $0xb8;
	[tilespmem:$0x18080] =	vst v63  }
0x20d: {  	_ = 	snop  }
0x20e: {  	[hbm4b:s14+s4] =	stream.indirect_vreg.scatter [tilespmem:s26], [sflag:$0x6], $0x80, v6, vm0, $0xb8;
	[tilespmem:$0x18080] =	vst v63  }
0x20f: {  	_ = 	snop  }
0x210: {  	[hbm4b:s3+s4] =	stream.indirect_vreg.scatter [tilespmem:s28], [sflag:$0x6], $0x80, v5, vm0, $0xb8;
	[tilespmem:$0x18080] =	vst v63  }
0x211: {  	s15 =	sadd.s32 $0x10, s15  }
0x212: {  	[hbm4b:s8+s4] =	stream.indirect_vreg.scatter [tilespmem:s29], [sflag:$0x6], $0x80, v5, vm0, $0xb8;
	[tilespmem:$0x18080] =	vst v63  }
0x213: {  	v6 =	vadd.s32 s15, v0  }
0x214: {  	vm1 =	vlt.s32 v6, v4;
	[hbm4b:s9+s4] =	stream.indirect_vreg.scatter [tilespmem:s30], [sflag:$0x6], $0x80, v5, vm0, $0xb8;
	[tilespmem:$0x18080] =	vst v63  }
0x215: {  	v6 =	vsel vm1, v6, v4  }
0x216: {  	v7 =	vshll.u32 v6, $0x4;
	[hbm4b:s10+s4] =	stream.indirect_vreg.scatter [tilespmem:s31], [sflag:$0x6], $0x80, v5, vm0, $0xb8;
	[tilespmem:$0x18080] =	vst v63  }
0x217: {  	v6 =	vand.u32 $0x7, v6;
	v7 =	vand.u32 $0xFFFFFF80, v7  }
0x218: {  	[hbm4b:s11+s4] =	stream.indirect_vreg.scatter [tilespmem:s0], [sflag:$0x6], $0x80, v5, vm0, $0xb8;
	[tilespmem:$0x18080] =	vst v63  }
.Ltmp20:
0x219: {  	v6 =	vor.u32 v6, v7;
	(pc) =	sbr.rel @p1 .LBB2_24-.Ltmp20, $4  }
0x21a: {  	v8 =	vperm.xlane v6, v1;
	v7 =	vperm.xlane v6, v3  }
0x21b: {  	[hbm4b:s12+s4] =	stream.indirect_vreg.scatter [tilespmem:s2], [sflag:$0x6], $0x80, v5, vm0, $0xb8;
	[tilespmem:$0x18080] =	vst v63  }
0x21c: {  	v6 =	vadd.s32 v2, v8  }
0x21d: {  	[hbm4b:s13+s4] =	stream.indirect_vreg.scatter [tilespmem:s1], [sflag:$0x6], $0x80, v5, vm0, $0xb8;
	[tilespmem:$0x18080] =	vst v63  }
.LBB2_25:
0x21e: {  	_ =	sdelay $0x3  }
0x21f: {  	[hbm4b:s14+s4] =	stream.indirect_vreg.scatter @p0 [tilespmem:s6], [sflag:$0x6], $0x80, v5, vm0, $0xb8;
	[tilespmem:$0x18080] =	vst v63  }
0x220: {  	_ = 	snop  }
0x221: {  	[hbm4b:s3+s4] =	stream.indirect_vreg.scatter [tilespmem:s19], [sflag:$0x6], $0x80, v6, vm0, $0xb8;
	[tilespmem:$0x18080] =	vst v63  }
0x222: {  	_ = 	snop  }
0x223: {  	[hbm4b:s8+s4] =	stream.indirect_vreg.scatter [tilespmem:s16], [sflag:$0x6], $0x80, v6, vm0, $0xb8;
	[tilespmem:$0x18080] =	vst v63  }
0x224: {  	_ = 	snop  }
0x225: {  	[hbm4b:s9+s4] =	stream.indirect_vreg.scatter [tilespmem:s5], [sflag:$0x6], $0x80, v6, vm0, $0xb8;
	[tilespmem:$0x18080] =	vst v63  }
0x226: {  	_ = 	snop  }
0x227: {  	[hbm4b:s10+s4] =	stream.indirect_vreg.scatter [tilespmem:s22], [sflag:$0x6], $0x80, v6, vm0, $0xb8;
	[tilespmem:$0x18080] =	vst v63  }
0x228: {  	_ = 	snop  }
0x229: {  	[hbm4b:s11+s4] =	stream.indirect_vreg.scatter [tilespmem:s23], [sflag:$0x6], $0x80, v6, vm0, $0xb8;
	[tilespmem:$0x18080] =	vst v63  }
0x22a: {  	_ = 	snop  }
0x22b: {  	[hbm4b:s12+s4] =	stream.indirect_vreg.scatter [tilespmem:s24], [sflag:$0x6], $0x80, v6, vm0, $0xb8;
	[tilespmem:$0x18080] =	vst v63  }
0x22c: {  	v4 =	vadd.s32 v2, v7  }
0x22d: {  	[hbm4b:s13+s4] =	stream.indirect_vreg.scatter [tilespmem:s25], [sflag:$0x6], $0x80, v6, vm0, $0xb8;
	[tilespmem:$0x18080] =	vst v63  }
0x22e: {  	_ = 	snop  }
0x22f: {  	[hbm4b:s14+s4] =	stream.indirect_vreg.scatter [tilespmem:s26], [sflag:$0x6], $0x80, v6, vm0, $0xb8;
	[tilespmem:$0x18080] =	vst v63  }
0x230: {  	_ = 	snop  }
0x231: {  	[hbm4b:s3+s4] =	stream.indirect_vreg.scatter [tilespmem:s28], [sflag:$0x6], $0x80, v4, vm0, $0xb8;
	[tilespmem:$0x18080] =	vst v63  }
0x232: {  	_ = 	snop  }
0x233: {  	[hbm4b:s8+s4] =	stream.indirect_vreg.scatter [tilespmem:s29], [sflag:$0x6], $0x80, v4, vm0, $0xb8;
	[tilespmem:$0x18080] =	vst v63  }
0x234: {  	_ = 	snop  }
0x235: {  	[hbm4b:s9+s4] =	stream.indirect_vreg.scatter [tilespmem:s30], [sflag:$0x6], $0x80, v4, vm0, $0xb8;
	[tilespmem:$0x18080] =	vst v63  }
0x236: {  	_ = 	snop  }
0x237: {  	[hbm4b:s10+s4] =	stream.indirect_vreg.scatter [tilespmem:s31], [sflag:$0x6], $0x80, v4, vm0, $0xb8;
	[tilespmem:$0x18080] =	vst v63  }
0x238: {  	_ = 	snop  }
0x239: {  	[hbm4b:s11+s4] =	stream.indirect_vreg.scatter [tilespmem:s0], [sflag:$0x6], $0x80, v4, vm0, $0xb8;
	[tilespmem:$0x18080] =	vst v63  }
0x23a: {  	_ = 	snop  }
0x23b: {  	[hbm4b:s12+s4] =	stream.indirect_vreg.scatter [tilespmem:s2], [sflag:$0x6], $0x80, v4, vm0, $0xb8;
	[tilespmem:$0x18080] =	vst v63  }
0x23c: {  	_ = 	snop  }
0x23d: {  	[hbm4b:s13+s4] =	stream.indirect_vreg.scatter [tilespmem:s1], [sflag:$0x6], $0x80, v4, vm0, $0xb8;
	[tilespmem:$0x18080] =	vst v63  }
0x23e: {  	_ = 	snop  }
0x23f: {  	[hbm4b:s14+s4] =	stream.indirect_vreg.scatter [tilespmem:s6], [sflag:$0x6], $0x80, v4, vm0, $0xb8;
	[tilespmem:$0x18080] =	vst v63  }
.LBB2_26:
0x240: {  	[dreg:$0x1b] =	wrdreg s20  }
0x241: {  	s21 =	sld [smem:$0x7E1]  }
0x242: {  	s15 =	sld [smem:$0x7E2]  }
0x243: {  	s18 =	rddreg [dreg:$0x1a]  }
0x244: {  	s20 =	rddreg [dreg:$0x19]  }
0x245: {  	p0 =	sgt.s32 s18, s21;
	s7 =	smov.u32 s21;
	p1 =	slt.s32 s20, s15  }
0x246: {  	s7 =	smov.u32 @p0 s18;
	s15 =	smov.u32 @p1 s20  }
0x247: {  	s15 =	ssub.s32 s15, s7  }
0x248: {  	p0 =	sgt.s32 s15, $0x0  }
0x249: {  	s15 =	simm.s32 @!p0 $0x0  }
0x24a: {  	s18 =	sadd.s32 $0xF, s15  }
0x24b: {  	s20 =	sand.u32 $0xF, s18  }
0x24c: {  	p6 =	slt.s32 s18, $0x0;
	p5 =	sne.s32 s20, $0x0;
	s20 =	sshra.s32 s18, $0x1F  }
0x24d: {  	s20 =	sshrl.u32 s20, $0x1C;
	p0 =	por !p6, !p5  }
0x24e: {  	s18 =	sadd.s32 s20, s18;
	p0 =	por !p0, !p0;
	s20 =	simm.s32 $0x1  }
0x24f: {  	s18 =	sshra.s32 s18, $0x4;
	s20 =	simm.s32 @!p0 $0x0  }
0x250: {  	s18 =	ssub.s32 s18, s20  }
0x251: {  	p0 =	slt.s32 s18, $0x1  }
.Ltmp21:
0x252: {  	_ = 	snop;
	(pc) =	sbr.rel @p0 .LBB2_32-.Ltmp21, $1  }
0x253: {  	_ =	sdelay $0x3  }
0x254: {  	s20 =	sld [smem:$0x7EA];
	_ =	sdelay $0x1  }
0x255: {  	s7 =	ssub.s32 s7, s21  }
0x256: {  	s7 =	sadd.s32 s7, s20  }
0x257: {  	s15 =	sadd.s32 s15, s7  }
0x258: {  	s15 =	sadd.s32 $0xFFFFFFFF, s15  }
0x259: {  	v5 =	vadd.s32 s7, v0;
	v4 =	vmov s15  }
0x25a: {  	vm1 =	vlt.s32 v5, v4  }
0x25b: {  	v5 =	vsel vm1, v5, v4  }
0x25c: {  	p1 =	sne.s32 s18, $0x1;
	v6 =	vshll.u32 v5, $0x4  }
.Ltmp22:
0x25d: {  	v5 =	vand.u32 $0x7, v5;
	v6 =	vand.u32 $0xFFFFFF80, v6;
	(pc) =	sbr.rel @!p1 .LBB2_28-.Ltmp22, $3  }
0x25e: {  	v5 =	vor.u32 v5, v6  }
0x25f: {  	v6 =	vperm.xlane v5, v1;
	_ =	sdelay $0x1  }
0x260: {  	p0 =	por $0x0, $0x0;
	s15 =	sadd.s32 $0xFFFFFFFF, s18;
	v7 =	vperm.xlane v5, v3;
	v6 =	vadd.s32 v2, v6  }
0x261: {  	_ =	sdelay $0x3  }
0x262: {  	[hbm4b:s3+s4] =	stream.indirect_vreg.scatter [tilespmem:s19], [sflag:$0x6], $0x80, v6, vm0, $0xb8;
	[tilespmem:$0x18080] =	vst v63  }
0x263: {  	_ = 	snop  }
0x264: {  	[hbm4b:s8+s4] =	stream.indirect_vreg.scatter [tilespmem:s16], [sflag:$0x6], $0x80, v6, vm0, $0xb8;
	[tilespmem:$0x18080] =	vst v63  }
0x265: {  	_ = 	snop  }
0x266: {  	[hbm4b:s9+s4] =	stream.indirect_vreg.scatter [tilespmem:s5], [sflag:$0x6], $0x80, v6, vm0, $0xb8;
	[tilespmem:$0x18080] =	vst v63  }
0x267: {  	_ = 	snop  }
0x268: {  	[hbm4b:s10+s4] =	stream.indirect_vreg.scatter [tilespmem:s22], [sflag:$0x6], $0x80, v6, vm0, $0xb8;
	[tilespmem:$0x18080] =	vst v63  }
0x269: {  	_ = 	snop  }
0x26a: {  	[hbm4b:s11+s4] =	stream.indirect_vreg.scatter [tilespmem:s23], [sflag:$0x6], $0x80, v6, vm0, $0xb8;
	[tilespmem:$0x18080] =	vst v63  }
0x26b: {  	_ = 	snop  }
0x26c: {  	[hbm4b:s12+s4] =	stream.indirect_vreg.scatter [tilespmem:s24], [sflag:$0x6], $0x80, v6, vm0, $0xb8;
	[tilespmem:$0x18080] =	vst v63  }
0x26d: {  	v5 =	vadd.s32 v2, v7  }
0x26e: {  	[hbm4b:s13+s4] =	stream.indirect_vreg.scatter [tilespmem:s25], [sflag:$0x6], $0x80, v6, vm0, $0xb8;
	[tilespmem:$0x18080] =	vst v63  }
0x26f: {  	_ = 	snop  }
0x270: {  	[hbm4b:s14+s4] =	stream.indirect_vreg.scatter [tilespmem:s26], [sflag:$0x6], $0x80, v6, vm0, $0xb8;
	[tilespmem:$0x18080] =	vst v63  }
0x271: {  	_ = 	snop  }
0x272: {  	[hbm4b:s3+s4] =	stream.indirect_vreg.scatter [tilespmem:s28], [sflag:$0x6], $0x80, v5, vm0, $0xb8;
	[tilespmem:$0x18080] =	vst v63  }
0x273: {  	_ = 	snop  }
0x274: {  	[hbm4b:s8+s4] =	stream.indirect_vreg.scatter [tilespmem:s29], [sflag:$0x6], $0x80, v5, vm0, $0xb8;
	[tilespmem:$0x18080] =	vst v63  }
0x275: {  	s7 =	sadd.s32 $0x10, s7  }
0x276: {  	v6 =	vadd.s32 s7, v0;
	[hbm4b:s9+s4] =	stream.indirect_vreg.scatter [tilespmem:s30], [sflag:$0x6], $0x80, v5, vm0, $0xb8;
	[tilespmem:$0x18080] =	vst v63  }
0x277: {  	vm1 =	vlt.s32 v6, v4  }
0x278: {  	v6 =	vsel vm1, v6, v4;
	[hbm4b:s10+s4] =	stream.indirect_vreg.scatter [tilespmem:s31], [sflag:$0x6], $0x80, v5, vm0, $0xb8;
	[tilespmem:$0x18080] =	vst v63  }
0x279: {  	p1 =	sne.s32 s15, $0x1;
	v7 =	vshll.u32 v6, $0x4  }
0x27a: {  	v6 =	vand.u32 $0x7, v6;
	v7 =	vand.u32 $0xFFFFFF80, v7;
	[hbm4b:s11+s4] =	stream.indirect_vreg.scatter [tilespmem:s0], [sflag:$0x6], $0x80, v5, vm0, $0xb8;
	[tilespmem:$0x18080] =	vst v63  }
.Ltmp23:
0x27b: {  	v6 =	vor.u32 v6, v7;
	(pc) =	sbr.rel @!p1 .LBB2_31-.Ltmp23, $4  }
0x27c: {  	v8 =	vperm.xlane v6, v1  }
0x27d: {  	[hbm4b:s12+s4] =	stream.indirect_vreg.scatter [tilespmem:s2], [sflag:$0x6], $0x80, v5, vm0, $0xb8;
	[tilespmem:$0x18080] =	vst v63  }
0x27e: {  	s15 =	sadd.s32 $0xFFFFFFFF, s15;
	p0 =	por $0x1, $0x1;
	v7 =	vperm.xlane v6, v3;
	v6 =	vadd.s32 v2, v8  }
0x27f: {  	[hbm4b:s13+s4] =	stream.indirect_vreg.scatter [tilespmem:s1], [sflag:$0x6], $0x80, v5, vm0, $0xb8;
	[tilespmem:$0x18080] =	vst v63  }
.LBB2_30:
0x280: {  	_ = 	snop  }
0x281: {  	[hbm4b:s14+s4] =	stream.indirect_vreg.scatter [tilespmem:s6], [sflag:$0x6], $0x80, v5, vm0, $0xb8;
	[tilespmem:$0x18080] =	vst v63  }
0x282: {  	p1 =	sne.s32 s15, $0x1;
	s15 =	sadd.s32 $0xFFFFFFFF, s15  }
0x283: {  	[hbm4b:s3+s4] =	stream.indirect_vreg.scatter [tilespmem:s19], [sflag:$0x6], $0x80, v6, vm0, $0xb8;
	[tilespmem:$0x18080] =	vst v63  }
0x284: {  	_ = 	snop  }
0x285: {  	[hbm4b:s8+s4] =	stream.indirect_vreg.scatter [tilespmem:s16], [sflag:$0x6], $0x80, v6, vm0, $0xb8;
	[tilespmem:$0x18080] =	vst v63  }
0x286: {  	_ = 	snop  }
0x287: {  	[hbm4b:s9+s4] =	stream.indirect_vreg.scatter [tilespmem:s5], [sflag:$0x6], $0x80, v6, vm0, $0xb8;
	[tilespmem:$0x18080] =	vst v63  }
0x288: {  	_ = 	snop  }
0x289: {  	[hbm4b:s10+s4] =	stream.indirect_vreg.scatter [tilespmem:s22], [sflag:$0x6], $0x80, v6, vm0, $0xb8;
	[tilespmem:$0x18080] =	vst v63  }
0x28a: {  	_ = 	snop  }
0x28b: {  	[hbm4b:s11+s4] =	stream.indirect_vreg.scatter [tilespmem:s23], [sflag:$0x6], $0x80, v6, vm0, $0xb8;
	[tilespmem:$0x18080] =	vst v63  }
0x28c: {  	_ = 	snop  }
0x28d: {  	[hbm4b:s12+s4] =	stream.indirect_vreg.scatter [tilespmem:s24], [sflag:$0x6], $0x80, v6, vm0, $0xb8;
	[tilespmem:$0x18080] =	vst v63  }
0x28e: {  	v5 =	vadd.s32 v2, v7  }
0x28f: {  	[hbm4b:s13+s4] =	stream.indirect_vreg.scatter [tilespmem:s25], [sflag:$0x6], $0x80, v6, vm0, $0xb8;
	[tilespmem:$0x18080] =	vst v63  }
0x290: {  	_ = 	snop  }
0x291: {  	[hbm4b:s14+s4] =	stream.indirect_vreg.scatter [tilespmem:s26], [sflag:$0x6], $0x80, v6, vm0, $0xb8;
	[tilespmem:$0x18080] =	vst v63  }
0x292: {  	_ = 	snop  }
0x293: {  	[hbm4b:s3+s4] =	stream.indirect_vreg.scatter [tilespmem:s28], [sflag:$0x6], $0x80, v5, vm0, $0xb8;
	[tilespmem:$0x18080] =	vst v63  }
0x294: {  	s7 =	sadd.s32 $0x10, s7  }
0x295: {  	[hbm4b:s8+s4] =	stream.indirect_vreg.scatter [tilespmem:s29], [sflag:$0x6], $0x80, v5, vm0, $0xb8;
	[tilespmem:$0x18080] =	vst v63  }
0x296: {  	v6 =	vadd.s32 s7, v0  }
0x297: {  	vm1 =	vlt.s32 v6, v4;
	[hbm4b:s9+s4] =	stream.indirect_vreg.scatter [tilespmem:s30], [sflag:$0x6], $0x80, v5, vm0, $0xb8;
	[tilespmem:$0x18080] =	vst v63  }
0x298: {  	v6 =	vsel vm1, v6, v4  }
0x299: {  	v7 =	vshll.u32 v6, $0x4;
	[hbm4b:s10+s4] =	stream.indirect_vreg.scatter [tilespmem:s31], [sflag:$0x6], $0x80, v5, vm0, $0xb8;
	[tilespmem:$0x18080] =	vst v63  }
0x29a: {  	v6 =	vand.u32 $0x7, v6;
	v7 =	vand.u32 $0xFFFFFF80, v7  }
0x29b: {  	[hbm4b:s11+s4] =	stream.indirect_vreg.scatter [tilespmem:s0], [sflag:$0x6], $0x80, v5, vm0, $0xb8;
	[tilespmem:$0x18080] =	vst v63  }
.Ltmp24:
0x29c: {  	v6 =	vor.u32 v6, v7;
	(pc) =	sbr.rel @p1 .LBB2_30-.Ltmp24, $4  }
0x29d: {  	v8 =	vperm.xlane v6, v1;
	v7 =	vperm.xlane v6, v3  }
0x29e: {  	[hbm4b:s12+s4] =	stream.indirect_vreg.scatter [tilespmem:s2], [sflag:$0x6], $0x80, v5, vm0, $0xb8;
	[tilespmem:$0x18080] =	vst v63  }
0x29f: {  	v6 =	vadd.s32 v2, v8  }
0x2a0: {  	[hbm4b:s13+s4] =	stream.indirect_vreg.scatter [tilespmem:s1], [sflag:$0x6], $0x80, v5, vm0, $0xb8;
	[tilespmem:$0x18080] =	vst v63  }
.LBB2_31:
0x2a1: {  	_ =	sdelay $0x3  }
0x2a2: {  	[hbm4b:s14+s4] =	stream.indirect_vreg.scatter @p0 [tilespmem:s6], [sflag:$0x6], $0x80, v5, vm0, $0xb8;
	[tilespmem:$0x18080] =	vst v63  }
0x2a3: {  	_ = 	snop  }
0x2a4: {  	[hbm4b:s3+s4] =	stream.indirect_vreg.scatter [tilespmem:s19], [sflag:$0x6], $0x80, v6, vm0, $0xb8;
	[tilespmem:$0x18080] =	vst v63  }
0x2a5: {  	_ = 	snop  }
0x2a6: {  	[hbm4b:s8+s4] =	stream.indirect_vreg.scatter [tilespmem:s16], [sflag:$0x6], $0x80, v6, vm0, $0xb8;
	[tilespmem:$0x18080] =	vst v63  }
0x2a7: {  	_ = 	snop  }
0x2a8: {  	[hbm4b:s9+s4] =	stream.indirect_vreg.scatter [tilespmem:s5], [sflag:$0x6], $0x80, v6, vm0, $0xb8;
	[tilespmem:$0x18080] =	vst v63  }
0x2a9: {  	_ = 	snop  }
0x2aa: {  	[hbm4b:s10+s4] =	stream.indirect_vreg.scatter [tilespmem:s22], [sflag:$0x6], $0x80, v6, vm0, $0xb8;
	[tilespmem:$0x18080] =	vst v63  }
0x2ab: {  	_ = 	snop  }
0x2ac: {  	[hbm4b:s11+s4] =	stream.indirect_vreg.scatter [tilespmem:s23], [sflag:$0x6], $0x80, v6, vm0, $0xb8;
	[tilespmem:$0x18080] =	vst v63  }
0x2ad: {  	_ = 	snop  }
0x2ae: {  	[hbm4b:s12+s4] =	stream.indirect_vreg.scatter [tilespmem:s24], [sflag:$0x6], $0x80, v6, vm0, $0xb8;
	[tilespmem:$0x18080] =	vst v63  }
0x2af: {  	v4 =	vadd.s32 v2, v7  }
0x2b0: {  	[hbm4b:s13+s4] =	stream.indirect_vreg.scatter [tilespmem:s25], [sflag:$0x6], $0x80, v6, vm0, $0xb8;
	[tilespmem:$0x18080] =	vst v63  }
0x2b1: {  	_ = 	snop  }
0x2b2: {  	[hbm4b:s14+s4] =	stream.indirect_vreg.scatter [tilespmem:s26], [sflag:$0x6], $0x80, v6, vm0, $0xb8;
	[tilespmem:$0x18080] =	vst v63  }
0x2b3: {  	_ = 	snop  }
0x2b4: {  	[hbm4b:s3+s4] =	stream.indirect_vreg.scatter [tilespmem:s28], [sflag:$0x6], $0x80, v4, vm0, $0xb8;
	[tilespmem:$0x18080] =	vst v63  }
0x2b5: {  	_ = 	snop  }
0x2b6: {  	[hbm4b:s8+s4] =	stream.indirect_vreg.scatter [tilespmem:s29], [sflag:$0x6], $0x80, v4, vm0, $0xb8;
	[tilespmem:$0x18080] =	vst v63  }
0x2b7: {  	_ = 	snop  }
0x2b8: {  	[hbm4b:s9+s4] =	stream.indirect_vreg.scatter [tilespmem:s30], [sflag:$0x6], $0x80, v4, vm0, $0xb8;
	[tilespmem:$0x18080] =	vst v63  }
0x2b9: {  	_ = 	snop  }
0x2ba: {  	[hbm4b:s10+s4] =	stream.indirect_vreg.scatter [tilespmem:s31], [sflag:$0x6], $0x80, v4, vm0, $0xb8;
	[tilespmem:$0x18080] =	vst v63  }
0x2bb: {  	_ = 	snop  }
0x2bc: {  	[hbm4b:s11+s4] =	stream.indirect_vreg.scatter [tilespmem:s0], [sflag:$0x6], $0x80, v4, vm0, $0xb8;
	[tilespmem:$0x18080] =	vst v63  }
0x2bd: {  	_ = 	snop  }
0x2be: {  	[hbm4b:s12+s4] =	stream.indirect_vreg.scatter [tilespmem:s2], [sflag:$0x6], $0x80, v4, vm0, $0xb8;
	[tilespmem:$0x18080] =	vst v63  }
0x2bf: {  	_ = 	snop  }
0x2c0: {  	[hbm4b:s13+s4] =	stream.indirect_vreg.scatter [tilespmem:s1], [sflag:$0x6], $0x80, v4, vm0, $0xb8;
	[tilespmem:$0x18080] =	vst v63  }
0x2c1: {  	_ = 	snop  }
0x2c2: {  	[hbm4b:s14+s4] =	stream.indirect_vreg.scatter [tilespmem:s6], [sflag:$0x6], $0x80, v4, vm0, $0xb8;
	[tilespmem:$0x18080] =	vst v63  }
.LBB2_32:
0x2c3: {  	[dreg:$0x1f] =	wrdreg s18  }
0x2c4: {  	s21 =	sld [smem:$0x7E2]  }
0x2c5: {  	s15 =	sld [smem:$0x7E3]  }
0x2c6: {  	s18 =	rddreg [dreg:$0x1a]  }
0x2c7: {  	s20 =	rddreg [dreg:$0x19]  }
0x2c8: {  	p0 =	sgt.s32 s18, s21;
	s7 =	smov.u32 s21;
	p1 =	slt.s32 s20, s15  }
0x2c9: {  	s7 =	smov.u32 @p0 s18;
	s15 =	smov.u32 @p1 s20  }
0x2ca: {  	s15 =	ssub.s32 s15, s7  }
0x2cb: {  	p0 =	sgt.s32 s15, $0x0  }
0x2cc: {  	s15 =	simm.s32 @!p0 $0x0  }
0x2cd: {  	s18 =	sadd.s32 $0xF, s15  }
0x2ce: {  	s20 =	sand.u32 $0xF, s18  }
0x2cf: {  	p6 =	slt.s32 s18, $0x0;
	p5 =	sne.s32 s20, $0x0;
	s20 =	sshra.s32 s18, $0x1F  }
0x2d0: {  	s20 =	sshrl.u32 s20, $0x1C;
	p0 =	por !p6, !p5  }
0x2d1: {  	s18 =	sadd.s32 s20, s18;
	p0 =	por !p0, !p0;
	s20 =	simm.s32 $0x1  }
0x2d2: {  	s18 =	sshra.s32 s18, $0x4;
	s20 =	simm.s32 @!p0 $0x0  }
0x2d3: {  	s18 =	ssub.s32 s18, s20  }
0x2d4: {  	p0 =	slt.s32 s18, $0x1  }
.Ltmp25:
0x2d5: {  	_ = 	snop;
	(pc) =	sbr.rel @p0 .LBB2_38-.Ltmp25, $2  }
0x2d6: {  	_ =	sdelay $0x2  }
0x2d7: {  	[smem:$0x7E0] =	sst s18  }
0x2d8: {  	s18 =	sld [smem:$0x7EB];
	_ =	sdelay $0x2  }
0x2d9: {  	s20 =	rddreg [dreg:$0xc];
	s18 =	sadd.s32 s7, s18  }
0x2da: {  	s18 =	sadd.s32 s20, s18;
	s20 =	sld [smem:$0x7EC];
	_ =	sdelay $0x1  }
0x2db: {  	s7 =	ssub.s32 s7, s21  }
0x2dc: {  	s7 =	sadd.s32 s7, s20;
	s20 =	rddreg [dreg:$0xd]  }
0x2dd: {  	s18 =	sadd.s32 s20, s18;
	s20 =	rddreg [dreg:$0xe]  }
0x2de: {  	s7 =	sadd.s32 s15, s7;
	s15 =	sadd.s32 s20, s18  }
0x2df: {  	s20 =	sadd.s32 $0xFFFFFFFF, s7;
	s7 =	ssub.s32 s15, s21  }
0x2e0: {  	v4 =	vmov s20;
	s21 =	sld [smem:$0x7E0];
	v5 =	vadd.s32 s7, v0  }
0x2e1: {  	vm1 =	vlt.s32 v5, v4  }
0x2e2: {  	v5 =	vsel vm1, v5, v4  }
0x2e3: {  	p1 =	sne.s32 s21, $0x1;
	v6 =	vshll.u32 v5, $0x4  }
.Ltmp26:
0x2e4: {  	v5 =	vand.u32 $0x7, v5;
	v6 =	vand.u32 $0xFFFFFF80, v6;
	(pc) =	sbr.rel @!p1 .LBB2_34-.Ltmp26, $3  }
0x2e5: {  	v5 =	vor.u32 v5, v6  }
0x2e6: {  	v6 =	vperm.xlane v5, v1;
	_ =	sdelay $0x1  }
0x2e7: {  	p0 =	por $0x0, $0x0;
	s15 =	sadd.s32 $0xFFFFFFFF, s21;
	v7 =	vperm.xlane v5, v3;
	v6 =	vadd.s32 v2, v6  }
0x2e8: {  	_ =	sdelay $0x3  }
0x2e9: {  	[hbm4b:s3+s4] =	stream.indirect_vreg.scatter [tilespmem:s19], [sflag:$0x6], $0x80, v6, vm0, $0xb8;
	[tilespmem:$0x18080] =	vst v63  }
0x2ea: {  	_ = 	snop  }
0x2eb: {  	[hbm4b:s8+s4] =	stream.indirect_vreg.scatter [tilespmem:s16], [sflag:$0x6], $0x80, v6, vm0, $0xb8;
	[tilespmem:$0x18080] =	vst v63  }
0x2ec: {  	_ = 	snop  }
0x2ed: {  	[hbm4b:s9+s4] =	stream.indirect_vreg.scatter [tilespmem:s5], [sflag:$0x6], $0x80, v6, vm0, $0xb8;
	[tilespmem:$0x18080] =	vst v63  }
0x2ee: {  	_ = 	snop  }
0x2ef: {  	[hbm4b:s10+s4] =	stream.indirect_vreg.scatter [tilespmem:s22], [sflag:$0x6], $0x80, v6, vm0, $0xb8;
	[tilespmem:$0x18080] =	vst v63  }
0x2f0: {  	_ = 	snop  }
0x2f1: {  	[hbm4b:s11+s4] =	stream.indirect_vreg.scatter [tilespmem:s23], [sflag:$0x6], $0x80, v6, vm0, $0xb8;
	[tilespmem:$0x18080] =	vst v63  }
0x2f2: {  	_ = 	snop  }
0x2f3: {  	[hbm4b:s12+s4] =	stream.indirect_vreg.scatter [tilespmem:s24], [sflag:$0x6], $0x80, v6, vm0, $0xb8;
	[tilespmem:$0x18080] =	vst v63  }
0x2f4: {  	v5 =	vadd.s32 v2, v7  }
0x2f5: {  	[hbm4b:s13+s4] =	stream.indirect_vreg.scatter [tilespmem:s25], [sflag:$0x6], $0x80, v6, vm0, $0xb8;
	[tilespmem:$0x18080] =	vst v63  }
0x2f6: {  	_ = 	snop  }
0x2f7: {  	[hbm4b:s14+s4] =	stream.indirect_vreg.scatter [tilespmem:s26], [sflag:$0x6], $0x80, v6, vm0, $0xb8;
	[tilespmem:$0x18080] =	vst v63  }
0x2f8: {  	_ = 	snop  }
0x2f9: {  	[hbm4b:s3+s4] =	stream.indirect_vreg.scatter [tilespmem:s28], [sflag:$0x6], $0x80, v5, vm0, $0xb8;
	[tilespmem:$0x18080] =	vst v63  }
0x2fa: {  	_ = 	snop  }
0x2fb: {  	[hbm4b:s8+s4] =	stream.indirect_vreg.scatter [tilespmem:s29], [sflag:$0x6], $0x80, v5, vm0, $0xb8;
	[tilespmem:$0x18080] =	vst v63  }
0x2fc: {  	s7 =	sadd.s32 $0x10, s7  }
0x2fd: {  	v6 =	vadd.s32 s7, v0;
	[hbm4b:s9+s4] =	stream.indirect_vreg.scatter [tilespmem:s30], [sflag:$0x6], $0x80, v5, vm0, $0xb8;
	[tilespmem:$0x18080] =	vst v63  }
0x2fe: {  	vm1 =	vlt.s32 v6, v4  }
0x2ff: {  	v6 =	vsel vm1, v6, v4;
	[hbm4b:s10+s4] =	stream.indirect_vreg.scatter [tilespmem:s31], [sflag:$0x6], $0x80, v5, vm0, $0xb8;
	[tilespmem:$0x18080] =	vst v63  }
0x300: {  	p1 =	sne.s32 s15, $0x1;
	v7 =	vshll.u32 v6, $0x4  }
0x301: {  	v6 =	vand.u32 $0x7, v6;
	v7 =	vand.u32 $0xFFFFFF80, v7;
	[hbm4b:s11+s4] =	stream.indirect_vreg.scatter [tilespmem:s0], [sflag:$0x6], $0x80, v5, vm0, $0xb8;
	[tilespmem:$0x18080] =	vst v63  }
.Ltmp27:
0x302: {  	v6 =	vor.u32 v6, v7;
	(pc) =	sbr.rel @!p1 .LBB2_37-.Ltmp27, $4  }
0x303: {  	v8 =	vperm.xlane v6, v1  }
0x304: {  	[hbm4b:s12+s4] =	stream.indirect_vreg.scatter [tilespmem:s2], [sflag:$0x6], $0x80, v5, vm0, $0xb8;
	[tilespmem:$0x18080] =	vst v63  }
0x305: {  	s15 =	sadd.s32 $0xFFFFFFFF, s15;
	p0 =	por $0x1, $0x1;
	v7 =	vperm.xlane v6, v3;
	v6 =	vadd.s32 v2, v8  }
0x306: {  	[hbm4b:s13+s4] =	stream.indirect_vreg.scatter [tilespmem:s1], [sflag:$0x6], $0x80, v5, vm0, $0xb8;
	[tilespmem:$0x18080] =	vst v63  }
.LBB2_36:
0x307: {  	_ = 	snop  }
0x308: {  	[hbm4b:s14+s4] =	stream.indirect_vreg.scatter [tilespmem:s6], [sflag:$0x6], $0x80, v5, vm0, $0xb8;
	[tilespmem:$0x18080] =	vst v63  }
0x309: {  	p1 =	sne.s32 s15, $0x1;
	s15 =	sadd.s32 $0xFFFFFFFF, s15  }
0x30a: {  	[hbm4b:s3+s4] =	stream.indirect_vreg.scatter [tilespmem:s19], [sflag:$0x6], $0x80, v6, vm0, $0xb8;
	[tilespmem:$0x18080] =	vst v63  }
0x30b: {  	_ = 	snop  }
0x30c: {  	[hbm4b:s8+s4] =	stream.indirect_vreg.scatter [tilespmem:s16], [sflag:$0x6], $0x80, v6, vm0, $0xb8;
	[tilespmem:$0x18080] =	vst v63  }
0x30d: {  	_ = 	snop  }
0x30e: {  	[hbm4b:s9+s4] =	stream.indirect_vreg.scatter [tilespmem:s5], [sflag:$0x6], $0x80, v6, vm0, $0xb8;
	[tilespmem:$0x18080] =	vst v63  }
0x30f: {  	_ = 	snop  }
0x310: {  	[hbm4b:s10+s4] =	stream.indirect_vreg.scatter [tilespmem:s22], [sflag:$0x6], $0x80, v6, vm0, $0xb8;
	[tilespmem:$0x18080] =	vst v63  }
0x311: {  	_ = 	snop  }
0x312: {  	[hbm4b:s11+s4] =	stream.indirect_vreg.scatter [tilespmem:s23], [sflag:$0x6], $0x80, v6, vm0, $0xb8;
	[tilespmem:$0x18080] =	vst v63  }
0x313: {  	_ = 	snop  }
0x314: {  	[hbm4b:s12+s4] =	stream.indirect_vreg.scatter [tilespmem:s24], [sflag:$0x6], $0x80, v6, vm0, $0xb8;
	[tilespmem:$0x18080] =	vst v63  }
0x315: {  	v5 =	vadd.s32 v2, v7  }
0x316: {  	[hbm4b:s13+s4] =	stream.indirect_vreg.scatter [tilespmem:s25], [sflag:$0x6], $0x80, v6, vm0, $0xb8;
	[tilespmem:$0x18080] =	vst v63  }
0x317: {  	_ = 	snop  }
0x318: {  	[hbm4b:s14+s4] =	stream.indirect_vreg.scatter [tilespmem:s26], [sflag:$0x6], $0x80, v6, vm0, $0xb8;
	[tilespmem:$0x18080] =	vst v63  }
0x319: {  	_ = 	snop  }
0x31a: {  	[hbm4b:s3+s4] =	stream.indirect_vreg.scatter [tilespmem:s28], [sflag:$0x6], $0x80, v5, vm0, $0xb8;
	[tilespmem:$0x18080] =	vst v63  }
0x31b: {  	s7 =	sadd.s32 $0x10, s7  }
0x31c: {  	[hbm4b:s8+s4] =	stream.indirect_vreg.scatter [tilespmem:s29], [sflag:$0x6], $0x80, v5, vm0, $0xb8;
	[tilespmem:$0x18080] =	vst v63  }
0x31d: {  	v6 =	vadd.s32 s7, v0  }
0x31e: {  	vm1 =	vlt.s32 v6, v4;
	[hbm4b:s9+s4] =	stream.indirect_vreg.scatter [tilespmem:s30], [sflag:$0x6], $0x80, v5, vm0, $0xb8;
	[tilespmem:$0x18080] =	vst v63  }
0x31f: {  	v6 =	vsel vm1, v6, v4  }
0x320: {  	v7 =	vshll.u32 v6, $0x4;
	[hbm4b:s10+s4] =	stream.indirect_vreg.scatter [tilespmem:s31], [sflag:$0x6], $0x80, v5, vm0, $0xb8;
	[tilespmem:$0x18080] =	vst v63  }
0x321: {  	v6 =	vand.u32 $0x7, v6;
	v7 =	vand.u32 $0xFFFFFF80, v7  }
0x322: {  	[hbm4b:s11+s4] =	stream.indirect_vreg.scatter [tilespmem:s0], [sflag:$0x6], $0x80, v5, vm0, $0xb8;
	[tilespmem:$0x18080] =	vst v63  }
.Ltmp28:
0x323: {  	v6 =	vor.u32 v6, v7;
	(pc) =	sbr.rel @p1 .LBB2_36-.Ltmp28, $4  }
0x324: {  	v8 =	vperm.xlane v6, v1;
	v7 =	vperm.xlane v6, v3  }
0x325: {  	[hbm4b:s12+s4] =	stream.indirect_vreg.scatter [tilespmem:s2], [sflag:$0x6], $0x80, v5, vm0, $0xb8;
	[tilespmem:$0x18080] =	vst v63  }
0x326: {  	v6 =	vadd.s32 v2, v8  }
0x327: {  	[hbm4b:s13+s4] =	stream.indirect_vreg.scatter [tilespmem:s1], [sflag:$0x6], $0x80, v5, vm0, $0xb8;
	[tilespmem:$0x18080] =	vst v63  }
.LBB2_37:
0x328: {  	_ =	sdelay $0x3  }
0x329: {  	[hbm4b:s14+s4] =	stream.indirect_vreg.scatter @p0 [tilespmem:s6], [sflag:$0x6], $0x80, v5, vm0, $0xb8;
	[tilespmem:$0x18080] =	vst v63  }
0x32a: {  	_ = 	snop  }
0x32b: {  	[hbm4b:s3+s4] =	stream.indirect_vreg.scatter [tilespmem:s19], [sflag:$0x6], $0x80, v6, vm0, $0xb8;
	[tilespmem:$0x18080] =	vst v63  }
0x32c: {  	_ = 	snop  }
0x32d: {  	[hbm4b:s8+s4] =	stream.indirect_vreg.scatter [tilespmem:s16], [sflag:$0x6], $0x80, v6, vm0, $0xb8;
	[tilespmem:$0x18080] =	vst v63  }
0x32e: {  	_ = 	snop  }
0x32f: {  	[hbm4b:s9+s4] =	stream.indirect_vreg.scatter [tilespmem:s5], [sflag:$0x6], $0x80, v6, vm0, $0xb8;
	[tilespmem:$0x18080] =	vst v63  }
0x330: {  	_ = 	snop  }
0x331: {  	[hbm4b:s10+s4] =	stream.indirect_vreg.scatter [tilespmem:s22], [sflag:$0x6], $0x80, v6, vm0, $0xb8;
	[tilespmem:$0x18080] =	vst v63  }
0x332: {  	_ = 	snop  }
0x333: {  	[hbm4b:s11+s4] =	stream.indirect_vreg.scatter [tilespmem:s23], [sflag:$0x6], $0x80, v6, vm0, $0xb8;
	[tilespmem:$0x18080] =	vst v63  }
0x334: {  	_ = 	snop  }
0x335: {  	[hbm4b:s12+s4] =	stream.indirect_vreg.scatter [tilespmem:s24], [sflag:$0x6], $0x80, v6, vm0, $0xb8;
	[tilespmem:$0x18080] =	vst v63  }
0x336: {  	v4 =	vadd.s32 v2, v7  }
0x337: {  	[hbm4b:s13+s4] =	stream.indirect_vreg.scatter [tilespmem:s25], [sflag:$0x6], $0x80, v6, vm0, $0xb8;
	[tilespmem:$0x18080] =	vst v63  }
0x338: {  	_ = 	snop  }
0x339: {  	[hbm4b:s14+s4] =	stream.indirect_vreg.scatter [tilespmem:s26], [sflag:$0x6], $0x80, v6, vm0, $0xb8;
	[tilespmem:$0x18080] =	vst v63  }
0x33a: {  	_ = 	snop  }
0x33b: {  	[hbm4b:s3+s4] =	stream.indirect_vreg.scatter [tilespmem:s28], [sflag:$0x6], $0x80, v4, vm0, $0xb8;
	[tilespmem:$0x18080] =	vst v63  }
0x33c: {  	_ = 	snop  }
0x33d: {  	[hbm4b:s8+s4] =	stream.indirect_vreg.scatter [tilespmem:s29], [sflag:$0x6], $0x80, v4, vm0, $0xb8;
	[tilespmem:$0x18080] =	vst v63  }
0x33e: {  	_ = 	snop  }
0x33f: {  	[hbm4b:s9+s4] =	stream.indirect_vreg.scatter [tilespmem:s30], [sflag:$0x6], $0x80, v4, vm0, $0xb8;
	[tilespmem:$0x18080] =	vst v63  }
0x340: {  	_ = 	snop  }
0x341: {  	[hbm4b:s10+s4] =	stream.indirect_vreg.scatter [tilespmem:s31], [sflag:$0x6], $0x80, v4, vm0, $0xb8;
	[tilespmem:$0x18080] =	vst v63  }
0x342: {  	_ = 	snop  }
0x343: {  	[hbm4b:s11+s4] =	stream.indirect_vreg.scatter [tilespmem:s0], [sflag:$0x6], $0x80, v4, vm0, $0xb8;
	[tilespmem:$0x18080] =	vst v63  }
0x344: {  	_ = 	snop  }
0x345: {  	[hbm4b:s12+s4] =	stream.indirect_vreg.scatter [tilespmem:s2], [sflag:$0x6], $0x80, v4, vm0, $0xb8;
	[tilespmem:$0x18080] =	vst v63  }
0x346: {  	_ = 	snop  }
0x347: {  	[hbm4b:s13+s4] =	stream.indirect_vreg.scatter [tilespmem:s1], [sflag:$0x6], $0x80, v4, vm0, $0xb8;
	[tilespmem:$0x18080] =	vst v63  }
0x348: {  	_ = 	snop  }
0x349: {  	[hbm4b:s14+s4] =	stream.indirect_vreg.scatter [tilespmem:s6], [sflag:$0x6], $0x80, v4, vm0, $0xb8;
	[tilespmem:$0x18080] =	vst v63  }
.LBB2_38:
0x34a: {  	s21 =	sld [smem:$0x7E3]  }
0x34b: {  	s15 =	sld [smem:$0x7E4]  }
0x34c: {  	s18 =	rddreg [dreg:$0x1a]  }
0x34d: {  	s20 =	rddreg [dreg:$0x19]  }
0x34e: {  	p0 =	sgt.s32 s18, s21;
	s7 =	smov.u32 s21;
	p1 =	slt.s32 s20, s15  }
0x34f: {  	s7 =	smov.u32 @p0 s18;
	s15 =	smov.u32 @p1 s20  }
0x350: {  	s15 =	ssub.s32 s15, s7  }
0x351: {  	p0 =	sgt.s32 s15, $0x0  }
0x352: {  	s15 =	simm.s32 @!p0 $0x0  }
0x353: {  	s18 =	sadd.s32 $0xF, s15  }
0x354: {  	s20 =	sand.u32 $0xF, s18  }
0x355: {  	p6 =	slt.s32 s18, $0x0;
	p5 =	sne.s32 s20, $0x0;
	s20 =	sshra.s32 s18, $0x1F  }
0x356: {  	s20 =	sshrl.u32 s20, $0x1C;
	p0 =	por !p6, !p5  }
0x357: {  	s18 =	sadd.s32 s20, s18;
	p0 =	por !p0, !p0;
	s20 =	simm.s32 $0x1  }
0x358: {  	s18 =	sshra.s32 s18, $0x4;
	s20 =	simm.s32 @!p0 $0x0  }
0x359: {  	s18 =	ssub.s32 s18, s20  }
0x35a: {  	p0 =	slt.s32 s18, $0x1  }
.Ltmp29:
0x35b: {  	_ = 	snop;
	(pc) =	sbr.rel @p0 .LBB2_44-.Ltmp29, $2  }
0x35c: {  	_ =	sdelay $0x2  }
0x35d: {  	[smem:$0x7DF] =	sst s18  }
0x35e: {  	s18 =	sld [smem:$0x7ED];
	_ =	sdelay $0x2  }
0x35f: {  	s20 =	rddreg [dreg:$0xc];
	s18 =	sadd.s32 s7, s18  }
0x360: {  	s18 =	sadd.s32 s20, s18;
	s20 =	rddreg [dreg:$0xd]  }
0x361: {  	s18 =	sadd.s32 s20, s18;
	s20 =	sld [smem:$0x7EE];
	_ =	sdelay $0x1  }
0x362: {  	s7 =	ssub.s32 s7, s21  }
0x363: {  	s7 =	sadd.s32 s7, s20;
	s20 =	rddreg [dreg:$0xe]  }
0x364: {  	s18 =	sadd.s32 s20, s18;
	s20 =	rddreg [dreg:$0xf]  }
0x365: {  	s7 =	sadd.s32 s15, s7;
	s15 =	sadd.s32 s20, s18  }
0x366: {  	s20 =	sadd.s32 $0xFFFFFFFF, s7;
	s7 =	ssub.s32 s15, s21  }
0x367: {  	v4 =	vmov s20;
	s21 =	sld [smem:$0x7DF];
	v5 =	vadd.s32 s7, v0  }
0x368: {  	vm1 =	vlt.s32 v5, v4  }
0x369: {  	v5 =	vsel vm1, v5, v4  }
0x36a: {  	p1 =	sne.s32 s21, $0x1;
	v6 =	vshll.u32 v5, $0x4  }
.Ltmp30:
0x36b: {  	v5 =	vand.u32 $0x7, v5;
	v6 =	vand.u32 $0xFFFFFF80, v6;
	(pc) =	sbr.rel @!p1 .LBB2_40-.Ltmp30, $3  }
0x36c: {  	v5 =	vor.u32 v5, v6  }
0x36d: {  	v6 =	vperm.xlane v5, v1;
	_ =	sdelay $0x1  }
0x36e: {  	p0 =	por $0x0, $0x0;
	s15 =	sadd.s32 $0xFFFFFFFF, s21;
	v7 =	vperm.xlane v5, v3;
	v6 =	vadd.s32 v2, v6  }
0x36f: {  	_ =	sdelay $0x3  }
0x370: {  	[hbm4b:s3+s4] =	stream.indirect_vreg.scatter [tilespmem:s19], [sflag:$0x6], $0x80, v6, vm0, $0xb8;
	[tilespmem:$0x18080] =	vst v63  }
0x371: {  	_ = 	snop  }
0x372: {  	[hbm4b:s8+s4] =	stream.indirect_vreg.scatter [tilespmem:s16], [sflag:$0x6], $0x80, v6, vm0, $0xb8;
	[tilespmem:$0x18080] =	vst v63  }
0x373: {  	_ = 	snop  }
0x374: {  	[hbm4b:s9+s4] =	stream.indirect_vreg.scatter [tilespmem:s5], [sflag:$0x6], $0x80, v6, vm0, $0xb8;
	[tilespmem:$0x18080] =	vst v63  }
0x375: {  	_ = 	snop  }
0x376: {  	[hbm4b:s10+s4] =	stream.indirect_vreg.scatter [tilespmem:s22], [sflag:$0x6], $0x80, v6, vm0, $0xb8;
	[tilespmem:$0x18080] =	vst v63  }
0x377: {  	_ = 	snop  }
0x378: {  	[hbm4b:s11+s4] =	stream.indirect_vreg.scatter [tilespmem:s23], [sflag:$0x6], $0x80, v6, vm0, $0xb8;
	[tilespmem:$0x18080] =	vst v63  }
0x379: {  	_ = 	snop  }
0x37a: {  	[hbm4b:s12+s4] =	stream.indirect_vreg.scatter [tilespmem:s24], [sflag:$0x6], $0x80, v6, vm0, $0xb8;
	[tilespmem:$0x18080] =	vst v63  }
0x37b: {  	v5 =	vadd.s32 v2, v7  }
0x37c: {  	[hbm4b:s13+s4] =	stream.indirect_vreg.scatter [tilespmem:s25], [sflag:$0x6], $0x80, v6, vm0, $0xb8;
	[tilespmem:$0x18080] =	vst v63  }
0x37d: {  	_ = 	snop  }
0x37e: {  	[hbm4b:s14+s4] =	stream.indirect_vreg.scatter [tilespmem:s26], [sflag:$0x6], $0x80, v6, vm0, $0xb8;
	[tilespmem:$0x18080] =	vst v63  }
0x37f: {  	_ = 	snop  }
0x380: {  	[hbm4b:s3+s4] =	stream.indirect_vreg.scatter [tilespmem:s28], [sflag:$0x6], $0x80, v5, vm0, $0xb8;
	[tilespmem:$0x18080] =	vst v63  }
0x381: {  	_ = 	snop  }
0x382: {  	[hbm4b:s8+s4] =	stream.indirect_vreg.scatter [tilespmem:s29], [sflag:$0x6], $0x80, v5, vm0, $0xb8;
	[tilespmem:$0x18080] =	vst v63  }
0x383: {  	s7 =	sadd.s32 $0x10, s7  }
0x384: {  	v6 =	vadd.s32 s7, v0;
	[hbm4b:s9+s4] =	stream.indirect_vreg.scatter [tilespmem:s30], [sflag:$0x6], $0x80, v5, vm0, $0xb8;
	[tilespmem:$0x18080] =	vst v63  }
0x385: {  	vm1 =	vlt.s32 v6, v4  }
0x386: {  	v6 =	vsel vm1, v6, v4;
	[hbm4b:s10+s4] =	stream.indirect_vreg.scatter [tilespmem:s31], [sflag:$0x6], $0x80, v5, vm0, $0xb8;
	[tilespmem:$0x18080] =	vst v63  }
0x387: {  	p1 =	sne.s32 s15, $0x1;
	v7 =	vshll.u32 v6, $0x4  }
0x388: {  	v6 =	vand.u32 $0x7, v6;
	v7 =	vand.u32 $0xFFFFFF80, v7;
	[hbm4b:s11+s4] =	stream.indirect_vreg.scatter [tilespmem:s0], [sflag:$0x6], $0x80, v5, vm0, $0xb8;
	[tilespmem:$0x18080] =	vst v63  }
.Ltmp31:
0x389: {  	v6 =	vor.u32 v6, v7;
	(pc) =	sbr.rel @!p1 .LBB2_43-.Ltmp31, $4  }
0x38a: {  	v8 =	vperm.xlane v6, v1  }
0x38b: {  	[hbm4b:s12+s4] =	stream.indirect_vreg.scatter [tilespmem:s2], [sflag:$0x6], $0x80, v5, vm0, $0xb8;
	[tilespmem:$0x18080] =	vst v63  }
0x38c: {  	s15 =	sadd.s32 $0xFFFFFFFF, s15;
	p0 =	por $0x1, $0x1;
	v7 =	vperm.xlane v6, v3;
	v6 =	vadd.s32 v2, v8  }
0x38d: {  	[hbm4b:s13+s4] =	stream.indirect_vreg.scatter [tilespmem:s1], [sflag:$0x6], $0x80, v5, vm0, $0xb8;
	[tilespmem:$0x18080] =	vst v63  }
.LBB2_42:
0x38e: {  	_ = 	snop  }
0x38f: {  	[hbm4b:s14+s4] =	stream.indirect_vreg.scatter [tilespmem:s6], [sflag:$0x6], $0x80, v5, vm0, $0xb8;
	[tilespmem:$0x18080] =	vst v63  }
0x390: {  	p1 =	sne.s32 s15, $0x1;
	s15 =	sadd.s32 $0xFFFFFFFF, s15  }
0x391: {  	[hbm4b:s3+s4] =	stream.indirect_vreg.scatter [tilespmem:s19], [sflag:$0x6], $0x80, v6, vm0, $0xb8;
	[tilespmem:$0x18080] =	vst v63  }
0x392: {  	_ = 	snop  }
0x393: {  	[hbm4b:s8+s4] =	stream.indirect_vreg.scatter [tilespmem:s16], [sflag:$0x6], $0x80, v6, vm0, $0xb8;
	[tilespmem:$0x18080] =	vst v63  }
0x394: {  	_ = 	snop  }
0x395: {  	[hbm4b:s9+s4] =	stream.indirect_vreg.scatter [tilespmem:s5], [sflag:$0x6], $0x80, v6, vm0, $0xb8;
	[tilespmem:$0x18080] =	vst v63  }
0x396: {  	_ = 	snop  }
0x397: {  	[hbm4b:s10+s4] =	stream.indirect_vreg.scatter [tilespmem:s22], [sflag:$0x6], $0x80, v6, vm0, $0xb8;
	[tilespmem:$0x18080] =	vst v63  }
0x398: {  	_ = 	snop  }
0x399: {  	[hbm4b:s11+s4] =	stream.indirect_vreg.scatter [tilespmem:s23], [sflag:$0x6], $0x80, v6, vm0, $0xb8;
	[tilespmem:$0x18080] =	vst v63  }
0x39a: {  	_ = 	snop  }
0x39b: {  	[hbm4b:s12+s4] =	stream.indirect_vreg.scatter [tilespmem:s24], [sflag:$0x6], $0x80, v6, vm0, $0xb8;
	[tilespmem:$0x18080] =	vst v63  }
0x39c: {  	v5 =	vadd.s32 v2, v7  }
0x39d: {  	[hbm4b:s13+s4] =	stream.indirect_vreg.scatter [tilespmem:s25], [sflag:$0x6], $0x80, v6, vm0, $0xb8;
	[tilespmem:$0x18080] =	vst v63  }
0x39e: {  	_ = 	snop  }
0x39f: {  	[hbm4b:s14+s4] =	stream.indirect_vreg.scatter [tilespmem:s26], [sflag:$0x6], $0x80, v6, vm0, $0xb8;
	[tilespmem:$0x18080] =	vst v63  }
0x3a0: {  	_ = 	snop  }
0x3a1: {  	[hbm4b:s3+s4] =	stream.indirect_vreg.scatter [tilespmem:s28], [sflag:$0x6], $0x80, v5, vm0, $0xb8;
	[tilespmem:$0x18080] =	vst v63  }
0x3a2: {  	s7 =	sadd.s32 $0x10, s7  }
0x3a3: {  	[hbm4b:s8+s4] =	stream.indirect_vreg.scatter [tilespmem:s29], [sflag:$0x6], $0x80, v5, vm0, $0xb8;
	[tilespmem:$0x18080] =	vst v63  }
0x3a4: {  	v6 =	vadd.s32 s7, v0  }
0x3a5: {  	vm1 =	vlt.s32 v6, v4;
	[hbm4b:s9+s4] =	stream.indirect_vreg.scatter [tilespmem:s30], [sflag:$0x6], $0x80, v5, vm0, $0xb8;
	[tilespmem:$0x18080] =	vst v63  }
0x3a6: {  	v6 =	vsel vm1, v6, v4  }
0x3a7: {  	v7 =	vshll.u32 v6, $0x4;
	[hbm4b:s10+s4] =	stream.indirect_vreg.scatter [tilespmem:s31], [sflag:$0x6], $0x80, v5, vm0, $0xb8;
	[tilespmem:$0x18080] =	vst v63  }
0x3a8: {  	v6 =	vand.u32 $0x7, v6;
	v7 =	vand.u32 $0xFFFFFF80, v7  }
0x3a9: {  	[hbm4b:s11+s4] =	stream.indirect_vreg.scatter [tilespmem:s0], [sflag:$0x6], $0x80, v5, vm0, $0xb8;
	[tilespmem:$0x18080] =	vst v63  }
.Ltmp32:
0x3aa: {  	v6 =	vor.u32 v6, v7;
	(pc) =	sbr.rel @p1 .LBB2_42-.Ltmp32, $4  }
0x3ab: {  	v8 =	vperm.xlane v6, v1;
	v7 =	vperm.xlane v6, v3  }
0x3ac: {  	[hbm4b:s12+s4] =	stream.indirect_vreg.scatter [tilespmem:s2], [sflag:$0x6], $0x80, v5, vm0, $0xb8;
	[tilespmem:$0x18080] =	vst v63  }
0x3ad: {  	v6 =	vadd.s32 v2, v8  }
0x3ae: {  	[hbm4b:s13+s4] =	stream.indirect_vreg.scatter [tilespmem:s1], [sflag:$0x6], $0x80, v5, vm0, $0xb8;
	[tilespmem:$0x18080] =	vst v63  }
.LBB2_43:
0x3af: {  	_ =	sdelay $0x3  }
0x3b0: {  	[hbm4b:s14+s4] =	stream.indirect_vreg.scatter @p0 [tilespmem:s6], [sflag:$0x6], $0x80, v5, vm0, $0xb8;
	[tilespmem:$0x18080] =	vst v63  }
0x3b1: {  	_ = 	snop  }
0x3b2: {  	[hbm4b:s3+s4] =	stream.indirect_vreg.scatter [tilespmem:s19], [sflag:$0x6], $0x80, v6, vm0, $0xb8;
	[tilespmem:$0x18080] =	vst v63  }
0x3b3: {  	_ = 	snop  }
0x3b4: {  	[hbm4b:s8+s4] =	stream.indirect_vreg.scatter [tilespmem:s16], [sflag:$0x6], $0x80, v6, vm0, $0xb8;
	[tilespmem:$0x18080] =	vst v63  }
0x3b5: {  	_ = 	snop  }
0x3b6: {  	[hbm4b:s9+s4] =	stream.indirect_vreg.scatter [tilespmem:s5], [sflag:$0x6], $0x80, v6, vm0, $0xb8;
	[tilespmem:$0x18080] =	vst v63  }
0x3b7: {  	_ = 	snop  }
0x3b8: {  	[hbm4b:s10+s4] =	stream.indirect_vreg.scatter [tilespmem:s22], [sflag:$0x6], $0x80, v6, vm0, $0xb8;
	[tilespmem:$0x18080] =	vst v63  }
0x3b9: {  	_ = 	snop  }
0x3ba: {  	[hbm4b:s11+s4] =	stream.indirect_vreg.scatter [tilespmem:s23], [sflag:$0x6], $0x80, v6, vm0, $0xb8;
	[tilespmem:$0x18080] =	vst v63  }
0x3bb: {  	_ = 	snop  }
0x3bc: {  	[hbm4b:s12+s4] =	stream.indirect_vreg.scatter [tilespmem:s24], [sflag:$0x6], $0x80, v6, vm0, $0xb8;
	[tilespmem:$0x18080] =	vst v63  }
0x3bd: {  	v4 =	vadd.s32 v2, v7  }
0x3be: {  	[hbm4b:s13+s4] =	stream.indirect_vreg.scatter [tilespmem:s25], [sflag:$0x6], $0x80, v6, vm0, $0xb8;
	[tilespmem:$0x18080] =	vst v63  }
0x3bf: {  	_ = 	snop  }
0x3c0: {  	[hbm4b:s14+s4] =	stream.indirect_vreg.scatter [tilespmem:s26], [sflag:$0x6], $0x80, v6, vm0, $0xb8;
	[tilespmem:$0x18080] =	vst v63  }
0x3c1: {  	_ = 	snop  }
0x3c2: {  	[hbm4b:s3+s4] =	stream.indirect_vreg.scatter [tilespmem:s28], [sflag:$0x6], $0x80, v4, vm0, $0xb8;
	[tilespmem:$0x18080] =	vst v63  }
0x3c3: {  	_ = 	snop  }
0x3c4: {  	[hbm4b:s8+s4] =	stream.indirect_vreg.scatter [tilespmem:s29], [sflag:$0x6], $0x80, v4, vm0, $0xb8;
	[tilespmem:$0x18080] =	vst v63  }
0x3c5: {  	_ = 	snop  }
0x3c6: {  	[hbm4b:s9+s4] =	stream.indirect_vreg.scatter [tilespmem:s30], [sflag:$0x6], $0x80, v4, vm0, $0xb8;
	[tilespmem:$0x18080] =	vst v63  }
0x3c7: {  	_ = 	snop  }
0x3c8: {  	[hbm4b:s10+s4] =	stream.indirect_vreg.scatter [tilespmem:s31], [sflag:$0x6], $0x80, v4, vm0, $0xb8;
	[tilespmem:$0x18080] =	vst v63  }
0x3c9: {  	_ = 	snop  }
0x3ca: {  	[hbm4b:s11+s4] =	stream.indirect_vreg.scatter [tilespmem:s0], [sflag:$0x6], $0x80, v4, vm0, $0xb8;
	[tilespmem:$0x18080] =	vst v63  }
0x3cb: {  	_ = 	snop  }
0x3cc: {  	[hbm4b:s12+s4] =	stream.indirect_vreg.scatter [tilespmem:s2], [sflag:$0x6], $0x80, v4, vm0, $0xb8;
	[tilespmem:$0x18080] =	vst v63  }
0x3cd: {  	_ = 	snop  }
0x3ce: {  	[hbm4b:s13+s4] =	stream.indirect_vreg.scatter [tilespmem:s1], [sflag:$0x6], $0x80, v4, vm0, $0xb8;
	[tilespmem:$0x18080] =	vst v63  }
0x3cf: {  	_ = 	snop  }
0x3d0: {  	[hbm4b:s14+s4] =	stream.indirect_vreg.scatter [tilespmem:s6], [sflag:$0x6], $0x80, v4, vm0, $0xb8;
	[tilespmem:$0x18080] =	vst v63  }
.LBB2_44:
0x3d1: {  	s18 =	rddreg [dreg:$0x1a]  }
0x3d2: {  	s21 =	sld [smem:$0x7E4]  }
0x3d3: {  	s15 =	rddreg [dreg:$0x1e]  }
0x3d4: {  	s20 =	rddreg [dreg:$0x19]  }
0x3d5: {  	p1 =	slt.s32 s20, s15;
	p0 =	sgt.s32 s18, s21;
	s7 =	smov.u32 s21  }
0x3d6: {  	s15 =	smov.u32 @p1 s20;
	s7 =	smov.u32 @p0 s18  }
0x3d7: {  	s15 =	ssub.s32 s15, s7  }
0x3d8: {  	p0 =	sgt.s32 s15, $0x0  }
0x3d9: {  	s15 =	simm.s32 @!p0 $0x0  }
0x3da: {  	s18 =	sadd.s32 $0xF, s15  }
0x3db: {  	s20 =	sand.u32 $0xF, s18  }
0x3dc: {  	p6 =	slt.s32 s18, $0x0;
	p5 =	sne.s32 s20, $0x0;
	s20 =	sshra.s32 s18, $0x1F  }
0x3dd: {  	s20 =	sshrl.u32 s20, $0x1C;
	p0 =	por !p6, !p5  }
0x3de: {  	s18 =	sadd.s32 s20, s18;
	p0 =	por !p0, !p0;
	s20 =	simm.s32 $0x1  }
0x3df: {  	s18 =	sshra.s32 s18, $0x4;
	s20 =	simm.s32 @!p0 $0x0  }
0x3e0: {  	s18 =	ssub.s32 s18, s20  }
0x3e1: {  	p0 =	slt.s32 s18, $0x1  }
.Ltmp33:
0x3e2: {  	_ = 	snop;
	(pc) =	sbr.rel @p0 .LBB2_50-.Ltmp33, $2  }
0x3e3: {  	_ =	sdelay $0x2  }
0x3e4: {  	[smem:$0x7DE] =	sst s18  }
0x3e5: {  	s18 =	rddreg [dreg:$0x1c]  }
0x3e6: {  	s20 =	rddreg [dreg:$0xc];
	s18 =	sadd.s32 s7, s18  }
0x3e7: {  	s18 =	sadd.s32 s20, s18;
	s20 =	rddreg [dreg:$0xd]  }
0x3e8: {  	s18 =	sadd.s32 s20, s18;
	s20 =	rddreg [dreg:$0xe]  }
0x3e9: {  	s7 =	ssub.s32 s7, s21;
	s18 =	sadd.s32 s20, s18;
	s20 =	rddreg [dreg:$0x1d]  }
0x3ea: {  	s7 =	sadd.s32 s7, s20;
	s20 =	rddreg [dreg:$0xf]  }
0x3eb: {  	s18 =	sadd.s32 s20, s18;
	s20 =	rddreg [dreg:$0x10]  }
0x3ec: {  	s7 =	sadd.s32 s15, s7;
	s15 =	sadd.s32 s20, s18  }
0x3ed: {  	s7 =	sadd.s32 $0xFFFFFFFF, s7;
	s15 =	ssub.s32 s15, s21  }
0x3ee: {  	v4 =	vmov s7;
	s21 =	sld [smem:$0x7DE];
	v5 =	vadd.s32 s15, v0  }
0x3ef: {  	vm1 =	vlt.s32 v5, v4  }
0x3f0: {  	v5 =	vsel vm1, v5, v4  }
0x3f1: {  	p1 =	sne.s32 s21, $0x1;
	v6 =	vshll.u32 v5, $0x4  }
.Ltmp34:
0x3f2: {  	v5 =	vand.u32 $0x7, v5;
	v6 =	vand.u32 $0xFFFFFF80, v6;
	(pc) =	sbr.rel @!p1 .LBB2_46-.Ltmp34, $3  }
0x3f3: {  	v5 =	vor.u32 v5, v6  }
0x3f4: {  	v6 =	vperm.xlane v5, v1;
	_ =	sdelay $0x1  }
0x3f5: {  	p0 =	por $0x0, $0x0;
	s7 =	sadd.s32 $0xFFFFFFFF, s21;
	v7 =	vperm.xlane v5, v3;
	v6 =	vadd.s32 v2, v6  }
0x3f6: {  	_ =	sdelay $0x3  }
0x3f7: {  	[hbm4b:s3+s4] =	stream.indirect_vreg.scatter [tilespmem:s19], [sflag:$0x6], $0x80, v6, vm0, $0xb8;
	[tilespmem:$0x18080] =	vst v63  }
0x3f8: {  	_ = 	snop  }
0x3f9: {  	[hbm4b:s8+s4] =	stream.indirect_vreg.scatter [tilespmem:s16], [sflag:$0x6], $0x80, v6, vm0, $0xb8;
	[tilespmem:$0x18080] =	vst v63  }
0x3fa: {  	_ = 	snop  }
0x3fb: {  	[hbm4b:s9+s4] =	stream.indirect_vreg.scatter [tilespmem:s5], [sflag:$0x6], $0x80, v6, vm0, $0xb8;
	[tilespmem:$0x18080] =	vst v63  }
0x3fc: {  	_ = 	snop  }
0x3fd: {  	[hbm4b:s10+s4] =	stream.indirect_vreg.scatter [tilespmem:s22], [sflag:$0x6], $0x80, v6, vm0, $0xb8;
	[tilespmem:$0x18080] =	vst v63  }
0x3fe: {  	_ = 	snop  }
0x3ff: {  	[hbm4b:s11+s4] =	stream.indirect_vreg.scatter [tilespmem:s23], [sflag:$0x6], $0x80, v6, vm0, $0xb8;
	[tilespmem:$0x18080] =	vst v63  }
0x400: {  	_ = 	snop  }
0x401: {  	[hbm4b:s12+s4] =	stream.indirect_vreg.scatter [tilespmem:s24], [sflag:$0x6], $0x80, v6, vm0, $0xb8;
	[tilespmem:$0x18080] =	vst v63  }
0x402: {  	v5 =	vadd.s32 v2, v7  }
0x403: {  	[hbm4b:s13+s4] =	stream.indirect_vreg.scatter [tilespmem:s25], [sflag:$0x6], $0x80, v6, vm0, $0xb8;
	[tilespmem:$0x18080] =	vst v63  }
0x404: {  	_ = 	snop  }
0x405: {  	[hbm4b:s14+s4] =	stream.indirect_vreg.scatter [tilespmem:s26], [sflag:$0x6], $0x80, v6, vm0, $0xb8;
	[tilespmem:$0x18080] =	vst v63  }
0x406: {  	_ = 	snop  }
0x407: {  	[hbm4b:s3+s4] =	stream.indirect_vreg.scatter [tilespmem:s28], [sflag:$0x6], $0x80, v5, vm0, $0xb8;
	[tilespmem:$0x18080] =	vst v63  }
0x408: {  	_ = 	snop  }
0x409: {  	[hbm4b:s8+s4] =	stream.indirect_vreg.scatter [tilespmem:s29], [sflag:$0x6], $0x80, v5, vm0, $0xb8;
	[tilespmem:$0x18080] =	vst v63  }
0x40a: {  	s15 =	sadd.s32 $0x10, s15  }
0x40b: {  	v6 =	vadd.s32 s15, v0;
	[hbm4b:s9+s4] =	stream.indirect_vreg.scatter [tilespmem:s30], [sflag:$0x6], $0x80, v5, vm0, $0xb8;
	[tilespmem:$0x18080] =	vst v63  }
0x40c: {  	vm1 =	vlt.s32 v6, v4  }
0x40d: {  	v6 =	vsel vm1, v6, v4;
	[hbm4b:s10+s4] =	stream.indirect_vreg.scatter [tilespmem:s31], [sflag:$0x6], $0x80, v5, vm0, $0xb8;
	[tilespmem:$0x18080] =	vst v63  }
0x40e: {  	p1 =	sne.s32 s7, $0x1;
	v7 =	vshll.u32 v6, $0x4  }
0x40f: {  	v6 =	vand.u32 $0x7, v6;
	v7 =	vand.u32 $0xFFFFFF80, v7;
	[hbm4b:s11+s4] =	stream.indirect_vreg.scatter [tilespmem:s0], [sflag:$0x6], $0x80, v5, vm0, $0xb8;
	[tilespmem:$0x18080] =	vst v63  }
.Ltmp35:
0x410: {  	v6 =	vor.u32 v6, v7;
	(pc) =	sbr.rel @!p1 .LBB2_49-.Ltmp35, $4  }
0x411: {  	v8 =	vperm.xlane v6, v1  }
0x412: {  	[hbm4b:s12+s4] =	stream.indirect_vreg.scatter [tilespmem:s2], [sflag:$0x6], $0x80, v5, vm0, $0xb8;
	[tilespmem:$0x18080] =	vst v63  }
0x413: {  	s21 =	sadd.s32 $0xFFFFFFFF, s7;
	p0 =	por $0x1, $0x1;
	v7 =	vperm.xlane v6, v3;
	v6 =	vadd.s32 v2, v8  }
0x414: {  	[hbm4b:s13+s4] =	stream.indirect_vreg.scatter [tilespmem:s1], [sflag:$0x6], $0x80, v5, vm0, $0xb8;
	[tilespmem:$0x18080] =	vst v63  }
.LBB2_48:
0x415: {  	_ = 	snop  }
0x416: {  	[hbm4b:s14+s4] =	stream.indirect_vreg.scatter [tilespmem:s6], [sflag:$0x6], $0x80, v5, vm0, $0xb8;
	[tilespmem:$0x18080] =	vst v63  }
0x417: {  	p1 =	sne.s32 s21, $0x1;
	s21 =	sadd.s32 $0xFFFFFFFF, s21  }
0x418: {  	[hbm4b:s3+s4] =	stream.indirect_vreg.scatter [tilespmem:s19], [sflag:$0x6], $0x80, v6, vm0, $0xb8;
	[tilespmem:$0x18080] =	vst v63  }
0x419: {  	_ = 	snop  }
0x41a: {  	[hbm4b:s8+s4] =	stream.indirect_vreg.scatter [tilespmem:s16], [sflag:$0x6], $0x80, v6, vm0, $0xb8;
	[tilespmem:$0x18080] =	vst v63  }
0x41b: {  	_ = 	snop  }
0x41c: {  	[hbm4b:s9+s4] =	stream.indirect_vreg.scatter [tilespmem:s5], [sflag:$0x6], $0x80, v6, vm0, $0xb8;
	[tilespmem:$0x18080] =	vst v63  }
0x41d: {  	_ = 	snop  }
0x41e: {  	[hbm4b:s10+s4] =	stream.indirect_vreg.scatter [tilespmem:s22], [sflag:$0x6], $0x80, v6, vm0, $0xb8;
	[tilespmem:$0x18080] =	vst v63  }
0x41f: {  	_ = 	snop  }
0x420: {  	[hbm4b:s11+s4] =	stream.indirect_vreg.scatter [tilespmem:s23], [sflag:$0x6], $0x80, v6, vm0, $0xb8;
	[tilespmem:$0x18080] =	vst v63  }
0x421: {  	_ = 	snop  }
0x422: {  	[hbm4b:s12+s4] =	stream.indirect_vreg.scatter [tilespmem:s24], [sflag:$0x6], $0x80, v6, vm0, $0xb8;
	[tilespmem:$0x18080] =	vst v63  }
0x423: {  	v5 =	vadd.s32 v2, v7  }
0x424: {  	[hbm4b:s13+s4] =	stream.indirect_vreg.scatter [tilespmem:s25], [sflag:$0x6], $0x80, v6, vm0, $0xb8;
	[tilespmem:$0x18080] =	vst v63  }
0x425: {  	_ = 	snop  }
0x426: {  	[hbm4b:s14+s4] =	stream.indirect_vreg.scatter [tilespmem:s26], [sflag:$0x6], $0x80, v6, vm0, $0xb8;
	[tilespmem:$0x18080] =	vst v63  }
0x427: {  	_ = 	snop  }
0x428: {  	[hbm4b:s3+s4] =	stream.indirect_vreg.scatter [tilespmem:s28], [sflag:$0x6], $0x80, v5, vm0, $0xb8;
	[tilespmem:$0x18080] =	vst v63  }
0x429: {  	s15 =	sadd.s32 $0x10, s15  }
0x42a: {  	[hbm4b:s8+s4] =	stream.indirect_vreg.scatter [tilespmem:s29], [sflag:$0x6], $0x80, v5, vm0, $0xb8;
	[tilespmem:$0x18080] =	vst v63  }
0x42b: {  	v6 =	vadd.s32 s15, v0  }
0x42c: {  	vm1 =	vlt.s32 v6, v4;
	[hbm4b:s9+s4] =	stream.indirect_vreg.scatter [tilespmem:s30], [sflag:$0x6], $0x80, v5, vm0, $0xb8;
	[tilespmem:$0x18080] =	vst v63  }
0x42d: {  	v6 =	vsel vm1, v6, v4  }
0x42e: {  	v7 =	vshll.u32 v6, $0x4;
	[hbm4b:s10+s4] =	stream.indirect_vreg.scatter [tilespmem:s31], [sflag:$0x6], $0x80, v5, vm0, $0xb8;
	[tilespmem:$0x18080] =	vst v63  }
0x42f: {  	v6 =	vand.u32 $0x7, v6;
	v7 =	vand.u32 $0xFFFFFF80, v7  }
0x430: {  	[hbm4b:s11+s4] =	stream.indirect_vreg.scatter [tilespmem:s0], [sflag:$0x6], $0x80, v5, vm0, $0xb8;
	[tilespmem:$0x18080] =	vst v63  }
.Ltmp36:
0x431: {  	v6 =	vor.u32 v6, v7;
	(pc) =	sbr.rel @p1 .LBB2_48-.Ltmp36, $4  }
0x432: {  	v8 =	vperm.xlane v6, v1;
	v7 =	vperm.xlane v6, v3  }
0x433: {  	[hbm4b:s12+s4] =	stream.indirect_vreg.scatter [tilespmem:s2], [sflag:$0x6], $0x80, v5, vm0, $0xb8;
	[tilespmem:$0x18080] =	vst v63  }
0x434: {  	v6 =	vadd.s32 v2, v8  }
0x435: {  	[hbm4b:s13+s4] =	stream.indirect_vreg.scatter [tilespmem:s1], [sflag:$0x6], $0x80, v5, vm0, $0xb8;
	[tilespmem:$0x18080] =	vst v63  }
.LBB2_49:
0x436: {  	_ =	sdelay $0x3  }
0x437: {  	[hbm4b:s14+s4] =	stream.indirect_vreg.scatter @p0 [tilespmem:s6], [sflag:$0x6], $0x80, v5, vm0, $0xb8;
	[tilespmem:$0x18080] =	vst v63  }
0x438: {  	_ = 	snop  }
0x439: {  	[hbm4b:s3+s4] =	stream.indirect_vreg.scatter [tilespmem:s19], [sflag:$0x6], $0x80, v6, vm0, $0xb8;
	[tilespmem:$0x18080] =	vst v63  }
0x43a: {  	_ = 	snop  }
0x43b: {  	[hbm4b:s8+s4] =	stream.indirect_vreg.scatter [tilespmem:s16], [sflag:$0x6], $0x80, v6, vm0, $0xb8;
	[tilespmem:$0x18080] =	vst v63  }
0x43c: {  	_ = 	snop  }
0x43d: {  	[hbm4b:s9+s4] =	stream.indirect_vreg.scatter [tilespmem:s5], [sflag:$0x6], $0x80, v6, vm0, $0xb8;
	[tilespmem:$0x18080] =	vst v63  }
0x43e: {  	_ = 	snop  }
0x43f: {  	[hbm4b:s10+s4] =	stream.indirect_vreg.scatter [tilespmem:s22], [sflag:$0x6], $0x80, v6, vm0, $0xb8;
	[tilespmem:$0x18080] =	vst v63  }
0x440: {  	_ = 	snop  }
0x441: {  	[hbm4b:s11+s4] =	stream.indirect_vreg.scatter [tilespmem:s23], [sflag:$0x6], $0x80, v6, vm0, $0xb8;
	[tilespmem:$0x18080] =	vst v63  }
0x442: {  	_ = 	snop  }
0x443: {  	[hbm4b:s12+s4] =	stream.indirect_vreg.scatter [tilespmem:s24], [sflag:$0x6], $0x80, v6, vm0, $0xb8;
	[tilespmem:$0x18080] =	vst v63  }
0x444: {  	v4 =	vadd.s32 v2, v7  }
0x445: {  	[hbm4b:s13+s4] =	stream.indirect_vreg.scatter [tilespmem:s25], [sflag:$0x6], $0x80, v6, vm0, $0xb8;
	[tilespmem:$0x18080] =	vst v63  }
0x446: {  	_ = 	snop  }
0x447: {  	[hbm4b:s14+s4] =	stream.indirect_vreg.scatter [tilespmem:s26], [sflag:$0x6], $0x80, v6, vm0, $0xb8;
	[tilespmem:$0x18080] =	vst v63  }
0x448: {  	_ = 	snop  }
0x449: {  	[hbm4b:s3+s4] =	stream.indirect_vreg.scatter [tilespmem:s28], [sflag:$0x6], $0x80, v4, vm0, $0xb8;
	[tilespmem:$0x18080] =	vst v63  }
0x44a: {  	_ = 	snop  }
0x44b: {  	[hbm4b:s8+s4] =	stream.indirect_vreg.scatter [tilespmem:s29], [sflag:$0x6], $0x80, v4, vm0, $0xb8;
	[tilespmem:$0x18080] =	vst v63  }
0x44c: {  	_ = 	snop  }
0x44d: {  	[hbm4b:s9+s4] =	stream.indirect_vreg.scatter [tilespmem:s30], [sflag:$0x6], $0x80, v4, vm0, $0xb8;
	[tilespmem:$0x18080] =	vst v63  }
0x44e: {  	_ = 	snop  }
0x44f: {  	[hbm4b:s10+s4] =	stream.indirect_vreg.scatter [tilespmem:s31], [sflag:$0x6], $0x80, v4, vm0, $0xb8;
	[tilespmem:$0x18080] =	vst v63  }
0x450: {  	_ = 	snop  }
0x451: {  	[hbm4b:s11+s4] =	stream.indirect_vreg.scatter [tilespmem:s0], [sflag:$0x6], $0x80, v4, vm0, $0xb8;
	[tilespmem:$0x18080] =	vst v63  }
0x452: {  	_ = 	snop  }
0x453: {  	[hbm4b:s12+s4] =	stream.indirect_vreg.scatter [tilespmem:s2], [sflag:$0x6], $0x80, v4, vm0, $0xb8;
	[tilespmem:$0x18080] =	vst v63  }
0x454: {  	_ = 	snop  }
0x455: {  	[hbm4b:s13+s4] =	stream.indirect_vreg.scatter [tilespmem:s1], [sflag:$0x6], $0x80, v4, vm0, $0xb8;
	[tilespmem:$0x18080] =	vst v63  }
0x456: {  	_ = 	snop  }
0x457: {  	[hbm4b:s14+s4] =	stream.indirect_vreg.scatter [tilespmem:s6], [sflag:$0x6], $0x80, v4, vm0, $0xb8;
	[tilespmem:$0x18080] =	vst v63  }
.LBB2_50:
0x458: {  	s18 =	rddreg [dreg:$0x1a]  }
0x459: {  	s7 =	rddreg [dreg:$0x1e]  }
0x45a: {  	s20 =	rddreg [dreg:$0x18]  }
0x45b: {  	s21 =	rddreg [dreg:$0x19]  }
0x45c: {  	p0 =	sgt.s32 s18, s7;
	p1 =	slt.s32 s21, s20;
	s15 =	smov.u32 s20  }
0x45d: {  	s7 =	smov.u32 @p0 s18;
	s15 =	smov.u32 @p1 s21  }
0x45e: {  	s21 =	ssub.s32 s15, s7  }
0x45f: {  	p0 =	sgt.s32 s21, $0x0  }
0x460: {  	s21 =	simm.s32 @!p0 $0x0  }
0x461: {  	s15 =	sadd.s32 $0xF, s21  }
0x462: {  	s18 =	sand.u32 $0xF, s15  }
0x463: {  	p6 =	slt.s32 s15, $0x0;
	p5 =	sne.s32 s18, $0x0;
	s18 =	sshra.s32 s15, $0x1F  }
0x464: {  	s18 =	sshrl.u32 s18, $0x1C;
	p0 =	por !p6, !p5  }
0x465: {  	s15 =	sadd.s32 s18, s15;
	p0 =	por !p0, !p0;
	s18 =	simm.s32 $0x1  }
0x466: {  	s15 =	sshra.s32 s15, $0x4;
	s18 =	simm.s32 @!p0 $0x0  }
0x467: {  	s15 =	ssub.s32 s15, s18  }
0x468: {  	p0 =	slt.s32 s15, $0x1  }
.Ltmp37:
0x469: {  	_ = 	snop;
	(pc) =	sbr.rel @p0 .LBB2_58-.Ltmp37, $2  }
0x46a: {  	_ =	sdelay $0x2  }
0x46b: {  	[smem:$0x7DD] =	sst s15  }
0x46c: {  	s15 =	rddreg [dreg:$0x16]  }
0x46d: {  	s20 =	rddreg [dreg:$0xc]  }
0x46e: {  	s18 =	sadd.s32 s7, s15;
	s15 =	rddreg [dreg:$0xf]  }
0x46f: {  	s18 =	sadd.s32 s20, s18;
	s20 =	rddreg [dreg:$0xd]  }
0x470: {  	s18 =	sadd.s32 s20, s18;
	s20 =	rddreg [dreg:$0xe]  }
0x471: {  	s18 =	sadd.s32 s20, s18;
	s20 =	rddreg [dreg:$0x1e]  }
0x472: {  	s7 =	ssub.s32 s7, s20;
	s18 =	sadd.s32 s15, s18;
	s15 =	rddreg [dreg:$0x17]  }
0x473: {  	s7 =	sadd.s32 s7, s15;
	s15 =	rddreg [dreg:$0x10]  }
0x474: {  	s18 =	sadd.s32 s15, s18;
	s7 =	sadd.s32 s21, s7;
	s21 =	rddreg [dreg:$0x11]  }
0x475: {  	s18 =	sadd.s32 s21, s18  }
0x476: {  	s7 =	sadd.s32 $0xFFFFFFFF, s7;
	s21 =	ssub.s32 s18, s20  }
0x477: {  	v4 =	vmov s7;
	s20 =	sld [smem:$0x7DD];
	v5 =	vadd.s32 s21, v0  }
0x478: {  	vm1 =	vlt.s32 v5, v4  }
0x479: {  	v5 =	vsel vm1, v5, v4  }
0x47a: {  	p1 =	sne.s32 s20, $0x1;
	v6 =	vshll.u32 v5, $0x4  }
.Ltmp38:
0x47b: {  	v5 =	vand.u32 $0x7, v5;
	v6 =	vand.u32 $0xFFFFFF80, v6;
	(pc) =	sbr.rel @!p1 .LBB2_52-.Ltmp38, $3  }
0x47c: {  	v5 =	vor.u32 v5, v6  }
0x47d: {  	v6 =	vperm.xlane v5, v1;
	_ =	sdelay $0x1  }
0x47e: {  	p0 =	por $0x0, $0x0;
	s7 =	sadd.s32 $0xFFFFFFFF, s20;
	v7 =	vperm.xlane v5, v3;
	v6 =	vadd.s32 v2, v6  }
0x47f: {  	_ =	sdelay $0x3  }
0x480: {  	[hbm4b:s3+s4] =	stream.indirect_vreg.scatter [tilespmem:s19], [sflag:$0x6], $0x80, v6, vm0, $0xb8;
	[tilespmem:$0x18080] =	vst v63  }
0x481: {  	_ = 	snop  }
0x482: {  	[hbm4b:s8+s4] =	stream.indirect_vreg.scatter [tilespmem:s16], [sflag:$0x6], $0x80, v6, vm0, $0xb8;
	[tilespmem:$0x18080] =	vst v63  }
0x483: {  	_ = 	snop  }
0x484: {  	[hbm4b:s9+s4] =	stream.indirect_vreg.scatter [tilespmem:s5], [sflag:$0x6], $0x80, v6, vm0, $0xb8;
	[tilespmem:$0x18080] =	vst v63  }
0x485: {  	_ = 	snop  }
0x486: {  	[hbm4b:s10+s4] =	stream.indirect_vreg.scatter [tilespmem:s22], [sflag:$0x6], $0x80, v6, vm0, $0xb8;
	[tilespmem:$0x18080] =	vst v63  }
0x487: {  	_ = 	snop  }
0x488: {  	[hbm4b:s11+s4] =	stream.indirect_vreg.scatter [tilespmem:s23], [sflag:$0x6], $0x80, v6, vm0, $0xb8;
	[tilespmem:$0x18080] =	vst v63  }
0x489: {  	_ = 	snop  }
0x48a: {  	[hbm4b:s12+s4] =	stream.indirect_vreg.scatter [tilespmem:s24], [sflag:$0x6], $0x80, v6, vm0, $0xb8;
	[tilespmem:$0x18080] =	vst v63  }
0x48b: {  	v5 =	vadd.s32 v2, v7  }
0x48c: {  	[hbm4b:s13+s4] =	stream.indirect_vreg.scatter [tilespmem:s25], [sflag:$0x6], $0x80, v6, vm0, $0xb8;
	[tilespmem:$0x18080] =	vst v63  }
0x48d: {  	_ = 	snop  }
0x48e: {  	[hbm4b:s14+s4] =	stream.indirect_vreg.scatter [tilespmem:s26], [sflag:$0x6], $0x80, v6, vm0, $0xb8;
	[tilespmem:$0x18080] =	vst v63  }
0x48f: {  	_ = 	snop  }
0x490: {  	[hbm4b:s3+s4] =	stream.indirect_vreg.scatter [tilespmem:s28], [sflag:$0x6], $0x80, v5, vm0, $0xb8;
	[tilespmem:$0x18080] =	vst v63  }
0x491: {  	_ = 	snop  }
0x492: {  	[hbm4b:s8+s4] =	stream.indirect_vreg.scatter [tilespmem:s29], [sflag:$0x6], $0x80, v5, vm0, $0xb8;
	[tilespmem:$0x18080] =	vst v63  }
0x493: {  	s21 =	sadd.s32 $0x10, s21  }
0x494: {  	v6 =	vadd.s32 s21, v0;
	[hbm4b:s9+s4] =	stream.indirect_vreg.scatter [tilespmem:s30], [sflag:$0x6], $0x80, v5, vm0, $0xb8;
	[tilespmem:$0x18080] =	vst v63  }
0x495: {  	vm1 =	vlt.s32 v6, v4  }
0x496: {  	v6 =	vsel vm1, v6, v4;
	[hbm4b:s10+s4] =	stream.indirect_vreg.scatter [tilespmem:s31], [sflag:$0x6], $0x80, v5, vm0, $0xb8;
	[tilespmem:$0x18080] =	vst v63  }
0x497: {  	p1 =	sne.s32 s7, $0x1;
	v7 =	vshll.u32 v6, $0x4  }
0x498: {  	v6 =	vand.u32 $0x7, v6;
	v7 =	vand.u32 $0xFFFFFF80, v7;
	[hbm4b:s11+s4] =	stream.indirect_vreg.scatter [tilespmem:s0], [sflag:$0x6], $0x80, v5, vm0, $0xb8;
	[tilespmem:$0x18080] =	vst v63  }
.Ltmp39:
0x499: {  	v6 =	vor.u32 v6, v7;
	(pc) =	sbr.rel @!p1 .LBB2_54-.Ltmp39, $4  }
0x49a: {  	v8 =	vperm.xlane v6, v1  }
0x49b: {  	[hbm4b:s12+s4] =	stream.indirect_vreg.scatter [tilespmem:s2], [sflag:$0x6], $0x80, v5, vm0, $0xb8;
	[tilespmem:$0x18080] =	vst v63  }
0x49c: {  	s7 =	sadd.s32 $0xFFFFFFFF, s7;
	p0 =	por $0x1, $0x1;
	v7 =	vperm.xlane v6, v3;
	v6 =	vadd.s32 v2, v8  }
0x49d: {  	[hbm4b:s13+s4] =	stream.indirect_vreg.scatter [tilespmem:s1], [sflag:$0x6], $0x80, v5, vm0, $0xb8;
	[tilespmem:$0x18080] =	vst v63  }
.LBB2_55:
0x49e: {  	_ = 	snop  }
0x49f: {  	[hbm4b:s14+s4] =	stream.indirect_vreg.scatter [tilespmem:s6], [sflag:$0x6], $0x80, v5, vm0, $0xb8;
	[tilespmem:$0x18080] =	vst v63  }
0x4a0: {  	p1 =	sne.s32 s7, $0x1;
	s7 =	sadd.s32 $0xFFFFFFFF, s7  }
0x4a1: {  	[hbm4b:s3+s4] =	stream.indirect_vreg.scatter [tilespmem:s19], [sflag:$0x6], $0x80, v6, vm0, $0xb8;
	[tilespmem:$0x18080] =	vst v63  }
0x4a2: {  	_ = 	snop  }
0x4a3: {  	[hbm4b:s8+s4] =	stream.indirect_vreg.scatter [tilespmem:s16], [sflag:$0x6], $0x80, v6, vm0, $0xb8;
	[tilespmem:$0x18080] =	vst v63  }
0x4a4: {  	_ = 	snop  }
0x4a5: {  	[hbm4b:s9+s4] =	stream.indirect_vreg.scatter [tilespmem:s5], [sflag:$0x6], $0x80, v6, vm0, $0xb8;
	[tilespmem:$0x18080] =	vst v63  }
0x4a6: {  	_ = 	snop  }
0x4a7: {  	[hbm4b:s10+s4] =	stream.indirect_vreg.scatter [tilespmem:s22], [sflag:$0x6], $0x80, v6, vm0, $0xb8;
	[tilespmem:$0x18080] =	vst v63  }
0x4a8: {  	_ = 	snop  }
0x4a9: {  	[hbm4b:s11+s4] =	stream.indirect_vreg.scatter [tilespmem:s23], [sflag:$0x6], $0x80, v6, vm0, $0xb8;
	[tilespmem:$0x18080] =	vst v63  }
0x4aa: {  	_ = 	snop  }
0x4ab: {  	[hbm4b:s12+s4] =	stream.indirect_vreg.scatter [tilespmem:s24], [sflag:$0x6], $0x80, v6, vm0, $0xb8;
	[tilespmem:$0x18080] =	vst v63  }
0x4ac: {  	v5 =	vadd.s32 v2, v7  }
0x4ad: {  	[hbm4b:s13+s4] =	stream.indirect_vreg.scatter [tilespmem:s25], [sflag:$0x6], $0x80, v6, vm0, $0xb8;
	[tilespmem:$0x18080] =	vst v63  }
0x4ae: {  	_ = 	snop  }
0x4af: {  	[hbm4b:s14+s4] =	stream.indirect_vreg.scatter [tilespmem:s26], [sflag:$0x6], $0x80, v6, vm0, $0xb8;
	[tilespmem:$0x18080] =	vst v63  }
0x4b0: {  	_ = 	snop  }
0x4b1: {  	[hbm4b:s3+s4] =	stream.indirect_vreg.scatter [tilespmem:s28], [sflag:$0x6], $0x80, v5, vm0, $0xb8;
	[tilespmem:$0x18080] =	vst v63  }
0x4b2: {  	s21 =	sadd.s32 $0x10, s21  }
0x4b3: {  	[hbm4b:s8+s4] =	stream.indirect_vreg.scatter [tilespmem:s29], [sflag:$0x6], $0x80, v5, vm0, $0xb8;
	[tilespmem:$0x18080] =	vst v63  }
0x4b4: {  	v6 =	vadd.s32 s21, v0  }
0x4b5: {  	vm1 =	vlt.s32 v6, v4;
	[hbm4b:s9+s4] =	stream.indirect_vreg.scatter [tilespmem:s30], [sflag:$0x6], $0x80, v5, vm0, $0xb8;
	[tilespmem:$0x18080] =	vst v63  }
0x4b6: {  	v6 =	vsel vm1, v6, v4  }
0x4b7: {  	v7 =	vshll.u32 v6, $0x4;
	[hbm4b:s10+s4] =	stream.indirect_vreg.scatter [tilespmem:s31], [sflag:$0x6], $0x80, v5, vm0, $0xb8;
	[tilespmem:$0x18080] =	vst v63  }
0x4b8: {  	v6 =	vand.u32 $0x7, v6;
	v7 =	vand.u32 $0xFFFFFF80, v7  }
0x4b9: {  	[hbm4b:s11+s4] =	stream.indirect_vreg.scatter [tilespmem:s0], [sflag:$0x6], $0x80, v5, vm0, $0xb8;
	[tilespmem:$0x18080] =	vst v63  }
.Ltmp40:
0x4ba: {  	v6 =	vor.u32 v6, v7;
	(pc) =	sbr.rel @p1 .LBB2_55-.Ltmp40, $4  }
0x4bb: {  	v8 =	vperm.xlane v6, v1;
	v7 =	vperm.xlane v6, v3  }
0x4bc: {  	[hbm4b:s12+s4] =	stream.indirect_vreg.scatter [tilespmem:s2], [sflag:$0x6], $0x80, v5, vm0, $0xb8;
	[tilespmem:$0x18080] =	vst v63  }
0x4bd: {  	v6 =	vadd.s32 v2, v8  }
0x4be: {  	[hbm4b:s13+s4] =	stream.indirect_vreg.scatter [tilespmem:s1], [sflag:$0x6], $0x80, v5, vm0, $0xb8;
	[tilespmem:$0x18080] =	vst v63  }
0x4bf: {  	s20 =	rddreg [dreg:$0x18]  }
.LBB2_57:
0x4c0: {  	_ =	sdelay $0x3  }
0x4c1: {  	[hbm4b:s14+s4] =	stream.indirect_vreg.scatter @p0 [tilespmem:s6], [sflag:$0x6], $0x80, v5, vm0, $0xb8;
	[tilespmem:$0x18080] =	vst v63  }
0x4c2: {  	_ = 	snop  }
0x4c3: {  	[hbm4b:s3+s4] =	stream.indirect_vreg.scatter [tilespmem:s19], [sflag:$0x6], $0x80, v6, vm0, $0xb8;
	[tilespmem:$0x18080] =	vst v63  }
0x4c4: {  	_ = 	snop  }
0x4c5: {  	[hbm4b:s8+s4] =	stream.indirect_vreg.scatter [tilespmem:s16], [sflag:$0x6], $0x80, v6, vm0, $0xb8;
	[tilespmem:$0x18080] =	vst v63  }
0x4c6: {  	_ = 	snop  }
0x4c7: {  	[hbm4b:s9+s4] =	stream.indirect_vreg.scatter [tilespmem:s5], [sflag:$0x6], $0x80, v6, vm0, $0xb8;
	[tilespmem:$0x18080] =	vst v63  }
0x4c8: {  	_ = 	snop  }
0x4c9: {  	[hbm4b:s10+s4] =	stream.indirect_vreg.scatter [tilespmem:s22], [sflag:$0x6], $0x80, v6, vm0, $0xb8;
	[tilespmem:$0x18080] =	vst v63  }
0x4ca: {  	_ = 	snop  }
0x4cb: {  	[hbm4b:s11+s4] =	stream.indirect_vreg.scatter [tilespmem:s23], [sflag:$0x6], $0x80, v6, vm0, $0xb8;
	[tilespmem:$0x18080] =	vst v63  }
0x4cc: {  	_ = 	snop  }
0x4cd: {  	[hbm4b:s12+s4] =	stream.indirect_vreg.scatter [tilespmem:s24], [sflag:$0x6], $0x80, v6, vm0, $0xb8;
	[tilespmem:$0x18080] =	vst v63  }
0x4ce: {  	v4 =	vadd.s32 v2, v7  }
0x4cf: {  	[hbm4b:s13+s4] =	stream.indirect_vreg.scatter [tilespmem:s25], [sflag:$0x6], $0x80, v6, vm0, $0xb8;
	[tilespmem:$0x18080] =	vst v63  }
0x4d0: {  	_ = 	snop  }
0x4d1: {  	[hbm4b:s14+s4] =	stream.indirect_vreg.scatter [tilespmem:s26], [sflag:$0x6], $0x80, v6, vm0, $0xb8;
	[tilespmem:$0x18080] =	vst v63  }
0x4d2: {  	_ = 	snop  }
0x4d3: {  	[hbm4b:s3+s4] =	stream.indirect_vreg.scatter [tilespmem:s28], [sflag:$0x6], $0x80, v4, vm0, $0xb8;
	[tilespmem:$0x18080] =	vst v63  }
0x4d4: {  	_ = 	snop  }
0x4d5: {  	[hbm4b:s8+s4] =	stream.indirect_vreg.scatter [tilespmem:s29], [sflag:$0x6], $0x80, v4, vm0, $0xb8;
	[tilespmem:$0x18080] =	vst v63  }
0x4d6: {  	_ = 	snop  }
0x4d7: {  	[hbm4b:s9+s4] =	stream.indirect_vreg.scatter [tilespmem:s30], [sflag:$0x6], $0x80, v4, vm0, $0xb8;
	[tilespmem:$0x18080] =	vst v63  }
0x4d8: {  	_ = 	snop  }
0x4d9: {  	[hbm4b:s10+s4] =	stream.indirect_vreg.scatter [tilespmem:s31], [sflag:$0x6], $0x80, v4, vm0, $0xb8;
	[tilespmem:$0x18080] =	vst v63  }
0x4da: {  	_ = 	snop  }
0x4db: {  	[hbm4b:s11+s4] =	stream.indirect_vreg.scatter [tilespmem:s0], [sflag:$0x6], $0x80, v4, vm0, $0xb8;
	[tilespmem:$0x18080] =	vst v63  }
0x4dc: {  	_ = 	snop  }
0x4dd: {  	[hbm4b:s12+s4] =	stream.indirect_vreg.scatter [tilespmem:s2], [sflag:$0x6], $0x80, v4, vm0, $0xb8;
	[tilespmem:$0x18080] =	vst v63  }
0x4de: {  	_ = 	snop  }
0x4df: {  	[hbm4b:s13+s4] =	stream.indirect_vreg.scatter [tilespmem:s1], [sflag:$0x6], $0x80, v4, vm0, $0xb8;
	[tilespmem:$0x18080] =	vst v63  }
0x4e0: {  	_ = 	snop  }
0x4e1: {  	[hbm4b:s14+s4] =	stream.indirect_vreg.scatter [tilespmem:s6], [sflag:$0x6], $0x80, v4, vm0, $0xb8;
	[tilespmem:$0x18080] =	vst v63  }
.LBB2_58:
0x4e2: {  	s7 =	rddreg [dreg:$0x1a]  }
0x4e3: {  	s21 =	smov.u32 s20;
	p0 =	sgt.s32 s7, s20  }
0x4e4: {  	s18 =	rddreg [dreg:$0x19];
	s21 =	smov.u32 @p0 s7  }
0x4e5: {  	s7 =	ssub.s32 s18, s21  }
0x4e6: {  	p0 =	sgt.s32 s7, $0x0  }
0x4e7: {  	s7 =	simm.s32 @!p0 $0x0  }
0x4e8: {  	s18 =	sadd.s32 $0xF, s7  }
0x4e9: {  	s15 =	smov.u32 s20;
	s20 =	sand.u32 $0xF, s18  }
0x4ea: {  	p1 =	slt.s32 s18, $0x0;
	p6 =	sne.s32 s20, $0x0;
	s20 =	sshra.s32 s18, $0x1F  }
0x4eb: {  	s20 =	sshrl.u32 s20, $0x1C;
	p0 =	por !p1, !p6  }
0x4ec: {  	s18 =	sadd.s32 s20, s18;
	p0 =	por !p0, !p0;
	s20 =	simm.s32 $0x1  }
0x4ed: {  	s18 =	sshra.s32 s18, $0x4;
	s20 =	simm.s32 @!p0 $0x0  }
0x4ee: {  	s18 =	ssub.s32 s18, s20  }
0x4ef: {  	p0 =	slt.s32 s18, $0x1  }
.Ltmp41:
0x4f0: {  	_ = 	snop;
	(pc) =	sbr.rel @p0 .LBB2_64-.Ltmp41, $1  }
0x4f1: {  	_ =	sdelay $0x3  }
0x4f2: {  	[smem:$0x7DC] =	sst s18  }
0x4f3: {  	s20 =	rddreg [dreg:$0x14]  }
0x4f4: {  	s18 =	smov.u32 s15;
	s15 =	rddreg [dreg:$0xc];
	s20 =	sadd.s32 s21, s20  }
0x4f5: {  	s20 =	sadd.s32 s15, s20;
	s15 =	rddreg [dreg:$0xd]  }
0x4f6: {  	s20 =	sadd.s32 s15, s20;
	s15 =	rddreg [dreg:$0xe]  }
0x4f7: {  	s20 =	sadd.s32 s15, s20;
	s15 =	rddreg [dreg:$0xf]  }
0x4f8: {  	s20 =	sadd.s32 s15, s20;
	s15 =	rddreg [dreg:$0x10]  }
0x4f9: {  	s21 =	ssub.s32 s21, s18;
	s20 =	sadd.s32 s15, s20;
	s15 =	rddreg [dreg:$0x13]  }
0x4fa: {  	s21 =	sadd.s32 s15, s21;
	s15 =	rddreg [dreg:$0x11]  }
0x4fb: {  	s20 =	sadd.s32 s15, s20;
	s7 =	sadd.s32 s7, s21;
	s21 =	rddreg [dreg:$0x12]  }
0x4fc: {  	s20 =	sadd.s32 s21, s20  }
0x4fd: {  	s7 =	sadd.s32 $0xFFFFFFFF, s7;
	s20 =	ssub.s32 s20, s18  }
0x4fe: {  	s18 =	sld [smem:$0x7DC];
	v4 =	vmov s7;
	v5 =	vadd.s32 s20, v0  }
0x4ff: {  	vm1 =	vlt.s32 v5, v4  }
0x500: {  	v5 =	vsel vm1, v5, v4  }
0x501: {  	p1 =	sne.s32 s18, $0x1;
	v6 =	vshll.u32 v5, $0x4  }
.Ltmp42:
0x502: {  	v5 =	vand.u32 $0x7, v5;
	v6 =	vand.u32 $0xFFFFFF80, v6;
	(pc) =	sbr.rel @!p1 .LBB2_60-.Ltmp42, $3  }
0x503: {  	v5 =	vor.u32 v5, v6  }
0x504: {  	v6 =	vperm.xlane v5, v1;
	_ =	sdelay $0x1  }
0x505: {  	p0 =	por $0x0, $0x0;
	s7 =	sadd.s32 $0xFFFFFFFF, s18;
	v7 =	vperm.xlane v5, v3;
	v6 =	vadd.s32 v2, v6  }
0x506: {  	_ =	sdelay $0x3  }
0x507: {  	[hbm4b:s3+s4] =	stream.indirect_vreg.scatter [tilespmem:s19], [sflag:$0x6], $0x80, v6, vm0, $0xb8;
	[tilespmem:$0x18080] =	vst v63  }
0x508: {  	_ = 	snop  }
0x509: {  	[hbm4b:s8+s4] =	stream.indirect_vreg.scatter [tilespmem:s16], [sflag:$0x6], $0x80, v6, vm0, $0xb8;
	[tilespmem:$0x18080] =	vst v63  }
0x50a: {  	_ = 	snop  }
0x50b: {  	[hbm4b:s9+s4] =	stream.indirect_vreg.scatter [tilespmem:s5], [sflag:$0x6], $0x80, v6, vm0, $0xb8;
	[tilespmem:$0x18080] =	vst v63  }
0x50c: {  	_ = 	snop  }
0x50d: {  	[hbm4b:s10+s4] =	stream.indirect_vreg.scatter [tilespmem:s22], [sflag:$0x6], $0x80, v6, vm0, $0xb8;
	[tilespmem:$0x18080] =	vst v63  }
0x50e: {  	_ = 	snop  }
0x50f: {  	[hbm4b:s11+s4] =	stream.indirect_vreg.scatter [tilespmem:s23], [sflag:$0x6], $0x80, v6, vm0, $0xb8;
	[tilespmem:$0x18080] =	vst v63  }
0x510: {  	_ = 	snop  }
0x511: {  	[hbm4b:s12+s4] =	stream.indirect_vreg.scatter [tilespmem:s24], [sflag:$0x6], $0x80, v6, vm0, $0xb8;
	[tilespmem:$0x18080] =	vst v63  }
0x512: {  	v5 =	vadd.s32 v2, v7  }
0x513: {  	[hbm4b:s13+s4] =	stream.indirect_vreg.scatter [tilespmem:s25], [sflag:$0x6], $0x80, v6, vm0, $0xb8;
	[tilespmem:$0x18080] =	vst v63  }
0x514: {  	_ = 	snop  }
0x515: {  	[hbm4b:s14+s4] =	stream.indirect_vreg.scatter [tilespmem:s26], [sflag:$0x6], $0x80, v6, vm0, $0xb8;
	[tilespmem:$0x18080] =	vst v63  }
0x516: {  	_ = 	snop  }
0x517: {  	[hbm4b:s3+s4] =	stream.indirect_vreg.scatter [tilespmem:s28], [sflag:$0x6], $0x80, v5, vm0, $0xb8;
	[tilespmem:$0x18080] =	vst v63  }
0x518: {  	_ = 	snop  }
0x519: {  	[hbm4b:s8+s4] =	stream.indirect_vreg.scatter [tilespmem:s29], [sflag:$0x6], $0x80, v5, vm0, $0xb8;
	[tilespmem:$0x18080] =	vst v63  }
0x51a: {  	s20 =	sadd.s32 $0x10, s20  }
0x51b: {  	v6 =	vadd.s32 s20, v0;
	[hbm4b:s9+s4] =	stream.indirect_vreg.scatter [tilespmem:s30], [sflag:$0x6], $0x80, v5, vm0, $0xb8;
	[tilespmem:$0x18080] =	vst v63  }
0x51c: {  	vm1 =	vlt.s32 v6, v4  }
0x51d: {  	v6 =	vsel vm1, v6, v4;
	[hbm4b:s10+s4] =	stream.indirect_vreg.scatter [tilespmem:s31], [sflag:$0x6], $0x80, v5, vm0, $0xb8;
	[tilespmem:$0x18080] =	vst v63  }
0x51e: {  	p1 =	sne.s32 s7, $0x1;
	v7 =	vshll.u32 v6, $0x4  }
0x51f: {  	v6 =	vand.u32 $0x7, v6;
	v7 =	vand.u32 $0xFFFFFF80, v7;
	[hbm4b:s11+s4] =	stream.indirect_vreg.scatter [tilespmem:s0], [sflag:$0x6], $0x80, v5, vm0, $0xb8;
	[tilespmem:$0x18080] =	vst v63  }
.Ltmp43:
0x520: {  	v6 =	vor.u32 v6, v7;
	(pc) =	sbr.rel @!p1 .LBB2_63-.Ltmp43, $4  }
0x521: {  	v8 =	vperm.xlane v6, v1  }
0x522: {  	[hbm4b:s12+s4] =	stream.indirect_vreg.scatter [tilespmem:s2], [sflag:$0x6], $0x80, v5, vm0, $0xb8;
	[tilespmem:$0x18080] =	vst v63  }
0x523: {  	s7 =	sadd.s32 $0xFFFFFFFF, s7;
	p0 =	por $0x1, $0x1;
	v7 =	vperm.xlane v6, v3;
	v6 =	vadd.s32 v2, v8  }
0x524: {  	[hbm4b:s13+s4] =	stream.indirect_vreg.scatter [tilespmem:s1], [sflag:$0x6], $0x80, v5, vm0, $0xb8;
	[tilespmem:$0x18080] =	vst v63  }
.LBB2_62:
0x525: {  	_ = 	snop  }
0x526: {  	[hbm4b:s14+s4] =	stream.indirect_vreg.scatter [tilespmem:s6], [sflag:$0x6], $0x80, v5, vm0, $0xb8;
	[tilespmem:$0x18080] =	vst v63  }
0x527: {  	p1 =	sne.s32 s7, $0x1;
	s7 =	sadd.s32 $0xFFFFFFFF, s7  }
0x528: {  	[hbm4b:s3+s4] =	stream.indirect_vreg.scatter [tilespmem:s19], [sflag:$0x6], $0x80, v6, vm0, $0xb8;
	[tilespmem:$0x18080] =	vst v63  }
0x529: {  	_ = 	snop  }
0x52a: {  	[hbm4b:s8+s4] =	stream.indirect_vreg.scatter [tilespmem:s16], [sflag:$0x6], $0x80, v6, vm0, $0xb8;
	[tilespmem:$0x18080] =	vst v63  }
0x52b: {  	_ = 	snop  }
0x52c: {  	[hbm4b:s9+s4] =	stream.indirect_vreg.scatter [tilespmem:s5], [sflag:$0x6], $0x80, v6, vm0, $0xb8;
	[tilespmem:$0x18080] =	vst v63  }
0x52d: {  	_ = 	snop  }
0x52e: {  	[hbm4b:s10+s4] =	stream.indirect_vreg.scatter [tilespmem:s22], [sflag:$0x6], $0x80, v6, vm0, $0xb8;
	[tilespmem:$0x18080] =	vst v63  }
0x52f: {  	_ = 	snop  }
0x530: {  	[hbm4b:s11+s4] =	stream.indirect_vreg.scatter [tilespmem:s23], [sflag:$0x6], $0x80, v6, vm0, $0xb8;
	[tilespmem:$0x18080] =	vst v63  }
0x531: {  	_ = 	snop  }
0x532: {  	[hbm4b:s12+s4] =	stream.indirect_vreg.scatter [tilespmem:s24], [sflag:$0x6], $0x80, v6, vm0, $0xb8;
	[tilespmem:$0x18080] =	vst v63  }
0x533: {  	v5 =	vadd.s32 v2, v7  }
0x534: {  	[hbm4b:s13+s4] =	stream.indirect_vreg.scatter [tilespmem:s25], [sflag:$0x6], $0x80, v6, vm0, $0xb8;
	[tilespmem:$0x18080] =	vst v63  }
0x535: {  	_ = 	snop  }
0x536: {  	[hbm4b:s14+s4] =	stream.indirect_vreg.scatter [tilespmem:s26], [sflag:$0x6], $0x80, v6, vm0, $0xb8;
	[tilespmem:$0x18080] =	vst v63  }
0x537: {  	_ = 	snop  }
0x538: {  	[hbm4b:s3+s4] =	stream.indirect_vreg.scatter [tilespmem:s28], [sflag:$0x6], $0x80, v5, vm0, $0xb8;
	[tilespmem:$0x18080] =	vst v63  }
0x539: {  	s20 =	sadd.s32 $0x10, s20  }
0x53a: {  	[hbm4b:s8+s4] =	stream.indirect_vreg.scatter [tilespmem:s29], [sflag:$0x6], $0x80, v5, vm0, $0xb8;
	[tilespmem:$0x18080] =	vst v63  }
0x53b: {  	v6 =	vadd.s32 s20, v0  }
0x53c: {  	vm1 =	vlt.s32 v6, v4;
	[hbm4b:s9+s4] =	stream.indirect_vreg.scatter [tilespmem:s30], [sflag:$0x6], $0x80, v5, vm0, $0xb8;
	[tilespmem:$0x18080] =	vst v63  }
0x53d: {  	v6 =	vsel vm1, v6, v4  }
0x53e: {  	v7 =	vshll.u32 v6, $0x4;
	[hbm4b:s10+s4] =	stream.indirect_vreg.scatter [tilespmem:s31], [sflag:$0x6], $0x80, v5, vm0, $0xb8;
	[tilespmem:$0x18080] =	vst v63  }
0x53f: {  	v6 =	vand.u32 $0x7, v6;
	v7 =	vand.u32 $0xFFFFFF80, v7  }
0x540: {  	[hbm4b:s11+s4] =	stream.indirect_vreg.scatter [tilespmem:s0], [sflag:$0x6], $0x80, v5, vm0, $0xb8;
	[tilespmem:$0x18080] =	vst v63  }
.Ltmp44:
0x541: {  	v6 =	vor.u32 v6, v7;
	(pc) =	sbr.rel @p1 .LBB2_62-.Ltmp44, $4  }
0x542: {  	v8 =	vperm.xlane v6, v1;
	v7 =	vperm.xlane v6, v3  }
0x543: {  	[hbm4b:s12+s4] =	stream.indirect_vreg.scatter [tilespmem:s2], [sflag:$0x6], $0x80, v5, vm0, $0xb8;
	[tilespmem:$0x18080] =	vst v63  }
0x544: {  	v6 =	vadd.s32 v2, v8  }
0x545: {  	[hbm4b:s13+s4] =	stream.indirect_vreg.scatter [tilespmem:s1], [sflag:$0x6], $0x80, v5, vm0, $0xb8;
	[tilespmem:$0x18080] =	vst v63  }
.LBB2_63:
0x546: {  	_ =	sdelay $0x3  }
0x547: {  	[hbm4b:s14+s4] =	stream.indirect_vreg.scatter @p0 [tilespmem:s6], [sflag:$0x6], $0x80, v5, vm0, $0xb8;
	[tilespmem:$0x18080] =	vst v63  }
0x548: {  	_ = 	snop  }
0x549: {  	[hbm4b:s3+s4] =	stream.indirect_vreg.scatter [tilespmem:s19], [sflag:$0x6], $0x80, v6, vm0, $0xb8;
	[tilespmem:$0x18080] =	vst v63  }
0x54a: {  	_ = 	snop  }
0x54b: {  	[hbm4b:s8+s4] =	stream.indirect_vreg.scatter [tilespmem:s16], [sflag:$0x6], $0x80, v6, vm0, $0xb8;
	[tilespmem:$0x18080] =	vst v63  }
0x54c: {  	_ = 	snop  }
0x54d: {  	[hbm4b:s9+s4] =	stream.indirect_vreg.scatter [tilespmem:s5], [sflag:$0x6], $0x80, v6, vm0, $0xb8;
	[tilespmem:$0x18080] =	vst v63  }
0x54e: {  	_ = 	snop  }
0x54f: {  	[hbm4b:s10+s4] =	stream.indirect_vreg.scatter [tilespmem:s22], [sflag:$0x6], $0x80, v6, vm0, $0xb8;
	[tilespmem:$0x18080] =	vst v63  }
0x550: {  	_ = 	snop  }
0x551: {  	[hbm4b:s11+s4] =	stream.indirect_vreg.scatter [tilespmem:s23], [sflag:$0x6], $0x80, v6, vm0, $0xb8;
	[tilespmem:$0x18080] =	vst v63  }
0x552: {  	_ = 	snop  }
0x553: {  	[hbm4b:s12+s4] =	stream.indirect_vreg.scatter [tilespmem:s24], [sflag:$0x6], $0x80, v6, vm0, $0xb8;
	[tilespmem:$0x18080] =	vst v63  }
0x554: {  	v4 =	vadd.s32 v2, v7  }
0x555: {  	[hbm4b:s13+s4] =	stream.indirect_vreg.scatter [tilespmem:s25], [sflag:$0x6], $0x80, v6, vm0, $0xb8;
	[tilespmem:$0x18080] =	vst v63  }
0x556: {  	_ = 	snop  }
0x557: {  	[hbm4b:s14+s4] =	stream.indirect_vreg.scatter [tilespmem:s26], [sflag:$0x6], $0x80, v6, vm0, $0xb8;
	[tilespmem:$0x18080] =	vst v63  }
0x558: {  	_ = 	snop  }
0x559: {  	[hbm4b:s3+s4] =	stream.indirect_vreg.scatter [tilespmem:s28], [sflag:$0x6], $0x80, v4, vm0, $0xb8;
	[tilespmem:$0x18080] =	vst v63  }
0x55a: {  	_ = 	snop  }
0x55b: {  	[hbm4b:s8+s4] =	stream.indirect_vreg.scatter [tilespmem:s29], [sflag:$0x6], $0x80, v4, vm0, $0xb8;
	[tilespmem:$0x18080] =	vst v63  }
0x55c: {  	_ = 	snop  }
0x55d: {  	[hbm4b:s9+s4] =	stream.indirect_vreg.scatter [tilespmem:s30], [sflag:$0x6], $0x80, v4, vm0, $0xb8;
	[tilespmem:$0x18080] =	vst v63  }
0x55e: {  	_ = 	snop  }
0x55f: {  	[hbm4b:s10+s4] =	stream.indirect_vreg.scatter [tilespmem:s31], [sflag:$0x6], $0x80, v4, vm0, $0xb8;
	[tilespmem:$0x18080] =	vst v63  }
0x560: {  	_ = 	snop  }
0x561: {  	[hbm4b:s11+s4] =	stream.indirect_vreg.scatter [tilespmem:s0], [sflag:$0x6], $0x80, v4, vm0, $0xb8;
	[tilespmem:$0x18080] =	vst v63  }
0x562: {  	_ = 	snop  }
0x563: {  	[hbm4b:s12+s4] =	stream.indirect_vreg.scatter [tilespmem:s2], [sflag:$0x6], $0x80, v4, vm0, $0xb8;
	[tilespmem:$0x18080] =	vst v63  }
0x564: {  	_ = 	snop  }
0x565: {  	[hbm4b:s13+s4] =	stream.indirect_vreg.scatter [tilespmem:s1], [sflag:$0x6], $0x80, v4, vm0, $0xb8;
	[tilespmem:$0x18080] =	vst v63  }
0x566: {  	_ = 	snop  }
0x567: {  	[hbm4b:s14+s4] =	stream.indirect_vreg.scatter [tilespmem:s6], [sflag:$0x6], $0x80, v4, vm0, $0xb8;
	[tilespmem:$0x18080] =	vst v63  }
.LBB2_64:
0x568: {  	s7 =	rddreg [dreg:$0x1b]  }
0x569: {  	s15 =	rddreg [dreg:$0x15]  }
0x56a: {  	s20 =	rddreg [dreg:$0x1f]  }
0x56b: {  	s21 =	sld [smem:$0x7E0];
	s7 =	sadd.s32 s18, s7  }
0x56c: {  	s18 =	sld [smem:$0x7DF];
	s7 =	sadd.s32 s15, s7  }
0x56d: {  	s7 =	sadd.s32 s20, s7;
	s20 =	sld [smem:$0x7DE]  }
0x56e: {  	s7 =	sadd.s32 s21, s7;
	s21 =	sld [smem:$0x7DD]  }
0x56f: {  	s7 =	sadd.s32 s18, s7  }
0x570: {  	s7 =	sadd.s32 s20, s7  }
0x571: {  	s7 =	sadd.s32 s21, s7  }
0x572: {  	p0 =	slt.s32 s7, $0x1  }
.Ltmp45:
0x573: {  	_ = 	snop;
	(pc) =	sbr.rel @p0 .LBB2_68-.Ltmp45, $2  }
0x574: {  	_ =	sdelay $0x2  }
0x575: {  	s15 =	simm.s32 $0x0;
	s18 =	rddreg [dreg:$0xb]  }
0x576: {  	s15 =	sadd.s32 $0x1, s15  }
0x577: {  	p0 =	slt.s32 s15, s7  }
.Ltmp46:
0x578: {  	_ = 	snop;
	(pc) =	sbr.rel @!p0 .LBB2_67-.Ltmp46, $3  }
0x579: {  	_ =	sdelay $0x1  }
0x57a: {  	_ =	swait.ge [sflag:s17], $0x8000  }
0x57b: {  	[sflag:s17] =	ssyncset.done $0x0  }
.LBB2_66:
0x57c: {  	s15 =	sadd.s32 $0x1, s15  }
0x57d: {  	[sflag:s17] =	ssyncadd.s32 $0xFFFF8000;
	p0 =	slt.s32 s15, s7  }
.Ltmp47:
0x57e: {  	(pc) =	sbr.rel @p0 .LBB2_66-.Ltmp47, $3  }
0x57f: {  	_ =	sdelay $0x1  }
0x580: {  	_ =	swait.ge [sflag:s17], $0x8000  }
0x581: {  	[sflag:s17] =	ssyncset.done $0x0  }
.Ltmp48:
0x582: {  	_ = 	snop;
	(pc) =	sbr.rel .LBB2_67-.Ltmp48, $1  }
0x583: {  	_ =	sdelay $0x3  }
.LBB2_16:
.Ltmp49:
0x584: {  	(pc) =	sbr.rel .LBB2_19-.Ltmp49, $2  }
0x585: {  	_ =	sdelay $0x2  }
0x586: {  	_ = 	snop  }
.LBB2_22:
.Ltmp50:
0x587: {  	(pc) =	sbr.rel .LBB2_25-.Ltmp50, $2  }
0x588: {  	_ =	sdelay $0x2  }
0x589: {  	_ = 	snop  }
.LBB2_28:
.Ltmp51:
0x58a: {  	(pc) =	sbr.rel .LBB2_31-.Ltmp51, $2  }
0x58b: {  	_ =	sdelay $0x2  }
0x58c: {  	_ = 	snop  }
.LBB2_34:
.Ltmp52:
0x58d: {  	(pc) =	sbr.rel .LBB2_37-.Ltmp52, $2  }
0x58e: {  	_ =	sdelay $0x2  }
0x58f: {  	_ = 	snop  }
.LBB2_40:
.Ltmp53:
0x590: {  	(pc) =	sbr.rel .LBB2_43-.Ltmp53, $2  }
0x591: {  	_ =	sdelay $0x2  }
0x592: {  	_ = 	snop  }
.LBB2_46:
.Ltmp54:
0x593: {  	(pc) =	sbr.rel .LBB2_49-.Ltmp54, $2  }
0x594: {  	_ =	sdelay $0x2  }
0x595: {  	_ = 	snop  }
.LBB2_52:
.Ltmp55:
0x596: {  	(pc) =	sbr.rel .LBB2_57-.Ltmp55, $2  }
0x597: {  	_ =	sdelay $0x2  }
0x598: {  	s20 =	rddreg [dreg:$0x18]  }
.LBB2_60:
.Ltmp56:
0x599: {  	(pc) =	sbr.rel .LBB2_63-.Ltmp56, $2  }
0x59a: {  	_ =	sdelay $0x2  }
0x59b: {  	_ = 	snop  }
.LBB2_54:
.Ltmp57:
0x59c: {  	(pc) =	sbr.rel .LBB2_57-.Ltmp57, $2  }
0x59d: {  	_ =	sdelay $0x2  }
0x59e: {  	s20 =	rddreg [dreg:$0x18]  }
.LBB2_69:
0x59f: {  	_ =	sfence.sel $0x180000  }
0x5a0: {  	[bflag:$0x0] =	sbarrier.arrive $0xFFFF  }
0x5a1: {  	_ =	strace $0x90000047  }
0x5a2: {  	s0 =	stileid.u32;
	[bflag:$0x2] =	sbarrier.arrive $0xFFFF  }
0x5a3: {  	p0 =	sne.s32 s0, $0x0;
	s0 =	rddreg [dreg:$0x4]  }
0x5a4: {  	s0 =	sadd.s32 @!p0 $0x100000, s0  }
0x5a5: {  	[sflag:s0] =	ssyncadd.tile.s32 @!p0 $0x1;
	_ =	shalt  }
.Lfunc_end2:
_tile_overlayer_lowered:
.L_overlay_start_2:
0x5a6: {  	(tag) =	ssettag $0x2  }
0x5a7: {  	s0 =	rddreg [dreg:$0x0];
	s2 =	stileid.u32  }
0x5a8: {  	s1 =	rddreg [dreg:$0x1];
	p0 =	sne.s32 s2, $0x0  }
0x5a9: {  	s3 =	rddreg [dreg:$0x2];
	[bflag:$0x3] =	sbarrier.arrive $0xFFFF;
	s2 =	simm.s32 @!p0 $0x1C07  }
0x5aa: {  	[timem:s3], [sflag:s2] =	dma.local @!p0 [hbm:s0], s1  }
0x5ab: {  	s0 =	simm.s32 @!p0 $0x7  }
0x5ac: {  	_ =	swait.ge @!p0 [sflag:s0], s1  }
0x5ad: {  	s1 =	ssub.s32 @!p0 $0x0, s1;
	[sflag:s0] =	ssyncset.done @!p0 $0x0  }
0x5ae: {  	[sflag:s0] =	ssyncadd.s32 @!p0 s1  }
0x5af: {  	[bflag:$0x3] =	sbarrier.arrive $0xFFFF  }
0x5b0: {  	_ =	shalt  }

</sc_bundles>
